<compile_context>
chip_gen: v7x
topology: tpu7x:2x2x1
jax: 0.10.2.dev20260603
libtpu: 0.0.44.dev20260713+nightly
codegen_flags: <defaults>
</compile_context>

<pallas_src>
import functools

import jax
import jax.numpy as jnp
from jax import lax
from jax.experimental import pallas as pl
from jax.experimental.pallas import tpu as pltpu
from jax.experimental.pallas import tpu_sc as plsc

N_ROWS = 32768
D_MODEL = 2048
NC = 2
NS = 16
LANES = 16
NW = NC * NS
ROWS_W = N_ROWS // NW
CHUNK = 4
NBUF = 4
GROUP = NBUF * CHUNK
N_GROUPS = ROWS_W // GROUP
COLV = D_MODEL // LANES


def _sc_body(x_hbm, mask_hbm, g_hbm, b_hbm, out_hbm,
             mask_v, g_v, b_v, tmp32, bufs, sems):
    ins, outs = bufs[:NBUF], bufs[NBUF:]
    sins, souts = sems[:NBUF], sems[NBUF:]
    w = lax.axis_index("s") * NC + lax.axis_index("c")
    base = w * ROWS_W

    def _in_copy(j, r0):
        return pltpu.make_async_copy(
            x_hbm.at[pl.ds(pl.multiple_of(r0, CHUNK), CHUNK)], ins[j], sins[j])

    def _out_copy(j, r0):
        return pltpu.make_async_copy(
            outs[j], out_hbm.at[pl.ds(pl.multiple_of(r0, CHUNK), CHUNK)],
            souts[j])

    for j in range(NBUF):
        _in_copy(j, base + j * CHUNK).start()
    pltpu.sync_copy(mask_hbm, mask_v)
    pltpu.sync_copy(g_hbm, g_v)
    pltpu.sync_copy(b_hbm, b_v)

    @plsc.parallel_loop(0, N_ROWS // (8 * LANES),
                        carry=jnp.zeros((LANES,), jnp.int32))
    def accv(i, acc):
        for u in range(8):
            off = pl.multiple_of((i * 8 + u) * LANES, LANES)
            acc = jnp.maximum(acc, mask_v[pl.ds(off, LANES)])
        return acc

    tmp32[pl.ds(0, LANES)] = accv
    tmp32[pl.ds(LANES, LANES)] = accv
    for k in range(1, LANES):
        accv = jnp.maximum(accv, tmp32[pl.ds(k, LANES)])
    no_skip = accv[0] == 0

    def _compute(src, dst, mv16, j):
        @plsc.parallel_loop(0, COLV, unroll=2)
        def _col(c):
            off = pl.multiple_of(c * LANES, LANES)
            g = g_v[pl.ds(off, LANES)]
            b = b_v[pl.ds(off, LANES)]
            for r in range(CHUNK):
                x = src[r, pl.ds(off, LANES)]
                dst[r, pl.ds(off, LANES)] = x * g + b

        for r in range(CHUNK):
            m = mv16[j * CHUNK + r]

            @pl.when(jnp.logical_or(m != 0, no_skip))
            def _():
                @plsc.parallel_loop(0, COLV, unroll=4)
                def _cp(c):
                    off = pl.multiple_of(c * LANES, LANES)
                    dst[r, pl.ds(off, LANES)] = src[r, pl.ds(off, LANES)]

    def _group(qi, carry):
        g0 = base + qi * GROUP
        mv16 = mask_v[pl.ds(pl.multiple_of(g0, GROUP), GROUP)]
        for j in range(NBUF):
            r0 = g0 + j * CHUNK
            _in_copy(j, r0).wait()

            @pl.when(qi > 0)
            def _():
                _out_copy(j, r0).wait()

            _compute(ins[j], outs[j], mv16, j)
            _out_copy(j, r0).start()

            @pl.when(qi < N_GROUPS - 1)
            def _():
                _in_copy(j, r0 + GROUP).start()

        return carry

    lax.fori_loop(0, N_GROUPS, _group, 0)
    for j in range(NBUF):
        _out_copy(j, base).wait()


@functools.partial(
    pl.kernel,
    mesh=plsc.VectorSubcoreMesh(core_axis_name="c", subcore_axis_name="s"),
    out_type=jax.ShapeDtypeStruct((N_ROWS, D_MODEL), jnp.float32),
    scratch_types=[
        pltpu.VMEM((N_ROWS,), jnp.int32),
        pltpu.VMEM((D_MODEL,), jnp.float32),
        pltpu.VMEM((D_MODEL,), jnp.float32),
        pltpu.VMEM((2 * LANES,), jnp.int32),
    ] + [pltpu.VMEM((CHUNK, D_MODEL), jnp.float32)] * (2 * NBUF)
      + [pltpu.SemaphoreType.DMA] * (2 * NBUF),
)
def _sc_kernel(x_hbm, mask_hbm, g_hbm, b_hbm, out_hbm,
               mask_v, g_v, b_v, tmp32, *rest):
    bufs = rest[:2 * NBUF]
    sems = rest[2 * NBUF:]
    _sc_body(x_hbm, mask_hbm, g_hbm, b_hbm, out_hbm,
             mask_v, g_v, b_v, tmp32, bufs, sems)


def kernel(hidden_states, layer_idx, skip_mask, gamma, beta):
    del layer_idx
    mask_i32 = skip_mask.astype(jnp.int32)
    out = _sc_kernel(hidden_states, mask_i32, gamma, beta)
    return (out, skip_mask)

# --- scband reference (transcript-rebuilt; emitter-appended) ---
"""Pipeline reference for scband-quadratic-schedule-layer-skipping-30631706755706 (READ-ONLY COPY).

The authoritative reference and input builder live on the scoring server;
editing this copy changes nothing except your own understanding.
"""

import jax, jax.numpy as jnp
import numpy as np

NUM_LAYERS = 32
QUADRATIC_CONSTANT = 0.3
LAYER_IDX = 16
N_ROWS = 32768
D_MODEL = 2048


def setup_inputs(seed: int = 0) -> dict:
    key = jax.random.key(seed)
    k1, k2, k3, k4 = jax.random.split(key, 4)
    hidden_states = jax.random.normal(k1, (N_ROWS, D_MODEL), dtype=jnp.float32)
    # training-mode skip mask drawn with the quadratic-schedule probability
    # p_l = c * (l / (L - 1))**2  (matches _compute_quadratic_dropout)
    skip_prob = QUADRATIC_CONSTANT * (LAYER_IDX / (NUM_LAYERS - 1)) ** 2
    skip_mask = jax.random.uniform(k2, (N_ROWS,), dtype=jnp.float32) < skip_prob
    # layer_fn parameters: elementwise affine layer (gamma, beta)
    gamma = 1.0 + 0.02 * jax.random.normal(k3, (D_MODEL,), dtype=jnp.float32)
    beta = 0.02 * jax.random.normal(k4, (D_MODEL,), dtype=jnp.float32)
    return {
        "hidden_states": hidden_states,
        "layer_idx": LAYER_IDX,
        "skip_mask": skip_mask,
        "gamma": gamma,
        "beta": beta,
    }


def reference(hidden_states, layer_idx, skip_mask, gamma, beta):
    # layer_fn(x) = x * gamma + beta  (elementwise affine layer)
    del layer_idx  # probability already baked into skip_mask at setup time
    keep = ~skip_mask
    processed = hidden_states * gamma[None, :] + beta[None, :]
    updated = jnp.where(keep[:, None], processed, hidden_states)
    hidden_states = jnp.where(jnp.any(skip_mask), updated, hidden_states)
    return (hidden_states, skip_mask)

if __name__ == "__main__":
    import jax
    _d = setup_inputs()
    print(jax.jit(kernel)(*tuple(_d.values())))

</pallas_src>

<mosaic_0001>
#map = affine_map<(d0, d1) -> (0, 0)>
#map1 = affine_map<(d0, d1) -> (0)>
module attributes {stable_mosaic.version = 14 : i64} {
  func.func @_sc_kernel(%arg0: i32, %arg1: i32, %arg2: memref<32768x2048xf32, #tpu.memory_space<hbm>>, %arg3: memref<32768xi32, #tpu.memory_space<hbm>>, %arg4: memref<2048xf32, #tpu.memory_space<hbm>>, %arg5: memref<2048xf32, #tpu.memory_space<hbm>>, %arg6: memref<32768x2048xf32, #tpu.memory_space<hbm>>, %arg7: memref<32768xi32, #tpu.memory_space<vmem>>, %arg8: memref<2048xf32, #tpu.memory_space<vmem>>, %arg9: memref<2048xf32, #tpu.memory_space<vmem>>, %arg10: memref<32xi32, #tpu.memory_space<vmem>>, %arg11: memref<4x2048xf32, #tpu.memory_space<vmem>>, %arg12: memref<4x2048xf32, #tpu.memory_space<vmem>>, %arg13: memref<4x2048xf32, #tpu.memory_space<vmem>>, %arg14: memref<4x2048xf32, #tpu.memory_space<vmem>>, %arg15: memref<4x2048xf32, #tpu.memory_space<vmem>>, %arg16: memref<4x2048xf32, #tpu.memory_space<vmem>>, %arg17: memref<4x2048xf32, #tpu.memory_space<vmem>>, %arg18: memref<4x2048xf32, #tpu.memory_space<vmem>>, %arg19: memref<!tpu.dma_semaphore, #tpu.memory_space<semaphore_mem>>, %arg20: memref<!tpu.dma_semaphore, #tpu.memory_space<semaphore_mem>>, %arg21: memref<!tpu.dma_semaphore, #tpu.memory_space<semaphore_mem>>, %arg22: memref<!tpu.dma_semaphore, #tpu.memory_space<semaphore_mem>>, %arg23: memref<!tpu.dma_semaphore, #tpu.memory_space<semaphore_mem>>, %arg24: memref<!tpu.dma_semaphore, #tpu.memory_space<semaphore_mem>>, %arg25: memref<!tpu.dma_semaphore, #tpu.memory_space<semaphore_mem>>, %arg26: memref<!tpu.dma_semaphore, #tpu.memory_space<semaphore_mem>>) attributes {dimension_semantics = [#tpu.dimension_semantics<core_parallel>, #tpu.dimension_semantics<subcore_parallel>], iteration_bounds = array<i64: 2, 16>, scalar_prefetch = 0 : i64, scratch_operands = 20 : i64, tpu.core_type = #tpu.core_type<sc_vector_subcore>, window_params = [{transform_indices = #map}, {transform_indices = #map1}, {transform_indices = #map1}, {transform_indices = #map1}, {transform_indices = #map}]} {
    %mul3A = arith.constant 2 : i32
    %mul3A_0 = arith.muli %arg1, %mul3A : i32
    %add3A = arith.addi %mul3A_0, %arg0 : i32
    %mul3A_1 = arith.constant 1024 : i32
    %mul3A_2 = arith.muli %add3A, %mul3A_1 : i32
    %add3A_3 = arith.constant 0 : i32
    %add3A_4 = arith.addi %mul3A_2, %add3A_3 : i32
    %multiple_of3A = tpu.assume_multiple %add3A_4, 4 : i32
    %dma_start3A = arith.constant 0 : i32
    %dma_start3A_5 = tpu.memref_slice %arg2[%multiple_of3A, %dma_start3A] : memref<32768x2048xf32, #tpu.memory_space<hbm>> -> memref<4x2048xf32, #tpu.memory_space<hbm>>
    %dma_start3A_6 = arith.constant 0 : i32
    %dma_start3A_7 = tpu.memref_slice %arg2[%multiple_of3A, %dma_start3A_6] : memref<32768x2048xf32, #tpu.memory_space<hbm>> -> memref<4x2048xf32, #tpu.memory_space<hbm>>
    tpu.enqueue_dma source(%dma_start3A_7 : memref<4x2048xf32, #tpu.memory_space<hbm>>) target(%arg11 : memref<4x2048xf32, #tpu.memory_space<vmem>>) target_semaphore(%arg19 : memref<!tpu.dma_semaphore, #tpu.memory_space<semaphore_mem>>)
    %add3A_8 = arith.constant 4 : i32
    %add3A_9 = arith.addi %mul3A_2, %add3A_8 : i32
    %multiple_of3A_10 = tpu.assume_multiple %add3A_9, 4 : i32
    %dma_start3A_11 = arith.constant 0 : i32
    %dma_start3A_12 = tpu.memref_slice %arg2[%multiple_of3A_10, %dma_start3A_11] : memref<32768x2048xf32, #tpu.memory_space<hbm>> -> memref<4x2048xf32, #tpu.memory_space<hbm>>
    %dma_start3A_13 = arith.constant 0 : i32
    %dma_start3A_14 = tpu.memref_slice %arg2[%multiple_of3A_10, %dma_start3A_13] : memref<32768x2048xf32, #tpu.memory_space<hbm>> -> memref<4x2048xf32, #tpu.memory_space<hbm>>
    tpu.enqueue_dma source(%dma_start3A_14 : memref<4x2048xf32, #tpu.memory_space<hbm>>) target(%arg12 : memref<4x2048xf32, #tpu.memory_space<vmem>>) target_semaphore(%arg20 : memref<!tpu.dma_semaphore, #tpu.memory_space<semaphore_mem>>)
    %add3A_15 = arith.constant 8 : i32
    %add3A_16 = arith.addi %mul3A_2, %add3A_15 : i32
    %multiple_of3A_17 = tpu.assume_multiple %add3A_16, 4 : i32
    %dma_start3A_18 = arith.constant 0 : i32
    %dma_start3A_19 = tpu.memref_slice %arg2[%multiple_of3A_17, %dma_start3A_18] : memref<32768x2048xf32, #tpu.memory_space<hbm>> -> memref<4x2048xf32, #tpu.memory_space<hbm>>
    %dma_start3A_20 = arith.constant 0 : i32
    %dma_start3A_21 = tpu.memref_slice %arg2[%multiple_of3A_17, %dma_start3A_20] : memref<32768x2048xf32, #tpu.memory_space<hbm>> -> memref<4x2048xf32, #tpu.memory_space<hbm>>
    tpu.enqueue_dma source(%dma_start3A_21 : memref<4x2048xf32, #tpu.memory_space<hbm>>) target(%arg13 : memref<4x2048xf32, #tpu.memory_space<vmem>>) target_semaphore(%arg21 : memref<!tpu.dma_semaphore, #tpu.memory_space<semaphore_mem>>)
    %add3A_22 = arith.constant 12 : i32
    %add3A_23 = arith.addi %mul3A_2, %add3A_22 : i32
    %multiple_of3A_24 = tpu.assume_multiple %add3A_23, 4 : i32
    %dma_start3A_25 = arith.constant 0 : i32
    %dma_start3A_26 = tpu.memref_slice %arg2[%multiple_of3A_24, %dma_start3A_25] : memref<32768x2048xf32, #tpu.memory_space<hbm>> -> memref<4x2048xf32, #tpu.memory_space<hbm>>
    %dma_start3A_27 = arith.constant 0 : i32
    %dma_start3A_28 = tpu.memref_slice %arg2[%multiple_of3A_24, %dma_start3A_27] : memref<32768x2048xf32, #tpu.memory_space<hbm>> -> memref<4x2048xf32, #tpu.memory_space<hbm>>
    tpu.enqueue_dma source(%dma_start3A_28 : memref<4x2048xf32, #tpu.memory_space<hbm>>) target(%arg14 : memref<4x2048xf32, #tpu.memory_space<vmem>>) target_semaphore(%arg22 : memref<!tpu.dma_semaphore, #tpu.memory_space<semaphore_mem>>)
    "tpu.region"() ({
      %run_scoped3A = tpu.sem_alloc : memref<!tpu.dma_semaphore, #tpu.memory_space<semaphore_mem>>
      tpu.enqueue_dma source(%arg3 : memref<32768xi32, #tpu.memory_space<hbm>>) target(%arg7 : memref<32768xi32, #tpu.memory_space<vmem>>) target_semaphore(%run_scoped3A : memref<!tpu.dma_semaphore, #tpu.memory_space<semaphore_mem>>)
      tpu.wait_dma2 semaphore(%run_scoped3A : memref<!tpu.dma_semaphore, #tpu.memory_space<semaphore_mem>>) src(%arg3 : memref<32768xi32, #tpu.memory_space<hbm>>) dst(%arg7 : memref<32768xi32, #tpu.memory_space<vmem>>)
      tpu.yield
    }) : () -> ()
    "tpu.region"() ({
      %run_scoped3A = tpu.sem_alloc : memref<!tpu.dma_semaphore, #tpu.memory_space<semaphore_mem>>
      tpu.enqueue_dma source(%arg4 : memref<2048xf32, #tpu.memory_space<hbm>>) target(%arg8 : memref<2048xf32, #tpu.memory_space<vmem>>) target_semaphore(%run_scoped3A : memref<!tpu.dma_semaphore, #tpu.memory_space<semaphore_mem>>)
      tpu.wait_dma2 semaphore(%run_scoped3A : memref<!tpu.dma_semaphore, #tpu.memory_space<semaphore_mem>>) src(%arg4 : memref<2048xf32, #tpu.memory_space<hbm>>) dst(%arg8 : memref<2048xf32, #tpu.memory_space<vmem>>)
      tpu.yield
    }) : () -> ()
    "tpu.region"() ({
      %run_scoped3A = tpu.sem_alloc : memref<!tpu.dma_semaphore, #tpu.memory_space<semaphore_mem>>
      tpu.enqueue_dma source(%arg5 : memref<2048xf32, #tpu.memory_space<hbm>>) target(%arg9 : memref<2048xf32, #tpu.memory_space<vmem>>) target_semaphore(%run_scoped3A : memref<!tpu.dma_semaphore, #tpu.memory_space<semaphore_mem>>)
      tpu.wait_dma2 semaphore(%run_scoped3A : memref<!tpu.dma_semaphore, #tpu.memory_space<semaphore_mem>>) src(%arg5 : memref<2048xf32, #tpu.memory_space<hbm>>) dst(%arg9 : memref<2048xf32, #tpu.memory_space<vmem>>)
      tpu.yield
    }) : () -> ()
    %broadcast_in_dim3A = arith.constant 0 : i32
    %broadcast_in_dim3A_29 = vector.broadcast %broadcast_in_dim3A : i32 to vector<16xi32>
    %parallel_loop3A = arith.constant 0 : i32
    %parallel_loop3A_30 = arith.constant 256 : i32
    %parallel_loop3A_31 = arith.constant 1 : i32
    %parallel_loop3A_32 = scf.for %parallel_loop3A_123 = %parallel_loop3A to %parallel_loop3A_30 step %parallel_loop3A_31 iter_args(%parallel_loop3A_124 = %broadcast_in_dim3A_29) -> (vector<16xi32>)  : i32 {
      %parallel_loop3A_125 = arith.constant 8 : i32
      %parallel_loop3A_126 = arith.muli %parallel_loop3A_123, %parallel_loop3A_125 : i32
      %parallel_loop3A_127 = arith.constant 0 : i32
      %parallel_loop3A_128 = arith.addi %parallel_loop3A_126, %parallel_loop3A_127 : i32
      %parallel_loop3A_129 = arith.constant 16 : i32
      %parallel_loop3A_130 = arith.muli %parallel_loop3A_128, %parallel_loop3A_129 : i32
      %parallel_loop3A_131 = tpu.assume_multiple %parallel_loop3A_130, 16 : i32
      %parallel_loop3A_132 = arith.index_cast %parallel_loop3A_131 : i32 to index
      %parallel_loop3A_133 = tpu.vector_load %arg7[%parallel_loop3A_132] {strides = array<i32>} : memref<32768xi32, #tpu.memory_space<vmem>>, vector<16xi32>,
      %parallel_loop3A_134 = vector.shape_cast %parallel_loop3A_133 : vector<16xi32> to vector<16xi32>
      %parallel_loop3A_135 = arith.maxsi %parallel_loop3A_124, %parallel_loop3A_134 : vector<16xi32>
      %parallel_loop3A_136 = arith.constant 8 : i32
      %parallel_loop3A_137 = arith.muli %parallel_loop3A_123, %parallel_loop3A_136 : i32
      %parallel_loop3A_138 = arith.constant 1 : i32
      %parallel_loop3A_139 = arith.addi %parallel_loop3A_137, %parallel_loop3A_138 : i32
      %parallel_loop3A_140 = arith.constant 16 : i32
      %parallel_loop3A_141 = arith.muli %parallel_loop3A_139, %parallel_loop3A_140 : i32
      %parallel_loop3A_142 = tpu.assume_multiple %parallel_loop3A_141, 16 : i32
      %parallel_loop3A_143 = arith.index_cast %parallel_loop3A_142 : i32 to index
      %parallel_loop3A_144 = tpu.vector_load %arg7[%parallel_loop3A_143] {strides = array<i32>} : memref<32768xi32, #tpu.memory_space<vmem>>, vector<16xi32>,
      %parallel_loop3A_145 = vector.shape_cast %parallel_loop3A_144 : vector<16xi32> to vector<16xi32>
      %parallel_loop3A_146 = arith.maxsi %parallel_loop3A_135, %parallel_loop3A_145 : vector<16xi32>
      %parallel_loop3A_147 = arith.constant 8 : i32
      %parallel_loop3A_148 = arith.muli %parallel_loop3A_123, %parallel_loop3A_147 : i32
      %parallel_loop3A_149 = arith.constant 2 : i32
      %parallel_loop3A_150 = arith.addi %parallel_loop3A_148, %parallel_loop3A_149 : i32
      %parallel_loop3A_151 = arith.constant 16 : i32
      %parallel_loop3A_152 = arith.muli %parallel_loop3A_150, %parallel_loop3A_151 : i32
      %parallel_loop3A_153 = tpu.assume_multiple %parallel_loop3A_152, 16 : i32
      %parallel_loop3A_154 = arith.index_cast %parallel_loop3A_153 : i32 to index
      %parallel_loop3A_155 = tpu.vector_load %arg7[%parallel_loop3A_154] {strides = array<i32>} : memref<32768xi32, #tpu.memory_space<vmem>>, vector<16xi32>,
      %parallel_loop3A_156 = vector.shape_cast %parallel_loop3A_155 : vector<16xi32> to vector<16xi32>
      %parallel_loop3A_157 = arith.maxsi %parallel_loop3A_146, %parallel_loop3A_156 : vector<16xi32>
      %parallel_loop3A_158 = arith.constant 8 : i32
      %parallel_loop3A_159 = arith.muli %parallel_loop3A_123, %parallel_loop3A_158 : i32
      %parallel_loop3A_160 = arith.constant 3 : i32
      %parallel_loop3A_161 = arith.addi %parallel_loop3A_159, %parallel_loop3A_160 : i32
      %parallel_loop3A_162 = arith.constant 16 : i32
      %parallel_loop3A_163 = arith.muli %parallel_loop3A_161, %parallel_loop3A_162 : i32
      %parallel_loop3A_164 = tpu.assume_multiple %parallel_loop3A_163, 16 : i32
      %parallel_loop3A_165 = arith.index_cast %parallel_loop3A_164 : i32 to index
      %parallel_loop3A_166 = tpu.vector_load %arg7[%parallel_loop3A_165] {strides = array<i32>} : memref<32768xi32, #tpu.memory_space<vmem>>, vector<16xi32>,
      %parallel_loop3A_167 = vector.shape_cast %parallel_loop3A_166 : vector<16xi32> to vector<16xi32>
      %parallel_loop3A_168 = arith.maxsi %parallel_loop3A_157, %parallel_loop3A_167 : vector<16xi32>
      %parallel_loop3A_169 = arith.constant 8 : i32
      %parallel_loop3A_170 = arith.muli %parallel_loop3A_123, %parallel_loop3A_169 : i32
      %parallel_loop3A_171 = arith.constant 4 : i32
      %parallel_loop3A_172 = arith.addi %parallel_loop3A_170, %parallel_loop3A_171 : i32
      %parallel_loop3A_173 = arith.constant 16 : i32
      %parallel_loop3A_174 = arith.muli %parallel_loop3A_172, %parallel_loop3A_173 : i32
      %parallel_loop3A_175 = tpu.assume_multiple %parallel_loop3A_174, 16 : i32
      %parallel_loop3A_176 = arith.index_cast %parallel_loop3A_175 : i32 to index
      %parallel_loop3A_177 = tpu.vector_load %arg7[%parallel_loop3A_176] {strides = array<i32>} : memref<32768xi32, #tpu.memory_space<vmem>>, vector<16xi32>,
      %parallel_loop3A_178 = vector.shape_cast %parallel_loop3A_177 : vector<16xi32> to vector<16xi32>
      %parallel_loop3A_179 = arith.maxsi %parallel_loop3A_168, %parallel_loop3A_178 : vector<16xi32>
      %parallel_loop3A_180 = arith.constant 8 : i32
      %parallel_loop3A_181 = arith.muli %parallel_loop3A_123, %parallel_loop3A_180 : i32
      %parallel_loop3A_182 = arith.constant 5 : i32
      %parallel_loop3A_183 = arith.addi %parallel_loop3A_181, %parallel_loop3A_182 : i32
      %parallel_loop3A_184 = arith.constant 16 : i32
      %parallel_loop3A_185 = arith.muli %parallel_loop3A_183, %parallel_loop3A_184 : i32
      %parallel_loop3A_186 = tpu.assume_multiple %parallel_loop3A_185, 16 : i32
      %parallel_loop3A_187 = arith.index_cast %parallel_loop3A_186 : i32 to index
      %parallel_loop3A_188 = tpu.vector_load %arg7[%parallel_loop3A_187] {strides = array<i32>} : memref<32768xi32, #tpu.memory_space<vmem>>, vector<16xi32>,
      %parallel_loop3A_189 = vector.shape_cast %parallel_loop3A_188 : vector<16xi32> to vector<16xi32>
      %parallel_loop3A_190 = arith.maxsi %parallel_loop3A_179, %parallel_loop3A_189 : vector<16xi32>
      %parallel_loop3A_191 = arith.constant 8 : i32
      %parallel_loop3A_192 = arith.muli %parallel_loop3A_123, %parallel_loop3A_191 : i32
      %parallel_loop3A_193 = arith.constant 6 : i32
      %parallel_loop3A_194 = arith.addi %parallel_loop3A_192, %parallel_loop3A_193 : i32
      %parallel_loop3A_195 = arith.constant 16 : i32
      %parallel_loop3A_196 = arith.muli %parallel_loop3A_194, %parallel_loop3A_195 : i32
      %parallel_loop3A_197 = tpu.assume_multiple %parallel_loop3A_196, 16 : i32
      %parallel_loop3A_198 = arith.index_cast %parallel_loop3A_197 : i32 to index
      %parallel_loop3A_199 = tpu.vector_load %arg7[%parallel_loop3A_198] {strides = array<i32>} : memref<32768xi32, #tpu.memory_space<vmem>>, vector<16xi32>,
      %parallel_loop3A_200 = vector.shape_cast %parallel_loop3A_199 : vector<16xi32> to vector<16xi32>
      %parallel_loop3A_201 = arith.maxsi %parallel_loop3A_190, %parallel_loop3A_200 : vector<16xi32>
      %parallel_loop3A_202 = arith.constant 8 : i32
      %parallel_loop3A_203 = arith.muli %parallel_loop3A_123, %parallel_loop3A_202 : i32
      %parallel_loop3A_204 = arith.constant 7 : i32
      %parallel_loop3A_205 = arith.addi %parallel_loop3A_203, %parallel_loop3A_204 : i32
      %parallel_loop3A_206 = arith.constant 16 : i32
      %parallel_loop3A_207 = arith.muli %parallel_loop3A_205, %parallel_loop3A_206 : i32
      %parallel_loop3A_208 = tpu.assume_multiple %parallel_loop3A_207, 16 : i32
      %parallel_loop3A_209 = arith.index_cast %parallel_loop3A_208 : i32 to index
      %parallel_loop3A_210 = tpu.vector_load %arg7[%parallel_loop3A_209] {strides = array<i32>} : memref<32768xi32, #tpu.memory_space<vmem>>, vector<16xi32>,
      %parallel_loop3A_211 = vector.shape_cast %parallel_loop3A_210 : vector<16xi32> to vector<16xi32>
      %parallel_loop3A_212 = arith.maxsi %parallel_loop3A_201, %parallel_loop3A_211 : vector<16xi32>
      scf.yield %parallel_loop3A_212 : vector<16xi32>
    } {sc.loop_unroll_factor = 1 : i64, sc.parallel_access}
    %swap3A = arith.constant 0 : index
    %swap3A_33 = tpu.vector_load %arg10[%swap3A] {strides = array<i32>} : memref<32xi32, #tpu.memory_space<vmem>>, vector<16xi32>,
    %swap3A_34 = vector.shape_cast %swap3A_33 : vector<16xi32> to vector<16xi32>
    %swap3A_35 = vector.shape_cast %parallel_loop3A_32 : vector<16xi32> to vector<16xi32>
    tpu.vector_store %arg10[%swap3A], %swap3A_35 {strides = array<i32>} : memref<32xi32, #tpu.memory_space<vmem>>, vector<16xi32>,
    %swap3A_36 = arith.constant 16 : index
    %swap3A_37 = tpu.vector_load %arg10[%swap3A_36] {strides = array<i32>} : memref<32xi32, #tpu.memory_space<vmem>>, vector<16xi32>,
    %swap3A_38 = vector.shape_cast %swap3A_37 : vector<16xi32> to vector<16xi32>
    %swap3A_39 = vector.shape_cast %parallel_loop3A_32 : vector<16xi32> to vector<16xi32>
    tpu.vector_store %arg10[%swap3A_36], %swap3A_39 {strides = array<i32>} : memref<32xi32, #tpu.memory_space<vmem>>, vector<16xi32>,
    %get3A = arith.constant 1 : index
    %get3A_40 = tpu.vector_load %arg10[%get3A] {strides = array<i32>} : memref<32xi32, #tpu.memory_space<vmem>>, vector<16xi32>,
    %get3A_41 = vector.shape_cast %get3A_40 : vector<16xi32> to vector<16xi32>
    %max3A = arith.maxsi %parallel_loop3A_32, %get3A_41 : vector<16xi32>
    %get3A_42 = arith.constant 2 : index
    %get3A_43 = tpu.vector_load %arg10[%get3A_42] {strides = array<i32>} : memref<32xi32, #tpu.memory_space<vmem>>, vector<16xi32>,
    %get3A_44 = vector.shape_cast %get3A_43 : vector<16xi32> to vector<16xi32>
    %max3A_45 = arith.maxsi %max3A, %get3A_44 : vector<16xi32>
    %get3A_46 = arith.constant 3 : index
    %get3A_47 = tpu.vector_load %arg10[%get3A_46] {strides = array<i32>} : memref<32xi32, #tpu.memory_space<vmem>>, vector<16xi32>,
    %get3A_48 = vector.shape_cast %get3A_47 : vector<16xi32> to vector<16xi32>
    %max3A_49 = arith.maxsi %max3A_45, %get3A_48 : vector<16xi32>
    %get3A_50 = arith.constant 4 : index
    %get3A_51 = tpu.vector_load %arg10[%get3A_50] {strides = array<i32>} : memref<32xi32, #tpu.memory_space<vmem>>, vector<16xi32>,
    %get3A_52 = vector.shape_cast %get3A_51 : vector<16xi32> to vector<16xi32>
    %max3A_53 = arith.maxsi %max3A_49, %get3A_52 : vector<16xi32>
    %get3A_54 = arith.constant 5 : index
    %get3A_55 = tpu.vector_load %arg10[%get3A_54] {strides = array<i32>} : memref<32xi32, #tpu.memory_space<vmem>>, vector<16xi32>,
    %get3A_56 = vector.shape_cast %get3A_55 : vector<16xi32> to vector<16xi32>
    %max3A_57 = arith.maxsi %max3A_53, %get3A_56 : vector<16xi32>
    %get3A_58 = arith.constant 6 : index
    %get3A_59 = tpu.vector_load %arg10[%get3A_58] {strides = array<i32>} : memref<32xi32, #tpu.memory_space<vmem>>, vector<16xi32>,
    %get3A_60 = vector.shape_cast %get3A_59 : vector<16xi32> to vector<16xi32>
    %max3A_61 = arith.maxsi %max3A_57, %get3A_60 : vector<16xi32>
    %get3A_62 = arith.constant 7 : index
    %get3A_63 = tpu.vector_load %arg10[%get3A_62] {strides = array<i32>} : memref<32xi32, #tpu.memory_space<vmem>>, vector<16xi32>,
    %get3A_64 = vector.shape_cast %get3A_63 : vector<16xi32> to vector<16xi32>
    %max3A_65 = arith.maxsi %max3A_61, %get3A_64 : vector<16xi32>
    %get3A_66 = arith.constant 8 : index
    %get3A_67 = tpu.vector_load %arg10[%get3A_66] {strides = array<i32>} : memref<32xi32, #tpu.memory_space<vmem>>, vector<16xi32>,
    %get3A_68 = vector.shape_cast %get3A_67 : vector<16xi32> to vector<16xi32>
    %max3A_69 = arith.maxsi %max3A_65, %get3A_68 : vector<16xi32>
    %get3A_70 = arith.constant 9 : index
    %get3A_71 = tpu.vector_load %arg10[%get3A_70] {strides = array<i32>} : memref<32xi32, #tpu.memory_space<vmem>>, vector<16xi32>,
    %get3A_72 = vector.shape_cast %get3A_71 : vector<16xi32> to vector<16xi32>
    %max3A_73 = arith.maxsi %max3A_69, %get3A_72 : vector<16xi32>
    %get3A_74 = arith.constant 10 : index
    %get3A_75 = tpu.vector_load %arg10[%get3A_74] {strides = array<i32>} : memref<32xi32, #tpu.memory_space<vmem>>, vector<16xi32>,
    %get3A_76 = vector.shape_cast %get3A_75 : vector<16xi32> to vector<16xi32>
    %max3A_77 = arith.maxsi %max3A_73, %get3A_76 : vector<16xi32>
    %get3A_78 = arith.constant 11 : index
    %get3A_79 = tpu.vector_load %arg10[%get3A_78] {strides = array<i32>} : memref<32xi32, #tpu.memory_space<vmem>>, vector<16xi32>,
    %get3A_80 = vector.shape_cast %get3A_79 : vector<16xi32> to vector<16xi32>
    %max3A_81 = arith.maxsi %max3A_77, %get3A_80 : vector<16xi32>
    %get3A_82 = arith.constant 12 : index
    %get3A_83 = tpu.vector_load %arg10[%get3A_82] {strides = array<i32>} : memref<32xi32, #tpu.memory_space<vmem>>, vector<16xi32>,
    %get3A_84 = vector.shape_cast %get3A_83 : vector<16xi32> to vector<16xi32>
    %max3A_85 = arith.maxsi %max3A_81, %get3A_84 : vector<16xi32>
    %get3A_86 = arith.constant 13 : index
    %get3A_87 = tpu.vector_load %arg10[%get3A_86] {strides = array<i32>} : memref<32xi32, #tpu.memory_space<vmem>>, vector<16xi32>,
    %get3A_88 = vector.shape_cast %get3A_87 : vector<16xi32> to vector<16xi32>
    %max3A_89 = arith.maxsi %max3A_85, %get3A_88 : vector<16xi32>
    %get3A_90 = arith.constant 14 : index
    %get3A_91 = tpu.vector_load %arg10[%get3A_90] {strides = array<i32>} : memref<32xi32, #tpu.memory_space<vmem>>, vector<16xi32>,
    %get3A_92 = vector.shape_cast %get3A_91 : vector<16xi32> to vector<16xi32>
    %max3A_93 = arith.maxsi %max3A_89, %get3A_92 : vector<16xi32>
    %get3A_94 = arith.constant 15 : index
    %get3A_95 = tpu.vector_load %arg10[%get3A_94] {strides = array<i32>} : memref<32xi32, #tpu.memory_space<vmem>>, vector<16xi32>,
    %get3A_96 = vector.shape_cast %get3A_95 : vector<16xi32> to vector<16xi32>
    %max3A_97 = arith.maxsi %max3A_93, %get3A_96 : vector<16xi32>
    %slice3A = vector.extract_strided_slice %max3A_97 {offsets = [0], sizes = [1], strides = [1]} : vector<16xi32> to vector<1xi32>
    %squeeze3A = vector.extract %slice3A[0] : i32 from vector<1xi32>
    %eq3A = arith.constant 0 : i32
    %eq3A_98 = arith.cmpi eq, %squeeze3A, %eq3A : i32
    %scan3A = arith.constant 0 : i32
    %scan3A_99 = arith.constant 0 : i32
    %scan3A_100 = arith.constant 64 : i32
    %scan3A_101 = arith.addi %scan3A_99, %scan3A_100 : i32
    %scan3A_102 = arith.constant 1 : i32
    scf.for %scan3A_123 = %scan3A_99 to %scan3A_101 step %scan3A_102  : i32 {
      %mul3A_124 = arith.constant 16 : i32
      %mul3A_125 = arith.muli %scan3A_123, %mul3A_124 : i32
      %add3A_126 = arith.addi %mul3A_2, %mul3A_125 : i32
      %multiple_of3A_127 = tpu.assume_multiple %add3A_126, 16 : i32
      %get3A_128 = arith.index_cast %multiple_of3A_127 : i32 to index
      %get3A_129 = tpu.vector_load %arg7[%get3A_128] {strides = array<i32>} : memref<32768xi32, #tpu.memory_space<vmem>>, vector<16xi32>,
      %get3A_130 = vector.shape_cast %get3A_129 : vector<16xi32> to vector<16xi32>
      %add3A_131 = arith.constant 0 : i32
      %add3A_132 = arith.addi %add3A_126, %add3A_131 : i32
      %multiple_of3A_133 = tpu.assume_multiple %add3A_132, 4 : i32
      %dma_wait3A_134 = arith.constant 0 : i32
      %dma_wait3A_135 = tpu.memref_slice %arg2[%multiple_of3A_133, %dma_wait3A_134] : memref<32768x2048xf32, #tpu.memory_space<hbm>> -> memref<4x2048xf32, #tpu.memory_space<hbm>>
      %dma_wait3A_136 = arith.constant 0 : i32
      %dma_wait3A_137 = tpu.memref_slice %arg2[%multiple_of3A_133, %dma_wait3A_136] : memref<32768x2048xf32, #tpu.memory_space<hbm>> -> memref<4x2048xf32, #tpu.memory_space<hbm>>
      tpu.wait_dma2 semaphore(%arg19 : memref<!tpu.dma_semaphore, #tpu.memory_space<semaphore_mem>>) src(%dma_wait3A_137 : memref<4x2048xf32, #tpu.memory_space<hbm>>) dst(%arg11 : memref<4x2048xf32, #tpu.memory_space<vmem>>)
      %gt3A = arith.constant 0 : i32
      %gt3A_138 = arith.cmpi sgt, %scan3A_123, %gt3A : i32
      %convert_element_type3A = arith.extui %gt3A_138 : i1 to i32
      %cond3A = arith.constant 0 : i32
      %cond3A_139 = arith.cmpi ne, %convert_element_type3A, %cond3A : i32
      scf.if %cond3A_139 {
        %multiple_of3A_353 = tpu.assume_multiple %add3A_132, 4 : i32
        %dma_wait3A_354 = arith.constant 0 : i32
        %dma_wait3A_355 = tpu.memref_slice %arg6[%multiple_of3A_353, %dma_wait3A_354] : memref<32768x2048xf32, #tpu.memory_space<hbm>> -> memref<4x2048xf32, #tpu.memory_space<hbm>>
        %dma_wait3A_356 = arith.constant 0 : i32
        %dma_wait3A_357 = tpu.memref_slice %arg6[%multiple_of3A_353, %dma_wait3A_356] : memref<32768x2048xf32, #tpu.memory_space<hbm>> -> memref<4x2048xf32, #tpu.memory_space<hbm>>
        tpu.wait_dma2 semaphore(%arg23 : memref<!tpu.dma_semaphore, #tpu.memory_space<semaphore_mem>>) src(%arg15 : memref<4x2048xf32, #tpu.memory_space<vmem>>) dst(%dma_wait3A_357 : memref<4x2048xf32, #tpu.memory_space<hbm>>)
      } else {
      }
      %parallel_loop3A_140 = arith.constant 0 : i32
      %parallel_loop3A_141 = arith.constant 128 : i32
      %parallel_loop3A_142 = arith.constant 1 : i32
      scf.for %parallel_loop3A_353 = %parallel_loop3A_140 to %parallel_loop3A_141 step %parallel_loop3A_142  : i32 {
        %parallel_loop3A_354 = arith.constant 16 : i32
        %parallel_loop3A_355 = arith.muli %parallel_loop3A_353, %parallel_loop3A_354 : i32
        %parallel_loop3A_356 = tpu.assume_multiple %parallel_loop3A_355, 16 : i32
        %parallel_loop3A_357 = arith.index_cast %parallel_loop3A_356 : i32 to index
        %parallel_loop3A_358 = tpu.vector_load %arg8[%parallel_loop3A_357] {strides = array<i32>} : memref<2048xf32, #tpu.memory_space<vmem>>, vector<16xf32>,
        %parallel_loop3A_359 = vector.shape_cast %parallel_loop3A_358 : vector<16xf32> to vector<16xf32>
        %parallel_loop3A_360 = arith.index_cast %parallel_loop3A_356 : i32 to index
        %parallel_loop3A_361 = tpu.vector_load %arg9[%parallel_loop3A_360] {strides = array<i32>} : memref<2048xf32, #tpu.memory_space<vmem>>, vector<16xf32>,
        %parallel_loop3A_362 = vector.shape_cast %parallel_loop3A_361 : vector<16xf32> to vector<16xf32>
        %parallel_loop3A_363 = arith.constant 0 : i32
        %parallel_loop3A_364 = arith.index_cast %parallel_loop3A_363 : i32 to index
        %parallel_loop3A_365 = arith.index_cast %parallel_loop3A_356 : i32 to index
        %parallel_loop3A_366 = tpu.vector_load %arg11[%parallel_loop3A_364, %parallel_loop3A_365] {strides = array<i32>} : memref<4x2048xf32, #tpu.memory_space<vmem>>, vector<1x16xf32>,
        %parallel_loop3A_367 = vector.shape_cast %parallel_loop3A_366 : vector<1x16xf32> to vector<16xf32>
        %parallel_loop3A_368 = arith.mulf %parallel_loop3A_367, %parallel_loop3A_359 : vector<16xf32>
        %parallel_loop3A_369 = arith.addf %parallel_loop3A_368, %parallel_loop3A_362 : vector<16xf32>
        %parallel_loop3A_370 = arith.constant 0 : i32
        %parallel_loop3A_371 = arith.index_cast %parallel_loop3A_370 : i32 to index
        %parallel_loop3A_372 = arith.index_cast %parallel_loop3A_356 : i32 to index
        %parallel_loop3A_373 = tpu.vector_load %arg15[%parallel_loop3A_371, %parallel_loop3A_372] {strides = array<i32>} : memref<4x2048xf32, #tpu.memory_space<vmem>>, vector<1x16xf32>,
        %parallel_loop3A_374 = vector.shape_cast %parallel_loop3A_373 : vector<1x16xf32> to vector<16xf32>
        %parallel_loop3A_375 = vector.shape_cast %parallel_loop3A_369 : vector<16xf32> to vector<1x16xf32>
        tpu.vector_store %arg15[%parallel_loop3A_371, %parallel_loop3A_372], %parallel_loop3A_375 {strides = array<i32>} : memref<4x2048xf32, #tpu.memory_space<vmem>>, vector<1x16xf32>,
        %parallel_loop3A_376 = arith.constant 1 : i32
        %parallel_loop3A_377 = arith.index_cast %parallel_loop3A_376 : i32 to index
        %parallel_loop3A_378 = arith.index_cast %parallel_loop3A_356 : i32 to index
        %parallel_loop3A_379 = tpu.vector_load %arg11[%parallel_loop3A_377, %parallel_loop3A_378] {strides = array<i32>} : memref<4x2048xf32, #tpu.memory_space<vmem>>, vector<1x16xf32>,
        %parallel_loop3A_380 = vector.shape_cast %parallel_loop3A_379 : vector<1x16xf32> to vector<16xf32>
        %parallel_loop3A_381 = arith.mulf %parallel_loop3A_380, %parallel_loop3A_359 : vector<16xf32>
        %parallel_loop3A_382 = arith.addf %parallel_loop3A_381, %parallel_loop3A_362 : vector<16xf32>
        %parallel_loop3A_383 = arith.constant 1 : i32
        %parallel_loop3A_384 = arith.index_cast %parallel_loop3A_383 : i32 to index
        %parallel_loop3A_385 = arith.index_cast %parallel_loop3A_356 : i32 to index
        %parallel_loop3A_386 = tpu.vector_load %arg15[%parallel_loop3A_384, %parallel_loop3A_385] {strides = array<i32>} : memref<4x2048xf32, #tpu.memory_space<vmem>>, vector<1x16xf32>,
        %parallel_loop3A_387 = vector.shape_cast %parallel_loop3A_386 : vector<1x16xf32> to vector<16xf32>
        %parallel_loop3A_388 = vector.shape_cast %parallel_loop3A_382 : vector<16xf32> to vector<1x16xf32>
        tpu.vector_store %arg15[%parallel_loop3A_384, %parallel_loop3A_385], %parallel_loop3A_388 {strides = array<i32>} : memref<4x2048xf32, #tpu.memory_space<vmem>>, vector<1x16xf32>,
        %parallel_loop3A_389 = arith.constant 2 : i32
        %parallel_loop3A_390 = arith.index_cast %parallel_loop3A_389 : i32 to index
        %parallel_loop3A_391 = arith.index_cast %parallel_loop3A_356 : i32 to index
        %parallel_loop3A_392 = tpu.vector_load %arg11[%parallel_loop3A_390, %parallel_loop3A_391] {strides = array<i32>} : memref<4x2048xf32, #tpu.memory_space<vmem>>, vector<1x16xf32>,
        %parallel_loop3A_393 = vector.shape_cast %parallel_loop3A_392 : vector<1x16xf32> to vector<16xf32>
        %parallel_loop3A_394 = arith.mulf %parallel_loop3A_393, %parallel_loop3A_359 : vector<16xf32>
        %parallel_loop3A_395 = arith.addf %parallel_loop3A_394, %parallel_loop3A_362 : vector<16xf32>
        %parallel_loop3A_396 = arith.constant 2 : i32
        %parallel_loop3A_397 = arith.index_cast %parallel_loop3A_396 : i32 to index
        %parallel_loop3A_398 = arith.index_cast %parallel_loop3A_356 : i32 to index
        %parallel_loop3A_399 = tpu.vector_load %arg15[%parallel_loop3A_397, %parallel_loop3A_398] {strides = array<i32>} : memref<4x2048xf32, #tpu.memory_space<vmem>>, vector<1x16xf32>,
        %parallel_loop3A_400 = vector.shape_cast %parallel_loop3A_399 : vector<1x16xf32> to vector<16xf32>
        %parallel_loop3A_401 = vector.shape_cast %parallel_loop3A_395 : vector<16xf32> to vector<1x16xf32>
        tpu.vector_store %arg15[%parallel_loop3A_397, %parallel_loop3A_398], %parallel_loop3A_401 {strides = array<i32>} : memref<4x2048xf32, #tpu.memory_space<vmem>>, vector<1x16xf32>,
        %parallel_loop3A_402 = arith.constant 3 : i32
        %parallel_loop3A_403 = arith.index_cast %parallel_loop3A_402 : i32 to index
        %parallel_loop3A_404 = arith.index_cast %parallel_loop3A_356 : i32 to index
        %parallel_loop3A_405 = tpu.vector_load %arg11[%parallel_loop3A_403, %parallel_loop3A_404] {strides = array<i32>} : memref<4x2048xf32, #tpu.memory_space<vmem>>, vector<1x16xf32>,
        %parallel_loop3A_406 = vector.shape_cast %parallel_loop3A_405 : vector<1x16xf32> to vector<16xf32>
        %parallel_loop3A_407 = arith.mulf %parallel_loop3A_406, %parallel_loop3A_359 : vector<16xf32>
        %parallel_loop3A_408 = arith.addf %parallel_loop3A_407, %parallel_loop3A_362 : vector<16xf32>
        %parallel_loop3A_409 = arith.constant 3 : i32
        %parallel_loop3A_410 = arith.index_cast %parallel_loop3A_409 : i32 to index
        %parallel_loop3A_411 = arith.index_cast %parallel_loop3A_356 : i32 to index
        %parallel_loop3A_412 = tpu.vector_load %arg15[%parallel_loop3A_410, %parallel_loop3A_411] {strides = array<i32>} : memref<4x2048xf32, #tpu.memory_space<vmem>>, vector<1x16xf32>,
        %parallel_loop3A_413 = vector.shape_cast %parallel_loop3A_412 : vector<1x16xf32> to vector<16xf32>
        %parallel_loop3A_414 = vector.shape_cast %parallel_loop3A_408 : vector<16xf32> to vector<1x16xf32>
        tpu.vector_store %arg15[%parallel_loop3A_410, %parallel_loop3A_411], %parallel_loop3A_414 {strides = array<i32>} : memref<4x2048xf32, #tpu.memory_space<vmem>>, vector<1x16xf32>,
      } {sc.loop_unroll_factor = 2 : i64, sc.parallel_access}
      %slice3A_143 = vector.extract_strided_slice %get3A_130 {offsets = [0], sizes = [1], strides = [1]} : vector<16xi32> to vector<1xi32>
      %squeeze3A_144 = vector.extract %slice3A_143[0] : i32 from vector<1xi32>
      %ne3A = arith.constant 0 : i32
      %ne3A_145 = arith.cmpi ne, %squeeze3A_144, %ne3A : i32
      %or3A = arith.ori %ne3A_145, %eq3A_98 : i1
      %convert_element_type3A_146 = arith.extui %or3A : i1 to i32
      %cond3A_147 = arith.constant 0 : i32
      %cond3A_148 = arith.cmpi ne, %convert_element_type3A_146, %cond3A_147 : i32
      scf.if %cond3A_148 {
        %parallel_loop3A_353 = arith.constant 0 : i32
        %parallel_loop3A_354 = arith.constant 128 : i32
        %parallel_loop3A_355 = arith.constant 1 : i32
        scf.for %parallel_loop3A_356 = %parallel_loop3A_353 to %parallel_loop3A_354 step %parallel_loop3A_355  : i32 {
          %parallel_loop3A_357 = arith.constant 16 : i32
          %parallel_loop3A_358 = arith.muli %parallel_loop3A_356, %parallel_loop3A_357 : i32
          %parallel_loop3A_359 = tpu.assume_multiple %parallel_loop3A_358, 16 : i32
          %parallel_loop3A_360 = arith.constant 0 : i32
          %parallel_loop3A_361 = arith.index_cast %parallel_loop3A_360 : i32 to index
          %parallel_loop3A_362 = arith.index_cast %parallel_loop3A_359 : i32 to index
          %parallel_loop3A_363 = tpu.vector_load %arg11[%parallel_loop3A_361, %parallel_loop3A_362] {strides = array<i32>} : memref<4x2048xf32, #tpu.memory_space<vmem>>, vector<1x16xf32>,
          %parallel_loop3A_364 = vector.shape_cast %parallel_loop3A_363 : vector<1x16xf32> to vector<16xf32>
          %parallel_loop3A_365 = arith.constant 0 : i32
          %parallel_loop3A_366 = arith.index_cast %parallel_loop3A_365 : i32 to index
          %parallel_loop3A_367 = arith.index_cast %parallel_loop3A_359 : i32 to index
          %parallel_loop3A_368 = tpu.vector_load %arg15[%parallel_loop3A_366, %parallel_loop3A_367] {strides = array<i32>} : memref<4x2048xf32, #tpu.memory_space<vmem>>, vector<1x16xf32>,
          %parallel_loop3A_369 = vector.shape_cast %parallel_loop3A_368 : vector<1x16xf32> to vector<16xf32>
          %parallel_loop3A_370 = vector.shape_cast %parallel_loop3A_364 : vector<16xf32> to vector<1x16xf32>
          tpu.vector_store %arg15[%parallel_loop3A_366, %parallel_loop3A_367], %parallel_loop3A_370 {strides = array<i32>} : memref<4x2048xf32, #tpu.memory_space<vmem>>, vector<1x16xf32>,
        } {sc.loop_unroll_factor = 4 : i64, sc.parallel_access}
      } else {
      }
      %slice3A_149 = vector.extract_strided_slice %get3A_130 {offsets = [1], sizes = [1], strides = [1]} : vector<16xi32> to vector<1xi32>
      %squeeze3A_150 = vector.extract %slice3A_149[0] : i32 from vector<1xi32>
      %ne3A_151 = arith.constant 0 : i32
      %ne3A_152 = arith.cmpi ne, %squeeze3A_150, %ne3A_151 : i32
      %or3A_153 = arith.ori %ne3A_152, %eq3A_98 : i1
      %convert_element_type3A_154 = arith.extui %or3A_153 : i1 to i32
      %cond3A_155 = arith.constant 0 : i32
      %cond3A_156 = arith.cmpi ne, %convert_element_type3A_154, %cond3A_155 : i32
      scf.if %cond3A_156 {
        %parallel_loop3A_353 = arith.constant 0 : i32
        %parallel_loop3A_354 = arith.constant 128 : i32
        %parallel_loop3A_355 = arith.constant 1 : i32
        scf.for %parallel_loop3A_356 = %parallel_loop3A_353 to %parallel_loop3A_354 step %parallel_loop3A_355  : i32 {
          %parallel_loop3A_357 = arith.constant 16 : i32
          %parallel_loop3A_358 = arith.muli %parallel_loop3A_356, %parallel_loop3A_357 : i32
          %parallel_loop3A_359 = tpu.assume_multiple %parallel_loop3A_358, 16 : i32
          %parallel_loop3A_360 = arith.constant 1 : i32
          %parallel_loop3A_361 = arith.index_cast %parallel_loop3A_360 : i32 to index
          %parallel_loop3A_362 = arith.index_cast %parallel_loop3A_359 : i32 to index
          %parallel_loop3A_363 = tpu.vector_load %arg11[%parallel_loop3A_361, %parallel_loop3A_362] {strides = array<i32>} : memref<4x2048xf32, #tpu.memory_space<vmem>>, vector<1x16xf32>,
          %parallel_loop3A_364 = vector.shape_cast %parallel_loop3A_363 : vector<1x16xf32> to vector<16xf32>
          %parallel_loop3A_365 = arith.constant 1 : i32
          %parallel_loop3A_366 = arith.index_cast %parallel_loop3A_365 : i32 to index
          %parallel_loop3A_367 = arith.index_cast %parallel_loop3A_359 : i32 to index
          %parallel_loop3A_368 = tpu.vector_load %arg15[%parallel_loop3A_366, %parallel_loop3A_367] {strides = array<i32>} : memref<4x2048xf32, #tpu.memory_space<vmem>>, vector<1x16xf32>,
          %parallel_loop3A_369 = vector.shape_cast %parallel_loop3A_368 : vector<1x16xf32> to vector<16xf32>
          %parallel_loop3A_370 = vector.shape_cast %parallel_loop3A_364 : vector<16xf32> to vector<1x16xf32>
          tpu.vector_store %arg15[%parallel_loop3A_366, %parallel_loop3A_367], %parallel_loop3A_370 {strides = array<i32>} : memref<4x2048xf32, #tpu.memory_space<vmem>>, vector<1x16xf32>,
        } {sc.loop_unroll_factor = 4 : i64, sc.parallel_access}
      } else {
      }
      %slice3A_157 = vector.extract_strided_slice %get3A_130 {offsets = [2], sizes = [1], strides = [1]} : vector<16xi32> to vector<1xi32>
      %squeeze3A_158 = vector.extract %slice3A_157[0] : i32 from vector<1xi32>
      %ne3A_159 = arith.constant 0 : i32
      %ne3A_160 = arith.cmpi ne, %squeeze3A_158, %ne3A_159 : i32
      %or3A_161 = arith.ori %ne3A_160, %eq3A_98 : i1
      %convert_element_type3A_162 = arith.extui %or3A_161 : i1 to i32
      %cond3A_163 = arith.constant 0 : i32
      %cond3A_164 = arith.cmpi ne, %convert_element_type3A_162, %cond3A_163 : i32
      scf.if %cond3A_164 {
        %parallel_loop3A_353 = arith.constant 0 : i32
        %parallel_loop3A_354 = arith.constant 128 : i32
        %parallel_loop3A_355 = arith.constant 1 : i32
        scf.for %parallel_loop3A_356 = %parallel_loop3A_353 to %parallel_loop3A_354 step %parallel_loop3A_355  : i32 {
          %parallel_loop3A_357 = arith.constant 16 : i32
          %parallel_loop3A_358 = arith.muli %parallel_loop3A_356, %parallel_loop3A_357 : i32
          %parallel_loop3A_359 = tpu.assume_multiple %parallel_loop3A_358, 16 : i32
          %parallel_loop3A_360 = arith.constant 2 : i32
          %parallel_loop3A_361 = arith.index_cast %parallel_loop3A_360 : i32 to index
          %parallel_loop3A_362 = arith.index_cast %parallel_loop3A_359 : i32 to index
          %parallel_loop3A_363 = tpu.vector_load %arg11[%parallel_loop3A_361, %parallel_loop3A_362] {strides = array<i32>} : memref<4x2048xf32, #tpu.memory_space<vmem>>, vector<1x16xf32>,
          %parallel_loop3A_364 = vector.shape_cast %parallel_loop3A_363 : vector<1x16xf32> to vector<16xf32>
          %parallel_loop3A_365 = arith.constant 2 : i32
          %parallel_loop3A_366 = arith.index_cast %parallel_loop3A_365 : i32 to index
          %parallel_loop3A_367 = arith.index_cast %parallel_loop3A_359 : i32 to index
          %parallel_loop3A_368 = tpu.vector_load %arg15[%parallel_loop3A_366, %parallel_loop3A_367] {strides = array<i32>} : memref<4x2048xf32, #tpu.memory_space<vmem>>, vector<1x16xf32>,
          %parallel_loop3A_369 = vector.shape_cast %parallel_loop3A_368 : vector<1x16xf32> to vector<16xf32>
          %parallel_loop3A_370 = vector.shape_cast %parallel_loop3A_364 : vector<16xf32> to vector<1x16xf32>
          tpu.vector_store %arg15[%parallel_loop3A_366, %parallel_loop3A_367], %parallel_loop3A_370 {strides = array<i32>} : memref<4x2048xf32, #tpu.memory_space<vmem>>, vector<1x16xf32>,
        } {sc.loop_unroll_factor = 4 : i64, sc.parallel_access}
      } else {
      }
      %slice3A_165 = vector.extract_strided_slice %get3A_130 {offsets = [3], sizes = [1], strides = [1]} : vector<16xi32> to vector<1xi32>
      %squeeze3A_166 = vector.extract %slice3A_165[0] : i32 from vector<1xi32>
      %ne3A_167 = arith.constant 0 : i32
      %ne3A_168 = arith.cmpi ne, %squeeze3A_166, %ne3A_167 : i32
      %or3A_169 = arith.ori %ne3A_168, %eq3A_98 : i1
      %convert_element_type3A_170 = arith.extui %or3A_169 : i1 to i32
      %cond3A_171 = arith.constant 0 : i32
      %cond3A_172 = arith.cmpi ne, %convert_element_type3A_170, %cond3A_171 : i32
      scf.if %cond3A_172 {
        %parallel_loop3A_353 = arith.constant 0 : i32
        %parallel_loop3A_354 = arith.constant 128 : i32
        %parallel_loop3A_355 = arith.constant 1 : i32
        scf.for %parallel_loop3A_356 = %parallel_loop3A_353 to %parallel_loop3A_354 step %parallel_loop3A_355  : i32 {
          %parallel_loop3A_357 = arith.constant 16 : i32
          %parallel_loop3A_358 = arith.muli %parallel_loop3A_356, %parallel_loop3A_357 : i32
          %parallel_loop3A_359 = tpu.assume_multiple %parallel_loop3A_358, 16 : i32
          %parallel_loop3A_360 = arith.constant 3 : i32
          %parallel_loop3A_361 = arith.index_cast %parallel_loop3A_360 : i32 to index
          %parallel_loop3A_362 = arith.index_cast %parallel_loop3A_359 : i32 to index
          %parallel_loop3A_363 = tpu.vector_load %arg11[%parallel_loop3A_361, %parallel_loop3A_362] {strides = array<i32>} : memref<4x2048xf32, #tpu.memory_space<vmem>>, vector<1x16xf32>,
          %parallel_loop3A_364 = vector.shape_cast %parallel_loop3A_363 : vector<1x16xf32> to vector<16xf32>
          %parallel_loop3A_365 = arith.constant 3 : i32
          %parallel_loop3A_366 = arith.index_cast %parallel_loop3A_365 : i32 to index
          %parallel_loop3A_367 = arith.index_cast %parallel_loop3A_359 : i32 to index
          %parallel_loop3A_368 = tpu.vector_load %arg15[%parallel_loop3A_366, %parallel_loop3A_367] {strides = array<i32>} : memref<4x2048xf32, #tpu.memory_space<vmem>>, vector<1x16xf32>,
          %parallel_loop3A_369 = vector.shape_cast %parallel_loop3A_368 : vector<1x16xf32> to vector<16xf32>
          %parallel_loop3A_370 = vector.shape_cast %parallel_loop3A_364 : vector<16xf32> to vector<1x16xf32>
          tpu.vector_store %arg15[%parallel_loop3A_366, %parallel_loop3A_367], %parallel_loop3A_370 {strides = array<i32>} : memref<4x2048xf32, #tpu.memory_space<vmem>>, vector<1x16xf32>,
        } {sc.loop_unroll_factor = 4 : i64, sc.parallel_access}
      } else {
      }
      %multiple_of3A_173 = tpu.assume_multiple %add3A_132, 4 : i32
      %dma_start3A_174 = arith.constant 0 : i32
      %dma_start3A_175 = tpu.memref_slice %arg6[%multiple_of3A_173, %dma_start3A_174] : memref<32768x2048xf32, #tpu.memory_space<hbm>> -> memref<4x2048xf32, #tpu.memory_space<hbm>>
      %dma_start3A_176 = arith.constant 0 : i32
      %dma_start3A_177 = tpu.memref_slice %arg6[%multiple_of3A_173, %dma_start3A_176] : memref<32768x2048xf32, #tpu.memory_space<hbm>> -> memref<4x2048xf32, #tpu.memory_space<hbm>>
      tpu.enqueue_dma source(%arg15 : memref<4x2048xf32, #tpu.memory_space<vmem>>) target(%dma_start3A_177 : memref<4x2048xf32, #tpu.memory_space<hbm>>) target_semaphore(%arg23 : memref<!tpu.dma_semaphore, #tpu.memory_space<semaphore_mem>>)
      %lt3A = arith.constant 63 : i32
      %lt3A_178 = arith.cmpi slt, %scan3A_123, %lt3A : i32
      %convert_element_type3A_179 = arith.extui %lt3A_178 : i1 to i32
      %cond3A_180 = arith.constant 0 : i32
      %cond3A_181 = arith.cmpi ne, %convert_element_type3A_179, %cond3A_180 : i32
      scf.if %cond3A_181 {
        %add3A_353 = arith.constant 16 : i32
        %add3A_354 = arith.addi %add3A_132, %add3A_353 : i32
        %multiple_of3A_355 = tpu.assume_multiple %add3A_354, 4 : i32
        %dma_start3A_356 = arith.constant 0 : i32
        %dma_start3A_357 = tpu.memref_slice %arg2[%multiple_of3A_355, %dma_start3A_356] : memref<32768x2048xf32, #tpu.memory_space<hbm>> -> memref<4x2048xf32, #tpu.memory_space<hbm>>
        %dma_start3A_358 = arith.constant 0 : i32
        %dma_start3A_359 = tpu.memref_slice %arg2[%multiple_of3A_355, %dma_start3A_358] : memref<32768x2048xf32, #tpu.memory_space<hbm>> -> memref<4x2048xf32, #tpu.memory_space<hbm>>
        tpu.enqueue_dma source(%dma_start3A_359 : memref<4x2048xf32, #tpu.memory_space<hbm>>) target(%arg11 : memref<4x2048xf32, #tpu.memory_space<vmem>>) target_semaphore(%arg19 : memref<!tpu.dma_semaphore, #tpu.memory_space<semaphore_mem>>)
      } else {
      }
      %add3A_182 = arith.constant 4 : i32
      %add3A_183 = arith.addi %add3A_126, %add3A_182 : i32
      %multiple_of3A_184 = tpu.assume_multiple %add3A_183, 4 : i32
      %dma_wait3A_185 = arith.constant 0 : i32
      %dma_wait3A_186 = tpu.memref_slice %arg2[%multiple_of3A_184, %dma_wait3A_185] : memref<32768x2048xf32, #tpu.memory_space<hbm>> -> memref<4x2048xf32, #tpu.memory_space<hbm>>
      %dma_wait3A_187 = arith.constant 0 : i32
      %dma_wait3A_188 = tpu.memref_slice %arg2[%multiple_of3A_184, %dma_wait3A_187] : memref<32768x2048xf32, #tpu.memory_space<hbm>> -> memref<4x2048xf32, #tpu.memory_space<hbm>>
      tpu.wait_dma2 semaphore(%arg20 : memref<!tpu.dma_semaphore, #tpu.memory_space<semaphore_mem>>) src(%dma_wait3A_188 : memref<4x2048xf32, #tpu.memory_space<hbm>>) dst(%arg12 : memref<4x2048xf32, #tpu.memory_space<vmem>>)
      %gt3A_189 = arith.constant 0 : i32
      %gt3A_190 = arith.cmpi sgt, %scan3A_123, %gt3A_189 : i32
      %convert_element_type3A_191 = arith.extui %gt3A_190 : i1 to i32
      %cond3A_192 = arith.constant 0 : i32
      %cond3A_193 = arith.cmpi ne, %convert_element_type3A_191, %cond3A_192 : i32
      scf.if %cond3A_193 {
        %multiple_of3A_353 = tpu.assume_multiple %add3A_183, 4 : i32
        %dma_wait3A_354 = arith.constant 0 : i32
        %dma_wait3A_355 = tpu.memref_slice %arg6[%multiple_of3A_353, %dma_wait3A_354] : memref<32768x2048xf32, #tpu.memory_space<hbm>> -> memref<4x2048xf32, #tpu.memory_space<hbm>>
        %dma_wait3A_356 = arith.constant 0 : i32
        %dma_wait3A_357 = tpu.memref_slice %arg6[%multiple_of3A_353, %dma_wait3A_356] : memref<32768x2048xf32, #tpu.memory_space<hbm>> -> memref<4x2048xf32, #tpu.memory_space<hbm>>
        tpu.wait_dma2 semaphore(%arg24 : memref<!tpu.dma_semaphore, #tpu.memory_space<semaphore_mem>>) src(%arg16 : memref<4x2048xf32, #tpu.memory_space<vmem>>) dst(%dma_wait3A_357 : memref<4x2048xf32, #tpu.memory_space<hbm>>)
      } else {
      }
      %parallel_loop3A_194 = arith.constant 0 : i32
      %parallel_loop3A_195 = arith.constant 128 : i32
      %parallel_loop3A_196 = arith.constant 1 : i32
      scf.for %parallel_loop3A_353 = %parallel_loop3A_194 to %parallel_loop3A_195 step %parallel_loop3A_196  : i32 {
        %parallel_loop3A_354 = arith.constant 16 : i32
        %parallel_loop3A_355 = arith.muli %parallel_loop3A_353, %parallel_loop3A_354 : i32
        %parallel_loop3A_356 = tpu.assume_multiple %parallel_loop3A_355, 16 : i32
        %parallel_loop3A_357 = arith.index_cast %parallel_loop3A_356 : i32 to index
        %parallel_loop3A_358 = tpu.vector_load %arg8[%parallel_loop3A_357] {strides = array<i32>} : memref<2048xf32, #tpu.memory_space<vmem>>, vector<16xf32>,
        %parallel_loop3A_359 = vector.shape_cast %parallel_loop3A_358 : vector<16xf32> to vector<16xf32>
        %parallel_loop3A_360 = arith.index_cast %parallel_loop3A_356 : i32 to index
        %parallel_loop3A_361 = tpu.vector_load %arg9[%parallel_loop3A_360] {strides = array<i32>} : memref<2048xf32, #tpu.memory_space<vmem>>, vector<16xf32>,
        %parallel_loop3A_362 = vector.shape_cast %parallel_loop3A_361 : vector<16xf32> to vector<16xf32>
        %parallel_loop3A_363 = arith.constant 0 : i32
        %parallel_loop3A_364 = arith.index_cast %parallel_loop3A_363 : i32 to index
        %parallel_loop3A_365 = arith.index_cast %parallel_loop3A_356 : i32 to index
        %parallel_loop3A_366 = tpu.vector_load %arg12[%parallel_loop3A_364, %parallel_loop3A_365] {strides = array<i32>} : memref<4x2048xf32, #tpu.memory_space<vmem>>, vector<1x16xf32>,
        %parallel_loop3A_367 = vector.shape_cast %parallel_loop3A_366 : vector<1x16xf32> to vector<16xf32>
        %parallel_loop3A_368 = arith.mulf %parallel_loop3A_367, %parallel_loop3A_359 : vector<16xf32>
        %parallel_loop3A_369 = arith.addf %parallel_loop3A_368, %parallel_loop3A_362 : vector<16xf32>
        %parallel_loop3A_370 = arith.constant 0 : i32
        %parallel_loop3A_371 = arith.index_cast %parallel_loop3A_370 : i32 to index
        %parallel_loop3A_372 = arith.index_cast %parallel_loop3A_356 : i32 to index
        %parallel_loop3A_373 = tpu.vector_load %arg16[%parallel_loop3A_371, %parallel_loop3A_372] {strides = array<i32>} : memref<4x2048xf32, #tpu.memory_space<vmem>>, vector<1x16xf32>,
        %parallel_loop3A_374 = vector.shape_cast %parallel_loop3A_373 : vector<1x16xf32> to vector<16xf32>
        %parallel_loop3A_375 = vector.shape_cast %parallel_loop3A_369 : vector<16xf32> to vector<1x16xf32>
        tpu.vector_store %arg16[%parallel_loop3A_371, %parallel_loop3A_372], %parallel_loop3A_375 {strides = array<i32>} : memref<4x2048xf32, #tpu.memory_space<vmem>>, vector<1x16xf32>,
        %parallel_loop3A_376 = arith.constant 1 : i32
        %parallel_loop3A_377 = arith.index_cast %parallel_loop3A_376 : i32 to index
        %parallel_loop3A_378 = arith.index_cast %parallel_loop3A_356 : i32 to index
        %parallel_loop3A_379 = tpu.vector_load %arg12[%parallel_loop3A_377, %parallel_loop3A_378] {strides = array<i32>} : memref<4x2048xf32, #tpu.memory_space<vmem>>, vector<1x16xf32>,
        %parallel_loop3A_380 = vector.shape_cast %parallel_loop3A_379 : vector<1x16xf32> to vector<16xf32>
        %parallel_loop3A_381 = arith.mulf %parallel_loop3A_380, %parallel_loop3A_359 : vector<16xf32>
        %parallel_loop3A_382 = arith.addf %parallel_loop3A_381, %parallel_loop3A_362 : vector<16xf32>
        %parallel_loop3A_383 = arith.constant 1 : i32
        %parallel_loop3A_384 = arith.index_cast %parallel_loop3A_383 : i32 to index
        %parallel_loop3A_385 = arith.index_cast %parallel_loop3A_356 : i32 to index
        %parallel_loop3A_386 = tpu.vector_load %arg16[%parallel_loop3A_384, %parallel_loop3A_385] {strides = array<i32>} : memref<4x2048xf32, #tpu.memory_space<vmem>>, vector<1x16xf32>,
        %parallel_loop3A_387 = vector.shape_cast %parallel_loop3A_386 : vector<1x16xf32> to vector<16xf32>
        %parallel_loop3A_388 = vector.shape_cast %parallel_loop3A_382 : vector<16xf32> to vector<1x16xf32>
        tpu.vector_store %arg16[%parallel_loop3A_384, %parallel_loop3A_385], %parallel_loop3A_388 {strides = array<i32>} : memref<4x2048xf32, #tpu.memory_space<vmem>>, vector<1x16xf32>,
        %parallel_loop3A_389 = arith.constant 2 : i32
        %parallel_loop3A_390 = arith.index_cast %parallel_loop3A_389 : i32 to index
        %parallel_loop3A_391 = arith.index_cast %parallel_loop3A_356 : i32 to index
        %parallel_loop3A_392 = tpu.vector_load %arg12[%parallel_loop3A_390, %parallel_loop3A_391] {strides = array<i32>} : memref<4x2048xf32, #tpu.memory_space<vmem>>, vector<1x16xf32>,
        %parallel_loop3A_393 = vector.shape_cast %parallel_loop3A_392 : vector<1x16xf32> to vector<16xf32>
        %parallel_loop3A_394 = arith.mulf %parallel_loop3A_393, %parallel_loop3A_359 : vector<16xf32>
        %parallel_loop3A_395 = arith.addf %parallel_loop3A_394, %parallel_loop3A_362 : vector<16xf32>
        %parallel_loop3A_396 = arith.constant 2 : i32
        %parallel_loop3A_397 = arith.index_cast %parallel_loop3A_396 : i32 to index
        %parallel_loop3A_398 = arith.index_cast %parallel_loop3A_356 : i32 to index
        %parallel_loop3A_399 = tpu.vector_load %arg16[%parallel_loop3A_397, %parallel_loop3A_398] {strides = array<i32>} : memref<4x2048xf32, #tpu.memory_space<vmem>>, vector<1x16xf32>,
        %parallel_loop3A_400 = vector.shape_cast %parallel_loop3A_399 : vector<1x16xf32> to vector<16xf32>
        %parallel_loop3A_401 = vector.shape_cast %parallel_loop3A_395 : vector<16xf32> to vector<1x16xf32>
        tpu.vector_store %arg16[%parallel_loop3A_397, %parallel_loop3A_398], %parallel_loop3A_401 {strides = array<i32>} : memref<4x2048xf32, #tpu.memory_space<vmem>>, vector<1x16xf32>,
        %parallel_loop3A_402 = arith.constant 3 : i32
        %parallel_loop3A_403 = arith.index_cast %parallel_loop3A_402 : i32 to index
        %parallel_loop3A_404 = arith.index_cast %parallel_loop3A_356 : i32 to index
        %parallel_loop3A_405 = tpu.vector_load %arg12[%parallel_loop3A_403, %parallel_loop3A_404] {strides = array<i32>} : memref<4x2048xf32, #tpu.memory_space<vmem>>, vector<1x16xf32>,
        %parallel_loop3A_406 = vector.shape_cast %parallel_loop3A_405 : vector<1x16xf32> to vector<16xf32>
        %parallel_loop3A_407 = arith.mulf %parallel_loop3A_406, %parallel_loop3A_359 : vector<16xf32>
        %parallel_loop3A_408 = arith.addf %parallel_loop3A_407, %parallel_loop3A_362 : vector<16xf32>
        %parallel_loop3A_409 = arith.constant 3 : i32
        %parallel_loop3A_410 = arith.index_cast %parallel_loop3A_409 : i32 to index
        %parallel_loop3A_411 = arith.index_cast %parallel_loop3A_356 : i32 to index
        %parallel_loop3A_412 = tpu.vector_load %arg16[%parallel_loop3A_410, %parallel_loop3A_411] {strides = array<i32>} : memref<4x2048xf32, #tpu.memory_space<vmem>>, vector<1x16xf32>,
        %parallel_loop3A_413 = vector.shape_cast %parallel_loop3A_412 : vector<1x16xf32> to vector<16xf32>
        %parallel_loop3A_414 = vector.shape_cast %parallel_loop3A_408 : vector<16xf32> to vector<1x16xf32>
        tpu.vector_store %arg16[%parallel_loop3A_410, %parallel_loop3A_411], %parallel_loop3A_414 {strides = array<i32>} : memref<4x2048xf32, #tpu.memory_space<vmem>>, vector<1x16xf32>,
      } {sc.loop_unroll_factor = 2 : i64, sc.parallel_access}
      %slice3A_197 = vector.extract_strided_slice %get3A_130 {offsets = [4], sizes = [1], strides = [1]} : vector<16xi32> to vector<1xi32>
      %squeeze3A_198 = vector.extract %slice3A_197[0] : i32 from vector<1xi32>
      %ne3A_199 = arith.constant 0 : i32
      %ne3A_200 = arith.cmpi ne, %squeeze3A_198, %ne3A_199 : i32
      %or3A_201 = arith.ori %ne3A_200, %eq3A_98 : i1
      %convert_element_type3A_202 = arith.extui %or3A_201 : i1 to i32
      %cond3A_203 = arith.constant 0 : i32
      %cond3A_204 = arith.cmpi ne, %convert_element_type3A_202, %cond3A_203 : i32
      scf.if %cond3A_204 {
        %parallel_loop3A_353 = arith.constant 0 : i32
        %parallel_loop3A_354 = arith.constant 128 : i32
        %parallel_loop3A_355 = arith.constant 1 : i32
        scf.for %parallel_loop3A_356 = %parallel_loop3A_353 to %parallel_loop3A_354 step %parallel_loop3A_355  : i32 {
          %parallel_loop3A_357 = arith.constant 16 : i32
          %parallel_loop3A_358 = arith.muli %parallel_loop3A_356, %parallel_loop3A_357 : i32
          %parallel_loop3A_359 = tpu.assume_multiple %parallel_loop3A_358, 16 : i32
          %parallel_loop3A_360 = arith.constant 0 : i32
          %parallel_loop3A_361 = arith.index_cast %parallel_loop3A_360 : i32 to index
          %parallel_loop3A_362 = arith.index_cast %parallel_loop3A_359 : i32 to index
          %parallel_loop3A_363 = tpu.vector_load %arg12[%parallel_loop3A_361, %parallel_loop3A_362] {strides = array<i32>} : memref<4x2048xf32, #tpu.memory_space<vmem>>, vector<1x16xf32>,
          %parallel_loop3A_364 = vector.shape_cast %parallel_loop3A_363 : vector<1x16xf32> to vector<16xf32>
          %parallel_loop3A_365 = arith.constant 0 : i32
          %parallel_loop3A_366 = arith.index_cast %parallel_loop3A_365 : i32 to index
          %parallel_loop3A_367 = arith.index_cast %parallel_loop3A_359 : i32 to index
          %parallel_loop3A_368 = tpu.vector_load %arg16[%parallel_loop3A_366, %parallel_loop3A_367] {strides = array<i32>} : memref<4x2048xf32, #tpu.memory_space<vmem>>, vector<1x16xf32>,
          %parallel_loop3A_369 = vector.shape_cast %parallel_loop3A_368 : vector<1x16xf32> to vector<16xf32>
          %parallel_loop3A_370 = vector.shape_cast %parallel_loop3A_364 : vector<16xf32> to vector<1x16xf32>
          tpu.vector_store %arg16[%parallel_loop3A_366, %parallel_loop3A_367], %parallel_loop3A_370 {strides = array<i32>} : memref<4x2048xf32, #tpu.memory_space<vmem>>, vector<1x16xf32>,
        } {sc.loop_unroll_factor = 4 : i64, sc.parallel_access}
      } else {
      }
      %slice3A_205 = vector.extract_strided_slice %get3A_130 {offsets = [5], sizes = [1], strides = [1]} : vector<16xi32> to vector<1xi32>
      %squeeze3A_206 = vector.extract %slice3A_205[0] : i32 from vector<1xi32>
      %ne3A_207 = arith.constant 0 : i32
      %ne3A_208 = arith.cmpi ne, %squeeze3A_206, %ne3A_207 : i32
      %or3A_209 = arith.ori %ne3A_208, %eq3A_98 : i1
      %convert_element_type3A_210 = arith.extui %or3A_209 : i1 to i32
      %cond3A_211 = arith.constant 0 : i32
      %cond3A_212 = arith.cmpi ne, %convert_element_type3A_210, %cond3A_211 : i32
      scf.if %cond3A_212 {
        %parallel_loop3A_353 = arith.constant 0 : i32
        %parallel_loop3A_354 = arith.constant 128 : i32
        %parallel_loop3A_355 = arith.constant 1 : i32
        scf.for %parallel_loop3A_356 = %parallel_loop3A_353 to %parallel_loop3A_354 step %parallel_loop3A_355  : i32 {
          %parallel_loop3A_357 = arith.constant 16 : i32
          %parallel_loop3A_358 = arith.muli %parallel_loop3A_356, %parallel_loop3A_357 : i32
          %parallel_loop3A_359 = tpu.assume_multiple %parallel_loop3A_358, 16 : i32
          %parallel_loop3A_360 = arith.constant 1 : i32
          %parallel_loop3A_361 = arith.index_cast %parallel_loop3A_360 : i32 to index
          %parallel_loop3A_362 = arith.index_cast %parallel_loop3A_359 : i32 to index
          %parallel_loop3A_363 = tpu.vector_load %arg12[%parallel_loop3A_361, %parallel_loop3A_362] {strides = array<i32>} : memref<4x2048xf32, #tpu.memory_space<vmem>>, vector<1x16xf32>,
          %parallel_loop3A_364 = vector.shape_cast %parallel_loop3A_363 : vector<1x16xf32> to vector<16xf32>
          %parallel_loop3A_365 = arith.constant 1 : i32
          %parallel_loop3A_366 = arith.index_cast %parallel_loop3A_365 : i32 to index
          %parallel_loop3A_367 = arith.index_cast %parallel_loop3A_359 : i32 to index
          %parallel_loop3A_368 = tpu.vector_load %arg16[%parallel_loop3A_366, %parallel_loop3A_367] {strides = array<i32>} : memref<4x2048xf32, #tpu.memory_space<vmem>>, vector<1x16xf32>,
          %parallel_loop3A_369 = vector.shape_cast %parallel_loop3A_368 : vector<1x16xf32> to vector<16xf32>
          %parallel_loop3A_370 = vector.shape_cast %parallel_loop3A_364 : vector<16xf32> to vector<1x16xf32>
          tpu.vector_store %arg16[%parallel_loop3A_366, %parallel_loop3A_367], %parallel_loop3A_370 {strides = array<i32>} : memref<4x2048xf32, #tpu.memory_space<vmem>>, vector<1x16xf32>,
        } {sc.loop_unroll_factor = 4 : i64, sc.parallel_access}
      } else {
      }
      %slice3A_213 = vector.extract_strided_slice %get3A_130 {offsets = [6], sizes = [1], strides = [1]} : vector<16xi32> to vector<1xi32>
      %squeeze3A_214 = vector.extract %slice3A_213[0] : i32 from vector<1xi32>
      %ne3A_215 = arith.constant 0 : i32
      %ne3A_216 = arith.cmpi ne, %squeeze3A_214, %ne3A_215 : i32
      %or3A_217 = arith.ori %ne3A_216, %eq3A_98 : i1
      %convert_element_type3A_218 = arith.extui %or3A_217 : i1 to i32
      %cond3A_219 = arith.constant 0 : i32
      %cond3A_220 = arith.cmpi ne, %convert_element_type3A_218, %cond3A_219 : i32
      scf.if %cond3A_220 {
        %parallel_loop3A_353 = arith.constant 0 : i32
        %parallel_loop3A_354 = arith.constant 128 : i32
        %parallel_loop3A_355 = arith.constant 1 : i32
        scf.for %parallel_loop3A_356 = %parallel_loop3A_353 to %parallel_loop3A_354 step %parallel_loop3A_355  : i32 {
          %parallel_loop3A_357 = arith.constant 16 : i32
          %parallel_loop3A_358 = arith.muli %parallel_loop3A_356, %parallel_loop3A_357 : i32
          %parallel_loop3A_359 = tpu.assume_multiple %parallel_loop3A_358, 16 : i32
          %parallel_loop3A_360 = arith.constant 2 : i32
          %parallel_loop3A_361 = arith.index_cast %parallel_loop3A_360 : i32 to index
          %parallel_loop3A_362 = arith.index_cast %parallel_loop3A_359 : i32 to index
          %parallel_loop3A_363 = tpu.vector_load %arg12[%parallel_loop3A_361, %parallel_loop3A_362] {strides = array<i32>} : memref<4x2048xf32, #tpu.memory_space<vmem>>, vector<1x16xf32>,
          %parallel_loop3A_364 = vector.shape_cast %parallel_loop3A_363 : vector<1x16xf32> to vector<16xf32>
          %parallel_loop3A_365 = arith.constant 2 : i32
          %parallel_loop3A_366 = arith.index_cast %parallel_loop3A_365 : i32 to index
          %parallel_loop3A_367 = arith.index_cast %parallel_loop3A_359 : i32 to index
          %parallel_loop3A_368 = tpu.vector_load %arg16[%parallel_loop3A_366, %parallel_loop3A_367] {strides = array<i32>} : memref<4x2048xf32, #tpu.memory_space<vmem>>, vector<1x16xf32>,
          %parallel_loop3A_369 = vector.shape_cast %parallel_loop3A_368 : vector<1x16xf32> to vector<16xf32>
          %parallel_loop3A_370 = vector.shape_cast %parallel_loop3A_364 : vector<16xf32> to vector<1x16xf32>
          tpu.vector_store %arg16[%parallel_loop3A_366, %parallel_loop3A_367], %parallel_loop3A_370 {strides = array<i32>} : memref<4x2048xf32, #tpu.memory_space<vmem>>, vector<1x16xf32>,
        } {sc.loop_unroll_factor = 4 : i64, sc.parallel_access}
      } else {
      }
      %slice3A_221 = vector.extract_strided_slice %get3A_130 {offsets = [7], sizes = [1], strides = [1]} : vector<16xi32> to vector<1xi32>
      %squeeze3A_222 = vector.extract %slice3A_221[0] : i32 from vector<1xi32>
      %ne3A_223 = arith.constant 0 : i32
      %ne3A_224 = arith.cmpi ne, %squeeze3A_222, %ne3A_223 : i32
      %or3A_225 = arith.ori %ne3A_224, %eq3A_98 : i1
      %convert_element_type3A_226 = arith.extui %or3A_225 : i1 to i32
      %cond3A_227 = arith.constant 0 : i32
      %cond3A_228 = arith.cmpi ne, %convert_element_type3A_226, %cond3A_227 : i32
      scf.if %cond3A_228 {
        %parallel_loop3A_353 = arith.constant 0 : i32
        %parallel_loop3A_354 = arith.constant 128 : i32
        %parallel_loop3A_355 = arith.constant 1 : i32
        scf.for %parallel_loop3A_356 = %parallel_loop3A_353 to %parallel_loop3A_354 step %parallel_loop3A_355  : i32 {
          %parallel_loop3A_357 = arith.constant 16 : i32
          %parallel_loop3A_358 = arith.muli %parallel_loop3A_356, %parallel_loop3A_357 : i32
          %parallel_loop3A_359 = tpu.assume_multiple %parallel_loop3A_358, 16 : i32
          %parallel_loop3A_360 = arith.constant 3 : i32
          %parallel_loop3A_361 = arith.index_cast %parallel_loop3A_360 : i32 to index
          %parallel_loop3A_362 = arith.index_cast %parallel_loop3A_359 : i32 to index
          %parallel_loop3A_363 = tpu.vector_load %arg12[%parallel_loop3A_361, %parallel_loop3A_362] {strides = array<i32>} : memref<4x2048xf32, #tpu.memory_space<vmem>>, vector<1x16xf32>,
          %parallel_loop3A_364 = vector.shape_cast %parallel_loop3A_363 : vector<1x16xf32> to vector<16xf32>
          %parallel_loop3A_365 = arith.constant 3 : i32
          %parallel_loop3A_366 = arith.index_cast %parallel_loop3A_365 : i32 to index
          %parallel_loop3A_367 = arith.index_cast %parallel_loop3A_359 : i32 to index
          %parallel_loop3A_368 = tpu.vector_load %arg16[%parallel_loop3A_366, %parallel_loop3A_367] {strides = array<i32>} : memref<4x2048xf32, #tpu.memory_space<vmem>>, vector<1x16xf32>,
          %parallel_loop3A_369 = vector.shape_cast %parallel_loop3A_368 : vector<1x16xf32> to vector<16xf32>
          %parallel_loop3A_370 = vector.shape_cast %parallel_loop3A_364 : vector<16xf32> to vector<1x16xf32>
          tpu.vector_store %arg16[%parallel_loop3A_366, %parallel_loop3A_367], %parallel_loop3A_370 {strides = array<i32>} : memref<4x2048xf32, #tpu.memory_space<vmem>>, vector<1x16xf32>,
        } {sc.loop_unroll_factor = 4 : i64, sc.parallel_access}
      } else {
      }
      %multiple_of3A_229 = tpu.assume_multiple %add3A_183, 4 : i32
      %dma_start3A_230 = arith.constant 0 : i32
      %dma_start3A_231 = tpu.memref_slice %arg6[%multiple_of3A_229, %dma_start3A_230] : memref<32768x2048xf32, #tpu.memory_space<hbm>> -> memref<4x2048xf32, #tpu.memory_space<hbm>>
      %dma_start3A_232 = arith.constant 0 : i32
      %dma_start3A_233 = tpu.memref_slice %arg6[%multiple_of3A_229, %dma_start3A_232] : memref<32768x2048xf32, #tpu.memory_space<hbm>> -> memref<4x2048xf32, #tpu.memory_space<hbm>>
      tpu.enqueue_dma source(%arg16 : memref<4x2048xf32, #tpu.memory_space<vmem>>) target(%dma_start3A_233 : memref<4x2048xf32, #tpu.memory_space<hbm>>) target_semaphore(%arg24 : memref<!tpu.dma_semaphore, #tpu.memory_space<semaphore_mem>>)
      %lt3A_234 = arith.constant 63 : i32
      %lt3A_235 = arith.cmpi slt, %scan3A_123, %lt3A_234 : i32
      %convert_element_type3A_236 = arith.extui %lt3A_235 : i1 to i32
      %cond3A_237 = arith.constant 0 : i32
      %cond3A_238 = arith.cmpi ne, %convert_element_type3A_236, %cond3A_237 : i32
      scf.if %cond3A_238 {
        %add3A_353 = arith.constant 16 : i32
        %add3A_354 = arith.addi %add3A_183, %add3A_353 : i32
        %multiple_of3A_355 = tpu.assume_multiple %add3A_354, 4 : i32
        %dma_start3A_356 = arith.constant 0 : i32
        %dma_start3A_357 = tpu.memref_slice %arg2[%multiple_of3A_355, %dma_start3A_356] : memref<32768x2048xf32, #tpu.memory_space<hbm>> -> memref<4x2048xf32, #tpu.memory_space<hbm>>
        %dma_start3A_358 = arith.constant 0 : i32
        %dma_start3A_359 = tpu.memref_slice %arg2[%multiple_of3A_355, %dma_start3A_358] : memref<32768x2048xf32, #tpu.memory_space<hbm>> -> memref<4x2048xf32, #tpu.memory_space<hbm>>
        tpu.enqueue_dma source(%dma_start3A_359 : memref<4x2048xf32, #tpu.memory_space<hbm>>) target(%arg12 : memref<4x2048xf32, #tpu.memory_space<vmem>>) target_semaphore(%arg20 : memref<!tpu.dma_semaphore, #tpu.memory_space<semaphore_mem>>)
      } else {
      }
      %add3A_239 = arith.constant 8 : i32
      %add3A_240 = arith.addi %add3A_126, %add3A_239 : i32
      %multiple_of3A_241 = tpu.assume_multiple %add3A_240, 4 : i32
      %dma_wait3A_242 = arith.constant 0 : i32
      %dma_wait3A_243 = tpu.memref_slice %arg2[%multiple_of3A_241, %dma_wait3A_242] : memref<32768x2048xf32, #tpu.memory_space<hbm>> -> memref<4x2048xf32, #tpu.memory_space<hbm>>
      %dma_wait3A_244 = arith.constant 0 : i32
      %dma_wait3A_245 = tpu.memref_slice %arg2[%multiple_of3A_241, %dma_wait3A_244] : memref<32768x2048xf32, #tpu.memory_space<hbm>> -> memref<4x2048xf32, #tpu.memory_space<hbm>>
      tpu.wait_dma2 semaphore(%arg21 : memref<!tpu.dma_semaphore, #tpu.memory_space<semaphore_mem>>) src(%dma_wait3A_245 : memref<4x2048xf32, #tpu.memory_space<hbm>>) dst(%arg13 : memref<4x2048xf32, #tpu.memory_space<vmem>>)
      %gt3A_246 = arith.constant 0 : i32
      %gt3A_247 = arith.cmpi sgt, %scan3A_123, %gt3A_246 : i32
      %convert_element_type3A_248 = arith.extui %gt3A_247 : i1 to i32
      %cond3A_249 = arith.constant 0 : i32
      %cond3A_250 = arith.cmpi ne, %convert_element_type3A_248, %cond3A_249 : i32
      scf.if %cond3A_250 {
        %multiple_of3A_353 = tpu.assume_multiple %add3A_240, 4 : i32
        %dma_wait3A_354 = arith.constant 0 : i32
        %dma_wait3A_355 = tpu.memref_slice %arg6[%multiple_of3A_353, %dma_wait3A_354] : memref<32768x2048xf32, #tpu.memory_space<hbm>> -> memref<4x2048xf32, #tpu.memory_space<hbm>>
        %dma_wait3A_356 = arith.constant 0 : i32
        %dma_wait3A_357 = tpu.memref_slice %arg6[%multiple_of3A_353, %dma_wait3A_356] : memref<32768x2048xf32, #tpu.memory_space<hbm>> -> memref<4x2048xf32, #tpu.memory_space<hbm>>
        tpu.wait_dma2 semaphore(%arg25 : memref<!tpu.dma_semaphore, #tpu.memory_space<semaphore_mem>>) src(%arg17 : memref<4x2048xf32, #tpu.memory_space<vmem>>) dst(%dma_wait3A_357 : memref<4x2048xf32, #tpu.memory_space<hbm>>)
      } else {
      }
      %parallel_loop3A_251 = arith.constant 0 : i32
      %parallel_loop3A_252 = arith.constant 128 : i32
      %parallel_loop3A_253 = arith.constant 1 : i32
      scf.for %parallel_loop3A_353 = %parallel_loop3A_251 to %parallel_loop3A_252 step %parallel_loop3A_253  : i32 {
        %parallel_loop3A_354 = arith.constant 16 : i32
        %parallel_loop3A_355 = arith.muli %parallel_loop3A_353, %parallel_loop3A_354 : i32
        %parallel_loop3A_356 = tpu.assume_multiple %parallel_loop3A_355, 16 : i32
        %parallel_loop3A_357 = arith.index_cast %parallel_loop3A_356 : i32 to index
        %parallel_loop3A_358 = tpu.vector_load %arg8[%parallel_loop3A_357] {strides = array<i32>} : memref<2048xf32, #tpu.memory_space<vmem>>, vector<16xf32>,
        %parallel_loop3A_359 = vector.shape_cast %parallel_loop3A_358 : vector<16xf32> to vector<16xf32>
        %parallel_loop3A_360 = arith.index_cast %parallel_loop3A_356 : i32 to index
        %parallel_loop3A_361 = tpu.vector_load %arg9[%parallel_loop3A_360] {strides = array<i32>} : memref<2048xf32, #tpu.memory_space<vmem>>, vector<16xf32>,
        %parallel_loop3A_362 = vector.shape_cast %parallel_loop3A_361 : vector<16xf32> to vector<16xf32>
        %parallel_loop3A_363 = arith.constant 0 : i32
        %parallel_loop3A_364 = arith.index_cast %parallel_loop3A_363 : i32 to index
        %parallel_loop3A_365 = arith.index_cast %parallel_loop3A_356 : i32 to index
        %parallel_loop3A_366 = tpu.vector_load %arg13[%parallel_loop3A_364, %parallel_loop3A_365] {strides = array<i32>} : memref<4x2048xf32, #tpu.memory_space<vmem>>, vector<1x16xf32>,
        %parallel_loop3A_367 = vector.shape_cast %parallel_loop3A_366 : vector<1x16xf32> to vector<16xf32>
        %parallel_loop3A_368 = arith.mulf %parallel_loop3A_367, %parallel_loop3A_359 : vector<16xf32>
        %parallel_loop3A_369 = arith.addf %parallel_loop3A_368, %parallel_loop3A_362 : vector<16xf32>
        %parallel_loop3A_370 = arith.constant 0 : i32
        %parallel_loop3A_371 = arith.index_cast %parallel_loop3A_370 : i32 to index
        %parallel_loop3A_372 = arith.index_cast %parallel_loop3A_356 : i32 to index
        %parallel_loop3A_373 = tpu.vector_load %arg17[%parallel_loop3A_371, %parallel_loop3A_372] {strides = array<i32>} : memref<4x2048xf32, #tpu.memory_space<vmem>>, vector<1x16xf32>,
        %parallel_loop3A_374 = vector.shape_cast %parallel_loop3A_373 : vector<1x16xf32> to vector<16xf32>
        %parallel_loop3A_375 = vector.shape_cast %parallel_loop3A_369 : vector<16xf32> to vector<1x16xf32>
        tpu.vector_store %arg17[%parallel_loop3A_371, %parallel_loop3A_372], %parallel_loop3A_375 {strides = array<i32>} : memref<4x2048xf32, #tpu.memory_space<vmem>>, vector<1x16xf32>,
        %parallel_loop3A_376 = arith.constant 1 : i32
        %parallel_loop3A_377 = arith.index_cast %parallel_loop3A_376 : i32 to index
        %parallel_loop3A_378 = arith.index_cast %parallel_loop3A_356 : i32 to index
        %parallel_loop3A_379 = tpu.vector_load %arg13[%parallel_loop3A_377, %parallel_loop3A_378] {strides = array<i32>} : memref<4x2048xf32, #tpu.memory_space<vmem>>, vector<1x16xf32>,
        %parallel_loop3A_380 = vector.shape_cast %parallel_loop3A_379 : vector<1x16xf32> to vector<16xf32>
        %parallel_loop3A_381 = arith.mulf %parallel_loop3A_380, %parallel_loop3A_359 : vector<16xf32>
        %parallel_loop3A_382 = arith.addf %parallel_loop3A_381, %parallel_loop3A_362 : vector<16xf32>
        %parallel_loop3A_383 = arith.constant 1 : i32
        %parallel_loop3A_384 = arith.index_cast %parallel_loop3A_383 : i32 to index
        %parallel_loop3A_385 = arith.index_cast %parallel_loop3A_356 : i32 to index
        %parallel_loop3A_386 = tpu.vector_load %arg17[%parallel_loop3A_384, %parallel_loop3A_385] {strides = array<i32>} : memref<4x2048xf32, #tpu.memory_space<vmem>>, vector<1x16xf32>,
        %parallel_loop3A_387 = vector.shape_cast %parallel_loop3A_386 : vector<1x16xf32> to vector<16xf32>
        %parallel_loop3A_388 = vector.shape_cast %parallel_loop3A_382 : vector<16xf32> to vector<1x16xf32>
        tpu.vector_store %arg17[%parallel_loop3A_384, %parallel_loop3A_385], %parallel_loop3A_388 {strides = array<i32>} : memref<4x2048xf32, #tpu.memory_space<vmem>>, vector<1x16xf32>,
        %parallel_loop3A_389 = arith.constant 2 : i32
        %parallel_loop3A_390 = arith.index_cast %parallel_loop3A_389 : i32 to index
        %parallel_loop3A_391 = arith.index_cast %parallel_loop3A_356 : i32 to index
        %parallel_loop3A_392 = tpu.vector_load %arg13[%parallel_loop3A_390, %parallel_loop3A_391] {strides = array<i32>} : memref<4x2048xf32, #tpu.memory_space<vmem>>, vector<1x16xf32>,
        %parallel_loop3A_393 = vector.shape_cast %parallel_loop3A_392 : vector<1x16xf32> to vector<16xf32>
        %parallel_loop3A_394 = arith.mulf %parallel_loop3A_393, %parallel_loop3A_359 : vector<16xf32>
        %parallel_loop3A_395 = arith.addf %parallel_loop3A_394, %parallel_loop3A_362 : vector<16xf32>
        %parallel_loop3A_396 = arith.constant 2 : i32
        %parallel_loop3A_397 = arith.index_cast %parallel_loop3A_396 : i32 to index
        %parallel_loop3A_398 = arith.index_cast %parallel_loop3A_356 : i32 to index
        %parallel_loop3A_399 = tpu.vector_load %arg17[%parallel_loop3A_397, %parallel_loop3A_398] {strides = array<i32>} : memref<4x2048xf32, #tpu.memory_space<vmem>>, vector<1x16xf32>,
        %parallel_loop3A_400 = vector.shape_cast %parallel_loop3A_399 : vector<1x16xf32> to vector<16xf32>
        %parallel_loop3A_401 = vector.shape_cast %parallel_loop3A_395 : vector<16xf32> to vector<1x16xf32>
        tpu.vector_store %arg17[%parallel_loop3A_397, %parallel_loop3A_398], %parallel_loop3A_401 {strides = array<i32>} : memref<4x2048xf32, #tpu.memory_space<vmem>>, vector<1x16xf32>,
        %parallel_loop3A_402 = arith.constant 3 : i32
        %parallel_loop3A_403 = arith.index_cast %parallel_loop3A_402 : i32 to index
        %parallel_loop3A_404 = arith.index_cast %parallel_loop3A_356 : i32 to index
        %parallel_loop3A_405 = tpu.vector_load %arg13[%parallel_loop3A_403, %parallel_loop3A_404] {strides = array<i32>} : memref<4x2048xf32, #tpu.memory_space<vmem>>, vector<1x16xf32>,
        %parallel_loop3A_406 = vector.shape_cast %parallel_loop3A_405 : vector<1x16xf32> to vector<16xf32>
        %parallel_loop3A_407 = arith.mulf %parallel_loop3A_406, %parallel_loop3A_359 : vector<16xf32>
        %parallel_loop3A_408 = arith.addf %parallel_loop3A_407, %parallel_loop3A_362 : vector<16xf32>
        %parallel_loop3A_409 = arith.constant 3 : i32
        %parallel_loop3A_410 = arith.index_cast %parallel_loop3A_409 : i32 to index
        %parallel_loop3A_411 = arith.index_cast %parallel_loop3A_356 : i32 to index
        %parallel_loop3A_412 = tpu.vector_load %arg17[%parallel_loop3A_410, %parallel_loop3A_411] {strides = array<i32>} : memref<4x2048xf32, #tpu.memory_space<vmem>>, vector<1x16xf32>,
        %parallel_loop3A_413 = vector.shape_cast %parallel_loop3A_412 : vector<1x16xf32> to vector<16xf32>
        %parallel_loop3A_414 = vector.shape_cast %parallel_loop3A_408 : vector<16xf32> to vector<1x16xf32>
        tpu.vector_store %arg17[%parallel_loop3A_410, %parallel_loop3A_411], %parallel_loop3A_414 {strides = array<i32>} : memref<4x2048xf32, #tpu.memory_space<vmem>>, vector<1x16xf32>,
      } {sc.loop_unroll_factor = 2 : i64, sc.parallel_access}
      %slice3A_254 = vector.extract_strided_slice %get3A_130 {offsets = [8], sizes = [1], strides = [1]} : vector<16xi32> to vector<1xi32>
      %squeeze3A_255 = vector.extract %slice3A_254[0] : i32 from vector<1xi32>
      %ne3A_256 = arith.constant 0 : i32
      %ne3A_257 = arith.cmpi ne, %squeeze3A_255, %ne3A_256 : i32
      %or3A_258 = arith.ori %ne3A_257, %eq3A_98 : i1
      %convert_element_type3A_259 = arith.extui %or3A_258 : i1 to i32
      %cond3A_260 = arith.constant 0 : i32
      %cond3A_261 = arith.cmpi ne, %convert_element_type3A_259, %cond3A_260 : i32
      scf.if %cond3A_261 {
        %parallel_loop3A_353 = arith.constant 0 : i32
        %parallel_loop3A_354 = arith.constant 128 : i32
        %parallel_loop3A_355 = arith.constant 1 : i32
        scf.for %parallel_loop3A_356 = %parallel_loop3A_353 to %parallel_loop3A_354 step %parallel_loop3A_355  : i32 {
          %parallel_loop3A_357 = arith.constant 16 : i32
          %parallel_loop3A_358 = arith.muli %parallel_loop3A_356, %parallel_loop3A_357 : i32
          %parallel_loop3A_359 = tpu.assume_multiple %parallel_loop3A_358, 16 : i32
          %parallel_loop3A_360 = arith.constant 0 : i32
          %parallel_loop3A_361 = arith.index_cast %parallel_loop3A_360 : i32 to index
          %parallel_loop3A_362 = arith.index_cast %parallel_loop3A_359 : i32 to index
          %parallel_loop3A_363 = tpu.vector_load %arg13[%parallel_loop3A_361, %parallel_loop3A_362] {strides = array<i32>} : memref<4x2048xf32, #tpu.memory_space<vmem>>, vector<1x16xf32>,
          %parallel_loop3A_364 = vector.shape_cast %parallel_loop3A_363 : vector<1x16xf32> to vector<16xf32>
          %parallel_loop3A_365 = arith.constant 0 : i32
          %parallel_loop3A_366 = arith.index_cast %parallel_loop3A_365 : i32 to index
          %parallel_loop3A_367 = arith.index_cast %parallel_loop3A_359 : i32 to index
          %parallel_loop3A_368 = tpu.vector_load %arg17[%parallel_loop3A_366, %parallel_loop3A_367] {strides = array<i32>} : memref<4x2048xf32, #tpu.memory_space<vmem>>, vector<1x16xf32>,
          %parallel_loop3A_369 = vector.shape_cast %parallel_loop3A_368 : vector<1x16xf32> to vector<16xf32>
          %parallel_loop3A_370 = vector.shape_cast %parallel_loop3A_364 : vector<16xf32> to vector<1x16xf32>
          tpu.vector_store %arg17[%parallel_loop3A_366, %parallel_loop3A_367], %parallel_loop3A_370 {strides = array<i32>} : memref<4x2048xf32, #tpu.memory_space<vmem>>, vector<1x16xf32>,
        } {sc.loop_unroll_factor = 4 : i64, sc.parallel_access}
      } else {
      }
      %slice3A_262 = vector.extract_strided_slice %get3A_130 {offsets = [9], sizes = [1], strides = [1]} : vector<16xi32> to vector<1xi32>
      %squeeze3A_263 = vector.extract %slice3A_262[0] : i32 from vector<1xi32>
      %ne3A_264 = arith.constant 0 : i32
      %ne3A_265 = arith.cmpi ne, %squeeze3A_263, %ne3A_264 : i32
      %or3A_266 = arith.ori %ne3A_265, %eq3A_98 : i1
      %convert_element_type3A_267 = arith.extui %or3A_266 : i1 to i32
      %cond3A_268 = arith.constant 0 : i32
      %cond3A_269 = arith.cmpi ne, %convert_element_type3A_267, %cond3A_268 : i32
      scf.if %cond3A_269 {
        %parallel_loop3A_353 = arith.constant 0 : i32
        %parallel_loop3A_354 = arith.constant 128 : i32
        %parallel_loop3A_355 = arith.constant 1 : i32
        scf.for %parallel_loop3A_356 = %parallel_loop3A_353 to %parallel_loop3A_354 step %parallel_loop3A_355  : i32 {
          %parallel_loop3A_357 = arith.constant 16 : i32
          %parallel_loop3A_358 = arith.muli %parallel_loop3A_356, %parallel_loop3A_357 : i32
          %parallel_loop3A_359 = tpu.assume_multiple %parallel_loop3A_358, 16 : i32
          %parallel_loop3A_360 = arith.constant 1 : i32
          %parallel_loop3A_361 = arith.index_cast %parallel_loop3A_360 : i32 to index
          %parallel_loop3A_362 = arith.index_cast %parallel_loop3A_359 : i32 to index
          %parallel_loop3A_363 = tpu.vector_load %arg13[%parallel_loop3A_361, %parallel_loop3A_362] {strides = array<i32>} : memref<4x2048xf32, #tpu.memory_space<vmem>>, vector<1x16xf32>,
          %parallel_loop3A_364 = vector.shape_cast %parallel_loop3A_363 : vector<1x16xf32> to vector<16xf32>
          %parallel_loop3A_365 = arith.constant 1 : i32
          %parallel_loop3A_366 = arith.index_cast %parallel_loop3A_365 : i32 to index
          %parallel_loop3A_367 = arith.index_cast %parallel_loop3A_359 : i32 to index
          %parallel_loop3A_368 = tpu.vector_load %arg17[%parallel_loop3A_366, %parallel_loop3A_367] {strides = array<i32>} : memref<4x2048xf32, #tpu.memory_space<vmem>>, vector<1x16xf32>,
          %parallel_loop3A_369 = vector.shape_cast %parallel_loop3A_368 : vector<1x16xf32> to vector<16xf32>
          %parallel_loop3A_370 = vector.shape_cast %parallel_loop3A_364 : vector<16xf32> to vector<1x16xf32>
          tpu.vector_store %arg17[%parallel_loop3A_366, %parallel_loop3A_367], %parallel_loop3A_370 {strides = array<i32>} : memref<4x2048xf32, #tpu.memory_space<vmem>>, vector<1x16xf32>,
        } {sc.loop_unroll_factor = 4 : i64, sc.parallel_access}
      } else {
      }
      %slice3A_270 = vector.extract_strided_slice %get3A_130 {offsets = [10], sizes = [1], strides = [1]} : vector<16xi32> to vector<1xi32>
      %squeeze3A_271 = vector.extract %slice3A_270[0] : i32 from vector<1xi32>
      %ne3A_272 = arith.constant 0 : i32
      %ne3A_273 = arith.cmpi ne, %squeeze3A_271, %ne3A_272 : i32
      %or3A_274 = arith.ori %ne3A_273, %eq3A_98 : i1
      %convert_element_type3A_275 = arith.extui %or3A_274 : i1 to i32
      %cond3A_276 = arith.constant 0 : i32
      %cond3A_277 = arith.cmpi ne, %convert_element_type3A_275, %cond3A_276 : i32
      scf.if %cond3A_277 {
        %parallel_loop3A_353 = arith.constant 0 : i32
        %parallel_loop3A_354 = arith.constant 128 : i32
        %parallel_loop3A_355 = arith.constant 1 : i32
        scf.for %parallel_loop3A_356 = %parallel_loop3A_353 to %parallel_loop3A_354 step %parallel_loop3A_355  : i32 {
          %parallel_loop3A_357 = arith.constant 16 : i32
          %parallel_loop3A_358 = arith.muli %parallel_loop3A_356, %parallel_loop3A_357 : i32
          %parallel_loop3A_359 = tpu.assume_multiple %parallel_loop3A_358, 16 : i32
          %parallel_loop3A_360 = arith.constant 2 : i32
          %parallel_loop3A_361 = arith.index_cast %parallel_loop3A_360 : i32 to index
          %parallel_loop3A_362 = arith.index_cast %parallel_loop3A_359 : i32 to index
          %parallel_loop3A_363 = tpu.vector_load %arg13[%parallel_loop3A_361, %parallel_loop3A_362] {strides = array<i32>} : memref<4x2048xf32, #tpu.memory_space<vmem>>, vector<1x16xf32>,
          %parallel_loop3A_364 = vector.shape_cast %parallel_loop3A_363 : vector<1x16xf32> to vector<16xf32>
          %parallel_loop3A_365 = arith.constant 2 : i32
          %parallel_loop3A_366 = arith.index_cast %parallel_loop3A_365 : i32 to index
          %parallel_loop3A_367 = arith.index_cast %parallel_loop3A_359 : i32 to index
          %parallel_loop3A_368 = tpu.vector_load %arg17[%parallel_loop3A_366, %parallel_loop3A_367] {strides = array<i32>} : memref<4x2048xf32, #tpu.memory_space<vmem>>, vector<1x16xf32>,
          %parallel_loop3A_369 = vector.shape_cast %parallel_loop3A_368 : vector<1x16xf32> to vector<16xf32>
          %parallel_loop3A_370 = vector.shape_cast %parallel_loop3A_364 : vector<16xf32> to vector<1x16xf32>
          tpu.vector_store %arg17[%parallel_loop3A_366, %parallel_loop3A_367], %parallel_loop3A_370 {strides = array<i32>} : memref<4x2048xf32, #tpu.memory_space<vmem>>, vector<1x16xf32>,
        } {sc.loop_unroll_factor = 4 : i64, sc.parallel_access}
      } else {
      }
      %slice3A_278 = vector.extract_strided_slice %get3A_130 {offsets = [11], sizes = [1], strides = [1]} : vector<16xi32> to vector<1xi32>
      %squeeze3A_279 = vector.extract %slice3A_278[0] : i32 from vector<1xi32>
      %ne3A_280 = arith.constant 0 : i32
      %ne3A_281 = arith.cmpi ne, %squeeze3A_279, %ne3A_280 : i32
      %or3A_282 = arith.ori %ne3A_281, %eq3A_98 : i1
      %convert_element_type3A_283 = arith.extui %or3A_282 : i1 to i32
      %cond3A_284 = arith.constant 0 : i32
      %cond3A_285 = arith.cmpi ne, %convert_element_type3A_283, %cond3A_284 : i32
      scf.if %cond3A_285 {
        %parallel_loop3A_353 = arith.constant 0 : i32
        %parallel_loop3A_354 = arith.constant 128 : i32
        %parallel_loop3A_355 = arith.constant 1 : i32
        scf.for %parallel_loop3A_356 = %parallel_loop3A_353 to %parallel_loop3A_354 step %parallel_loop3A_355  : i32 {
          %parallel_loop3A_357 = arith.constant 16 : i32
          %parallel_loop3A_358 = arith.muli %parallel_loop3A_356, %parallel_loop3A_357 : i32
          %parallel_loop3A_359 = tpu.assume_multiple %parallel_loop3A_358, 16 : i32
          %parallel_loop3A_360 = arith.constant 3 : i32
          %parallel_loop3A_361 = arith.index_cast %parallel_loop3A_360 : i32 to index
          %parallel_loop3A_362 = arith.index_cast %parallel_loop3A_359 : i32 to index
          %parallel_loop3A_363 = tpu.vector_load %arg13[%parallel_loop3A_361, %parallel_loop3A_362] {strides = array<i32>} : memref<4x2048xf32, #tpu.memory_space<vmem>>, vector<1x16xf32>,
          %parallel_loop3A_364 = vector.shape_cast %parallel_loop3A_363 : vector<1x16xf32> to vector<16xf32>
          %parallel_loop3A_365 = arith.constant 3 : i32
          %parallel_loop3A_366 = arith.index_cast %parallel_loop3A_365 : i32 to index
          %parallel_loop3A_367 = arith.index_cast %parallel_loop3A_359 : i32 to index
          %parallel_loop3A_368 = tpu.vector_load %arg17[%parallel_loop3A_366, %parallel_loop3A_367] {strides = array<i32>} : memref<4x2048xf32, #tpu.memory_space<vmem>>, vector<1x16xf32>,
          %parallel_loop3A_369 = vector.shape_cast %parallel_loop3A_368 : vector<1x16xf32> to vector<16xf32>
          %parallel_loop3A_370 = vector.shape_cast %parallel_loop3A_364 : vector<16xf32> to vector<1x16xf32>
          tpu.vector_store %arg17[%parallel_loop3A_366, %parallel_loop3A_367], %parallel_loop3A_370 {strides = array<i32>} : memref<4x2048xf32, #tpu.memory_space<vmem>>, vector<1x16xf32>,
        } {sc.loop_unroll_factor = 4 : i64, sc.parallel_access}
      } else {
      }
      %multiple_of3A_286 = tpu.assume_multiple %add3A_240, 4 : i32
      %dma_start3A_287 = arith.constant 0 : i32
      %dma_start3A_288 = tpu.memref_slice %arg6[%multiple_of3A_286, %dma_start3A_287] : memref<32768x2048xf32, #tpu.memory_space<hbm>> -> memref<4x2048xf32, #tpu.memory_space<hbm>>
      %dma_start3A_289 = arith.constant 0 : i32
      %dma_start3A_290 = tpu.memref_slice %arg6[%multiple_of3A_286, %dma_start3A_289] : memref<32768x2048xf32, #tpu.memory_space<hbm>> -> memref<4x2048xf32, #tpu.memory_space<hbm>>
      tpu.enqueue_dma source(%arg17 : memref<4x2048xf32, #tpu.memory_space<vmem>>) target(%dma_start3A_290 : memref<4x2048xf32, #tpu.memory_space<hbm>>) target_semaphore(%arg25 : memref<!tpu.dma_semaphore, #tpu.memory_space<semaphore_mem>>)
      %lt3A_291 = arith.constant 63 : i32
      %lt3A_292 = arith.cmpi slt, %scan3A_123, %lt3A_291 : i32
      %convert_element_type3A_293 = arith.extui %lt3A_292 : i1 to i32
      %cond3A_294 = arith.constant 0 : i32
      %cond3A_295 = arith.cmpi ne, %convert_element_type3A_293, %cond3A_294 : i32
      scf.if %cond3A_295 {
        %add3A_353 = arith.constant 16 : i32
        %add3A_354 = arith.addi %add3A_240, %add3A_353 : i32
        %multiple_of3A_355 = tpu.assume_multiple %add3A_354, 4 : i32
        %dma_start3A_356 = arith.constant 0 : i32
        %dma_start3A_357 = tpu.memref_slice %arg2[%multiple_of3A_355, %dma_start3A_356] : memref<32768x2048xf32, #tpu.memory_space<hbm>> -> memref<4x2048xf32, #tpu.memory_space<hbm>>
        %dma_start3A_358 = arith.constant 0 : i32
        %dma_start3A_359 = tpu.memref_slice %arg2[%multiple_of3A_355, %dma_start3A_358] : memref<32768x2048xf32, #tpu.memory_space<hbm>> -> memref<4x2048xf32, #tpu.memory_space<hbm>>
        tpu.enqueue_dma source(%dma_start3A_359 : memref<4x2048xf32, #tpu.memory_space<hbm>>) target(%arg13 : memref<4x2048xf32, #tpu.memory_space<vmem>>) target_semaphore(%arg21 : memref<!tpu.dma_semaphore, #tpu.memory_space<semaphore_mem>>)
      } else {
      }
      %add3A_296 = arith.constant 12 : i32
      %add3A_297 = arith.addi %add3A_126, %add3A_296 : i32
      %multiple_of3A_298 = tpu.assume_multiple %add3A_297, 4 : i32
      %dma_wait3A_299 = arith.constant 0 : i32
      %dma_wait3A_300 = tpu.memref_slice %arg2[%multiple_of3A_298, %dma_wait3A_299] : memref<32768x2048xf32, #tpu.memory_space<hbm>> -> memref<4x2048xf32, #tpu.memory_space<hbm>>
      %dma_wait3A_301 = arith.constant 0 : i32
      %dma_wait3A_302 = tpu.memref_slice %arg2[%multiple_of3A_298, %dma_wait3A_301] : memref<32768x2048xf32, #tpu.memory_space<hbm>> -> memref<4x2048xf32, #tpu.memory_space<hbm>>
      tpu.wait_dma2 semaphore(%arg22 : memref<!tpu.dma_semaphore, #tpu.memory_space<semaphore_mem>>) src(%dma_wait3A_302 : memref<4x2048xf32, #tpu.memory_space<hbm>>) dst(%arg14 : memref<4x2048xf32, #tpu.memory_space<vmem>>)
      %gt3A_303 = arith.constant 0 : i32
      %gt3A_304 = arith.cmpi sgt, %scan3A_123, %gt3A_303 : i32
      %convert_element_type3A_305 = arith.extui %gt3A_304 : i1 to i32
      %cond3A_306 = arith.constant 0 : i32
      %cond3A_307 = arith.cmpi ne, %convert_element_type3A_305, %cond3A_306 : i32
      scf.if %cond3A_307 {
        %multiple_of3A_353 = tpu.assume_multiple %add3A_297, 4 : i32
        %dma_wait3A_354 = arith.constant 0 : i32
        %dma_wait3A_355 = tpu.memref_slice %arg6[%multiple_of3A_353, %dma_wait3A_354] : memref<32768x2048xf32, #tpu.memory_space<hbm>> -> memref<4x2048xf32, #tpu.memory_space<hbm>>
        %dma_wait3A_356 = arith.constant 0 : i32
        %dma_wait3A_357 = tpu.memref_slice %arg6[%multiple_of3A_353, %dma_wait3A_356] : memref<32768x2048xf32, #tpu.memory_space<hbm>> -> memref<4x2048xf32, #tpu.memory_space<hbm>>
        tpu.wait_dma2 semaphore(%arg26 : memref<!tpu.dma_semaphore, #tpu.memory_space<semaphore_mem>>) src(%arg18 : memref<4x2048xf32, #tpu.memory_space<vmem>>) dst(%dma_wait3A_357 : memref<4x2048xf32, #tpu.memory_space<hbm>>)
      } else {
      }
      %parallel_loop3A_308 = arith.constant 0 : i32
      %parallel_loop3A_309 = arith.constant 128 : i32
      %parallel_loop3A_310 = arith.constant 1 : i32
      scf.for %parallel_loop3A_353 = %parallel_loop3A_308 to %parallel_loop3A_309 step %parallel_loop3A_310  : i32 {
        %parallel_loop3A_354 = arith.constant 16 : i32
        %parallel_loop3A_355 = arith.muli %parallel_loop3A_353, %parallel_loop3A_354 : i32
        %parallel_loop3A_356 = tpu.assume_multiple %parallel_loop3A_355, 16 : i32
        %parallel_loop3A_357 = arith.index_cast %parallel_loop3A_356 : i32 to index
        %parallel_loop3A_358 = tpu.vector_load %arg8[%parallel_loop3A_357] {strides = array<i32>} : memref<2048xf32, #tpu.memory_space<vmem>>, vector<16xf32>,
        %parallel_loop3A_359 = vector.shape_cast %parallel_loop3A_358 : vector<16xf32> to vector<16xf32>
        %parallel_loop3A_360 = arith.index_cast %parallel_loop3A_356 : i32 to index
        %parallel_loop3A_361 = tpu.vector_load %arg9[%parallel_loop3A_360] {strides = array<i32>} : memref<2048xf32, #tpu.memory_space<vmem>>, vector<16xf32>,
        %parallel_loop3A_362 = vector.shape_cast %parallel_loop3A_361 : vector<16xf32> to vector<16xf32>
        %parallel_loop3A_363 = arith.constant 0 : i32
        %parallel_loop3A_364 = arith.index_cast %parallel_loop3A_363 : i32 to index
        %parallel_loop3A_365 = arith.index_cast %parallel_loop3A_356 : i32 to index
        %parallel_loop3A_366 = tpu.vector_load %arg14[%parallel_loop3A_364, %parallel_loop3A_365] {strides = array<i32>} : memref<4x2048xf32, #tpu.memory_space<vmem>>, vector<1x16xf32>,
        %parallel_loop3A_367 = vector.shape_cast %parallel_loop3A_366 : vector<1x16xf32> to vector<16xf32>
        %parallel_loop3A_368 = arith.mulf %parallel_loop3A_367, %parallel_loop3A_359 : vector<16xf32>
        %parallel_loop3A_369 = arith.addf %parallel_loop3A_368, %parallel_loop3A_362 : vector<16xf32>
        %parallel_loop3A_370 = arith.constant 0 : i32
        %parallel_loop3A_371 = arith.index_cast %parallel_loop3A_370 : i32 to index
        %parallel_loop3A_372 = arith.index_cast %parallel_loop3A_356 : i32 to index
        %parallel_loop3A_373 = tpu.vector_load %arg18[%parallel_loop3A_371, %parallel_loop3A_372] {strides = array<i32>} : memref<4x2048xf32, #tpu.memory_space<vmem>>, vector<1x16xf32>,
        %parallel_loop3A_374 = vector.shape_cast %parallel_loop3A_373 : vector<1x16xf32> to vector<16xf32>
        %parallel_loop3A_375 = vector.shape_cast %parallel_loop3A_369 : vector<16xf32> to vector<1x16xf32>
        tpu.vector_store %arg18[%parallel_loop3A_371, %parallel_loop3A_372], %parallel_loop3A_375 {strides = array<i32>} : memref<4x2048xf32, #tpu.memory_space<vmem>>, vector<1x16xf32>,
        %parallel_loop3A_376 = arith.constant 1 : i32
        %parallel_loop3A_377 = arith.index_cast %parallel_loop3A_376 : i32 to index
        %parallel_loop3A_378 = arith.index_cast %parallel_loop3A_356 : i32 to index
        %parallel_loop3A_379 = tpu.vector_load %arg14[%parallel_loop3A_377, %parallel_loop3A_378] {strides = array<i32>} : memref<4x2048xf32, #tpu.memory_space<vmem>>, vector<1x16xf32>,
        %parallel_loop3A_380 = vector.shape_cast %parallel_loop3A_379 : vector<1x16xf32> to vector<16xf32>
        %parallel_loop3A_381 = arith.mulf %parallel_loop3A_380, %parallel_loop3A_359 : vector<16xf32>
        %parallel_loop3A_382 = arith.addf %parallel_loop3A_381, %parallel_loop3A_362 : vector<16xf32>
        %parallel_loop3A_383 = arith.constant 1 : i32
        %parallel_loop3A_384 = arith.index_cast %parallel_loop3A_383 : i32 to index
        %parallel_loop3A_385 = arith.index_cast %parallel_loop3A_356 : i32 to index
        %parallel_loop3A_386 = tpu.vector_load %arg18[%parallel_loop3A_384, %parallel_loop3A_385] {strides = array<i32>} : memref<4x2048xf32, #tpu.memory_space<vmem>>, vector<1x16xf32>,
        %parallel_loop3A_387 = vector.shape_cast %parallel_loop3A_386 : vector<1x16xf32> to vector<16xf32>
        %parallel_loop3A_388 = vector.shape_cast %parallel_loop3A_382 : vector<16xf32> to vector<1x16xf32>
        tpu.vector_store %arg18[%parallel_loop3A_384, %parallel_loop3A_385], %parallel_loop3A_388 {strides = array<i32>} : memref<4x2048xf32, #tpu.memory_space<vmem>>, vector<1x16xf32>,
        %parallel_loop3A_389 = arith.constant 2 : i32
        %parallel_loop3A_390 = arith.index_cast %parallel_loop3A_389 : i32 to index
        %parallel_loop3A_391 = arith.index_cast %parallel_loop3A_356 : i32 to index
        %parallel_loop3A_392 = tpu.vector_load %arg14[%parallel_loop3A_390, %parallel_loop3A_391] {strides = array<i32>} : memref<4x2048xf32, #tpu.memory_space<vmem>>, vector<1x16xf32>,
        %parallel_loop3A_393 = vector.shape_cast %parallel_loop3A_392 : vector<1x16xf32> to vector<16xf32>
        %parallel_loop3A_394 = arith.mulf %parallel_loop3A_393, %parallel_loop3A_359 : vector<16xf32>
        %parallel_loop3A_395 = arith.addf %parallel_loop3A_394, %parallel_loop3A_362 : vector<16xf32>
        %parallel_loop3A_396 = arith.constant 2 : i32
        %parallel_loop3A_397 = arith.index_cast %parallel_loop3A_396 : i32 to index
        %parallel_loop3A_398 = arith.index_cast %parallel_loop3A_356 : i32 to index
        %parallel_loop3A_399 = tpu.vector_load %arg18[%parallel_loop3A_397, %parallel_loop3A_398] {strides = array<i32>} : memref<4x2048xf32, #tpu.memory_space<vmem>>, vector<1x16xf32>,
        %parallel_loop3A_400 = vector.shape_cast %parallel_loop3A_399 : vector<1x16xf32> to vector<16xf32>
        %parallel_loop3A_401 = vector.shape_cast %parallel_loop3A_395 : vector<16xf32> to vector<1x16xf32>
        tpu.vector_store %arg18[%parallel_loop3A_397, %parallel_loop3A_398], %parallel_loop3A_401 {strides = array<i32>} : memref<4x2048xf32, #tpu.memory_space<vmem>>, vector<1x16xf32>,
        %parallel_loop3A_402 = arith.constant 3 : i32
        %parallel_loop3A_403 = arith.index_cast %parallel_loop3A_402 : i32 to index
        %parallel_loop3A_404 = arith.index_cast %parallel_loop3A_356 : i32 to index
        %parallel_loop3A_405 = tpu.vector_load %arg14[%parallel_loop3A_403, %parallel_loop3A_404] {strides = array<i32>} : memref<4x2048xf32, #tpu.memory_space<vmem>>, vector<1x16xf32>,
        %parallel_loop3A_406 = vector.shape_cast %parallel_loop3A_405 : vector<1x16xf32> to vector<16xf32>
        %parallel_loop3A_407 = arith.mulf %parallel_loop3A_406, %parallel_loop3A_359 : vector<16xf32>
        %parallel_loop3A_408 = arith.addf %parallel_loop3A_407, %parallel_loop3A_362 : vector<16xf32>
        %parallel_loop3A_409 = arith.constant 3 : i32
        %parallel_loop3A_410 = arith.index_cast %parallel_loop3A_409 : i32 to index
        %parallel_loop3A_411 = arith.index_cast %parallel_loop3A_356 : i32 to index
        %parallel_loop3A_412 = tpu.vector_load %arg18[%parallel_loop3A_410, %parallel_loop3A_411] {strides = array<i32>} : memref<4x2048xf32, #tpu.memory_space<vmem>>, vector<1x16xf32>,
        %parallel_loop3A_413 = vector.shape_cast %parallel_loop3A_412 : vector<1x16xf32> to vector<16xf32>
        %parallel_loop3A_414 = vector.shape_cast %parallel_loop3A_408 : vector<16xf32> to vector<1x16xf32>
        tpu.vector_store %arg18[%parallel_loop3A_410, %parallel_loop3A_411], %parallel_loop3A_414 {strides = array<i32>} : memref<4x2048xf32, #tpu.memory_space<vmem>>, vector<1x16xf32>,
      } {sc.loop_unroll_factor = 2 : i64, sc.parallel_access}
      %slice3A_311 = vector.extract_strided_slice %get3A_130 {offsets = [12], sizes = [1], strides = [1]} : vector<16xi32> to vector<1xi32>
      %squeeze3A_312 = vector.extract %slice3A_311[0] : i32 from vector<1xi32>
      %ne3A_313 = arith.constant 0 : i32
      %ne3A_314 = arith.cmpi ne, %squeeze3A_312, %ne3A_313 : i32
      %or3A_315 = arith.ori %ne3A_314, %eq3A_98 : i1
      %convert_element_type3A_316 = arith.extui %or3A_315 : i1 to i32
      %cond3A_317 = arith.constant 0 : i32
      %cond3A_318 = arith.cmpi ne, %convert_element_type3A_316, %cond3A_317 : i32
      scf.if %cond3A_318 {
        %parallel_loop3A_353 = arith.constant 0 : i32
        %parallel_loop3A_354 = arith.constant 128 : i32
        %parallel_loop3A_355 = arith.constant 1 : i32
        scf.for %parallel_loop3A_356 = %parallel_loop3A_353 to %parallel_loop3A_354 step %parallel_loop3A_355  : i32 {
          %parallel_loop3A_357 = arith.constant 16 : i32
          %parallel_loop3A_358 = arith.muli %parallel_loop3A_356, %parallel_loop3A_357 : i32
          %parallel_loop3A_359 = tpu.assume_multiple %parallel_loop3A_358, 16 : i32
          %parallel_loop3A_360 = arith.constant 0 : i32
          %parallel_loop3A_361 = arith.index_cast %parallel_loop3A_360 : i32 to index
          %parallel_loop3A_362 = arith.index_cast %parallel_loop3A_359 : i32 to index
          %parallel_loop3A_363 = tpu.vector_load %arg14[%parallel_loop3A_361, %parallel_loop3A_362] {strides = array<i32>} : memref<4x2048xf32, #tpu.memory_space<vmem>>, vector<1x16xf32>,
          %parallel_loop3A_364 = vector.shape_cast %parallel_loop3A_363 : vector<1x16xf32> to vector<16xf32>
          %parallel_loop3A_365 = arith.constant 0 : i32
          %parallel_loop3A_366 = arith.index_cast %parallel_loop3A_365 : i32 to index
          %parallel_loop3A_367 = arith.index_cast %parallel_loop3A_359 : i32 to index
          %parallel_loop3A_368 = tpu.vector_load %arg18[%parallel_loop3A_366, %parallel_loop3A_367] {strides = array<i32>} : memref<4x2048xf32, #tpu.memory_space<vmem>>, vector<1x16xf32>,
          %parallel_loop3A_369 = vector.shape_cast %parallel_loop3A_368 : vector<1x16xf32> to vector<16xf32>
          %parallel_loop3A_370 = vector.shape_cast %parallel_loop3A_364 : vector<16xf32> to vector<1x16xf32>
          tpu.vector_store %arg18[%parallel_loop3A_366, %parallel_loop3A_367], %parallel_loop3A_370 {strides = array<i32>} : memref<4x2048xf32, #tpu.memory_space<vmem>>, vector<1x16xf32>,
        } {sc.loop_unroll_factor = 4 : i64, sc.parallel_access}
      } else {
      }
      %slice3A_319 = vector.extract_strided_slice %get3A_130 {offsets = [13], sizes = [1], strides = [1]} : vector<16xi32> to vector<1xi32>
      %squeeze3A_320 = vector.extract %slice3A_319[0] : i32 from vector<1xi32>
      %ne3A_321 = arith.constant 0 : i32
      %ne3A_322 = arith.cmpi ne, %squeeze3A_320, %ne3A_321 : i32
      %or3A_323 = arith.ori %ne3A_322, %eq3A_98 : i1
      %convert_element_type3A_324 = arith.extui %or3A_323 : i1 to i32
      %cond3A_325 = arith.constant 0 : i32
      %cond3A_326 = arith.cmpi ne, %convert_element_type3A_324, %cond3A_325 : i32
      scf.if %cond3A_326 {
        %parallel_loop3A_353 = arith.constant 0 : i32
        %parallel_loop3A_354 = arith.constant 128 : i32
        %parallel_loop3A_355 = arith.constant 1 : i32
        scf.for %parallel_loop3A_356 = %parallel_loop3A_353 to %parallel_loop3A_354 step %parallel_loop3A_355  : i32 {
          %parallel_loop3A_357 = arith.constant 16 : i32
          %parallel_loop3A_358 = arith.muli %parallel_loop3A_356, %parallel_loop3A_357 : i32
          %parallel_loop3A_359 = tpu.assume_multiple %parallel_loop3A_358, 16 : i32
          %parallel_loop3A_360 = arith.constant 1 : i32
          %parallel_loop3A_361 = arith.index_cast %parallel_loop3A_360 : i32 to index
          %parallel_loop3A_362 = arith.index_cast %parallel_loop3A_359 : i32 to index
          %parallel_loop3A_363 = tpu.vector_load %arg14[%parallel_loop3A_361, %parallel_loop3A_362] {strides = array<i32>} : memref<4x2048xf32, #tpu.memory_space<vmem>>, vector<1x16xf32>,
          %parallel_loop3A_364 = vector.shape_cast %parallel_loop3A_363 : vector<1x16xf32> to vector<16xf32>
          %parallel_loop3A_365 = arith.constant 1 : i32
          %parallel_loop3A_366 = arith.index_cast %parallel_loop3A_365 : i32 to index
          %parallel_loop3A_367 = arith.index_cast %parallel_loop3A_359 : i32 to index
          %parallel_loop3A_368 = tpu.vector_load %arg18[%parallel_loop3A_366, %parallel_loop3A_367] {strides = array<i32>} : memref<4x2048xf32, #tpu.memory_space<vmem>>, vector<1x16xf32>,
          %parallel_loop3A_369 = vector.shape_cast %parallel_loop3A_368 : vector<1x16xf32> to vector<16xf32>
          %parallel_loop3A_370 = vector.shape_cast %parallel_loop3A_364 : vector<16xf32> to vector<1x16xf32>
          tpu.vector_store %arg18[%parallel_loop3A_366, %parallel_loop3A_367], %parallel_loop3A_370 {strides = array<i32>} : memref<4x2048xf32, #tpu.memory_space<vmem>>, vector<1x16xf32>,
        } {sc.loop_unroll_factor = 4 : i64, sc.parallel_access}
      } else {
      }
      %slice3A_327 = vector.extract_strided_slice %get3A_130 {offsets = [14], sizes = [1], strides = [1]} : vector<16xi32> to vector<1xi32>
      %squeeze3A_328 = vector.extract %slice3A_327[0] : i32 from vector<1xi32>
      %ne3A_329 = arith.constant 0 : i32
      %ne3A_330 = arith.cmpi ne, %squeeze3A_328, %ne3A_329 : i32
      %or3A_331 = arith.ori %ne3A_330, %eq3A_98 : i1
      %convert_element_type3A_332 = arith.extui %or3A_331 : i1 to i32
      %cond3A_333 = arith.constant 0 : i32
      %cond3A_334 = arith.cmpi ne, %convert_element_type3A_332, %cond3A_333 : i32
      scf.if %cond3A_334 {
        %parallel_loop3A_353 = arith.constant 0 : i32
        %parallel_loop3A_354 = arith.constant 128 : i32
        %parallel_loop3A_355 = arith.constant 1 : i32
        scf.for %parallel_loop3A_356 = %parallel_loop3A_353 to %parallel_loop3A_354 step %parallel_loop3A_355  : i32 {
          %parallel_loop3A_357 = arith.constant 16 : i32
          %parallel_loop3A_358 = arith.muli %parallel_loop3A_356, %parallel_loop3A_357 : i32
          %parallel_loop3A_359 = tpu.assume_multiple %parallel_loop3A_358, 16 : i32
          %parallel_loop3A_360 = arith.constant 2 : i32
          %parallel_loop3A_361 = arith.index_cast %parallel_loop3A_360 : i32 to index
          %parallel_loop3A_362 = arith.index_cast %parallel_loop3A_359 : i32 to index
          %parallel_loop3A_363 = tpu.vector_load %arg14[%parallel_loop3A_361, %parallel_loop3A_362] {strides = array<i32>} : memref<4x2048xf32, #tpu.memory_space<vmem>>, vector<1x16xf32>,
          %parallel_loop3A_364 = vector.shape_cast %parallel_loop3A_363 : vector<1x16xf32> to vector<16xf32>
          %parallel_loop3A_365 = arith.constant 2 : i32
          %parallel_loop3A_366 = arith.index_cast %parallel_loop3A_365 : i32 to index
          %parallel_loop3A_367 = arith.index_cast %parallel_loop3A_359 : i32 to index
          %parallel_loop3A_368 = tpu.vector_load %arg18[%parallel_loop3A_366, %parallel_loop3A_367] {strides = array<i32>} : memref<4x2048xf32, #tpu.memory_space<vmem>>, vector<1x16xf32>,
          %parallel_loop3A_369 = vector.shape_cast %parallel_loop3A_368 : vector<1x16xf32> to vector<16xf32>
          %parallel_loop3A_370 = vector.shape_cast %parallel_loop3A_364 : vector<16xf32> to vector<1x16xf32>
          tpu.vector_store %arg18[%parallel_loop3A_366, %parallel_loop3A_367], %parallel_loop3A_370 {strides = array<i32>} : memref<4x2048xf32, #tpu.memory_space<vmem>>, vector<1x16xf32>,
        } {sc.loop_unroll_factor = 4 : i64, sc.parallel_access}
      } else {
      }
      %slice3A_335 = vector.extract_strided_slice %get3A_130 {offsets = [15], sizes = [1], strides = [1]} : vector<16xi32> to vector<1xi32>
      %squeeze3A_336 = vector.extract %slice3A_335[0] : i32 from vector<1xi32>
      %ne3A_337 = arith.constant 0 : i32
      %ne3A_338 = arith.cmpi ne, %squeeze3A_336, %ne3A_337 : i32
      %or3A_339 = arith.ori %ne3A_338, %eq3A_98 : i1
      %convert_element_type3A_340 = arith.extui %or3A_339 : i1 to i32
      %cond3A_341 = arith.constant 0 : i32
      %cond3A_342 = arith.cmpi ne, %convert_element_type3A_340, %cond3A_341 : i32
      scf.if %cond3A_342 {
        %parallel_loop3A_353 = arith.constant 0 : i32
        %parallel_loop3A_354 = arith.constant 128 : i32
        %parallel_loop3A_355 = arith.constant 1 : i32
        scf.for %parallel_loop3A_356 = %parallel_loop3A_353 to %parallel_loop3A_354 step %parallel_loop3A_355  : i32 {
          %parallel_loop3A_357 = arith.constant 16 : i32
          %parallel_loop3A_358 = arith.muli %parallel_loop3A_356, %parallel_loop3A_357 : i32
          %parallel_loop3A_359 = tpu.assume_multiple %parallel_loop3A_358, 16 : i32
          %parallel_loop3A_360 = arith.constant 3 : i32
          %parallel_loop3A_361 = arith.index_cast %parallel_loop3A_360 : i32 to index
          %parallel_loop3A_362 = arith.index_cast %parallel_loop3A_359 : i32 to index
          %parallel_loop3A_363 = tpu.vector_load %arg14[%parallel_loop3A_361, %parallel_loop3A_362] {strides = array<i32>} : memref<4x2048xf32, #tpu.memory_space<vmem>>, vector<1x16xf32>,
          %parallel_loop3A_364 = vector.shape_cast %parallel_loop3A_363 : vector<1x16xf32> to vector<16xf32>
          %parallel_loop3A_365 = arith.constant 3 : i32
          %parallel_loop3A_366 = arith.index_cast %parallel_loop3A_365 : i32 to index
          %parallel_loop3A_367 = arith.index_cast %parallel_loop3A_359 : i32 to index
          %parallel_loop3A_368 = tpu.vector_load %arg18[%parallel_loop3A_366, %parallel_loop3A_367] {strides = array<i32>} : memref<4x2048xf32, #tpu.memory_space<vmem>>, vector<1x16xf32>,
          %parallel_loop3A_369 = vector.shape_cast %parallel_loop3A_368 : vector<1x16xf32> to vector<16xf32>
          %parallel_loop3A_370 = vector.shape_cast %parallel_loop3A_364 : vector<16xf32> to vector<1x16xf32>
          tpu.vector_store %arg18[%parallel_loop3A_366, %parallel_loop3A_367], %parallel_loop3A_370 {strides = array<i32>} : memref<4x2048xf32, #tpu.memory_space<vmem>>, vector<1x16xf32>,
        } {sc.loop_unroll_factor = 4 : i64, sc.parallel_access}
      } else {
      }
      %multiple_of3A_343 = tpu.assume_multiple %add3A_297, 4 : i32
      %dma_start3A_344 = arith.constant 0 : i32
      %dma_start3A_345 = tpu.memref_slice %arg6[%multiple_of3A_343, %dma_start3A_344] : memref<32768x2048xf32, #tpu.memory_space<hbm>> -> memref<4x2048xf32, #tpu.memory_space<hbm>>
      %dma_start3A_346 = arith.constant 0 : i32
      %dma_start3A_347 = tpu.memref_slice %arg6[%multiple_of3A_343, %dma_start3A_346] : memref<32768x2048xf32, #tpu.memory_space<hbm>> -> memref<4x2048xf32, #tpu.memory_space<hbm>>
      tpu.enqueue_dma source(%arg18 : memref<4x2048xf32, #tpu.memory_space<vmem>>) target(%dma_start3A_347 : memref<4x2048xf32, #tpu.memory_space<hbm>>) target_semaphore(%arg26 : memref<!tpu.dma_semaphore, #tpu.memory_space<semaphore_mem>>)
      %lt3A_348 = arith.constant 63 : i32
      %lt3A_349 = arith.cmpi slt, %scan3A_123, %lt3A_348 : i32
      %convert_element_type3A_350 = arith.extui %lt3A_349 : i1 to i32
      %cond3A_351 = arith.constant 0 : i32
      %cond3A_352 = arith.cmpi ne, %convert_element_type3A_350, %cond3A_351 : i32
      scf.if %cond3A_352 {
        %add3A_353 = arith.constant 16 : i32
        %add3A_354 = arith.addi %add3A_297, %add3A_353 : i32
        %multiple_of3A_355 = tpu.assume_multiple %add3A_354, 4 : i32
        %dma_start3A_356 = arith.constant 0 : i32
        %dma_start3A_357 = tpu.memref_slice %arg2[%multiple_of3A_355, %dma_start3A_356] : memref<32768x2048xf32, #tpu.memory_space<hbm>> -> memref<4x2048xf32, #tpu.memory_space<hbm>>
        %dma_start3A_358 = arith.constant 0 : i32
        %dma_start3A_359 = tpu.memref_slice %arg2[%multiple_of3A_355, %dma_start3A_358] : memref<32768x2048xf32, #tpu.memory_space<hbm>> -> memref<4x2048xf32, #tpu.memory_space<hbm>>
        tpu.enqueue_dma source(%dma_start3A_359 : memref<4x2048xf32, #tpu.memory_space<hbm>>) target(%arg14 : memref<4x2048xf32, #tpu.memory_space<vmem>>) target_semaphore(%arg22 : memref<!tpu.dma_semaphore, #tpu.memory_space<semaphore_mem>>)
      } else {
      }
    }
    %scan3A_103 = arith.constant 64 : i32
    %multiple_of3A_104 = tpu.assume_multiple %mul3A_2, 4 : i32
    %dma_wait3A = arith.constant 0 : i32
    %dma_wait3A_105 = tpu.memref_slice %arg6[%multiple_of3A_104, %dma_wait3A] : memref<32768x2048xf32, #tpu.memory_space<hbm>> -> memref<4x2048xf32, #tpu.memory_space<hbm>>
    %dma_wait3A_106 = arith.constant 0 : i32
    %dma_wait3A_107 = tpu.memref_slice %arg6[%multiple_of3A_104, %dma_wait3A_106] : memref<32768x2048xf32, #tpu.memory_space<hbm>> -> memref<4x2048xf32, #tpu.memory_space<hbm>>
    tpu.wait_dma2 semaphore(%arg23 : memref<!tpu.dma_semaphore, #tpu.memory_space<semaphore_mem>>) src(%arg15 : memref<4x2048xf32, #tpu.memory_space<vmem>>) dst(%dma_wait3A_107 : memref<4x2048xf32, #tpu.memory_space<hbm>>)
    %multiple_of3A_108 = tpu.assume_multiple %mul3A_2, 4 : i32
    %dma_wait3A_109 = arith.constant 0 : i32
    %dma_wait3A_110 = tpu.memref_slice %arg6[%multiple_of3A_108, %dma_wait3A_109] : memref<32768x2048xf32, #tpu.memory_space<hbm>> -> memref<4x2048xf32, #tpu.memory_space<hbm>>
    %dma_wait3A_111 = arith.constant 0 : i32
    %dma_wait3A_112 = tpu.memref_slice %arg6[%multiple_of3A_108, %dma_wait3A_111] : memref<32768x2048xf32, #tpu.memory_space<hbm>> -> memref<4x2048xf32, #tpu.memory_space<hbm>>
    tpu.wait_dma2 semaphore(%arg24 : memref<!tpu.dma_semaphore, #tpu.memory_space<semaphore_mem>>) src(%arg16 : memref<4x2048xf32, #tpu.memory_space<vmem>>) dst(%dma_wait3A_112 : memref<4x2048xf32, #tpu.memory_space<hbm>>)
    %multiple_of3A_113 = tpu.assume_multiple %mul3A_2, 4 : i32
    %dma_wait3A_114 = arith.constant 0 : i32
    %dma_wait3A_115 = tpu.memref_slice %arg6[%multiple_of3A_113, %dma_wait3A_114] : memref<32768x2048xf32, #tpu.memory_space<hbm>> -> memref<4x2048xf32, #tpu.memory_space<hbm>>
    %dma_wait3A_116 = arith.constant 0 : i32
    %dma_wait3A_117 = tpu.memref_slice %arg6[%multiple_of3A_113, %dma_wait3A_116] : memref<32768x2048xf32, #tpu.memory_space<hbm>> -> memref<4x2048xf32, #tpu.memory_space<hbm>>
    tpu.wait_dma2 semaphore(%arg25 : memref<!tpu.dma_semaphore, #tpu.memory_space<semaphore_mem>>) src(%arg17 : memref<4x2048xf32, #tpu.memory_space<vmem>>) dst(%dma_wait3A_117 : memref<4x2048xf32, #tpu.memory_space<hbm>>)
    %multiple_of3A_118 = tpu.assume_multiple %mul3A_2, 4 : i32
    %dma_wait3A_119 = arith.constant 0 : i32
    %dma_wait3A_120 = tpu.memref_slice %arg6[%multiple_of3A_118, %dma_wait3A_119] : memref<32768x2048xf32, #tpu.memory_space<hbm>> -> memref<4x2048xf32, #tpu.memory_space<hbm>>
    %dma_wait3A_121 = arith.constant 0 : i32
    %dma_wait3A_122 = tpu.memref_slice %arg6[%multiple_of3A_118, %dma_wait3A_121] : memref<32768x2048xf32, #tpu.memory_space<hbm>> -> memref<4x2048xf32, #tpu.memory_space<hbm>>
    tpu.wait_dma2 semaphore(%arg26 : memref<!tpu.dma_semaphore, #tpu.memory_space<semaphore_mem>>) src(%arg18 : memref<4x2048xf32, #tpu.memory_space<vmem>>) dst(%dma_wait3A_122 : memref<4x2048xf32, #tpu.memory_space<hbm>>)
    return
  }
}

</mosaic_0001>

<sc_bundles>
// kernel: kernel.3.cloned.1.call-start
scs
__scs_entry_jumppad:
0x0: {  	(pc) =	sbr.rel $0x88, $3  }
0x1: {  	(tag) =	ssettag $0x0;
	lr =	simm.s32 $0x1  }
0x2: {  	[smem:$0x3F9D] =	sst lr;
	_ =	strace $0xD0000000  }
0x3: {  	_ = 	snop  }
0x4: {  	_ = 	snop  }
0x5: {  	_ = 	snop  }
0x6: {  	_ = 	snop  }
0x7: {  	_ = 	snop  }
__scs_overlays_trampoline_lowered:
0x8: {  	[smem:$0x3FAC] =	sst s0  }
0x9: {  	[smem:$0x3FAD] =	sst s1  }
0xa: {  	[smem:$0x3FAE] =	sst s2  }
0xb: {  	[smem:$0x3FAF] =	sst s3  }
0xc: {  	[smem:$0x3FB0] =	sst s4  }
0xd: {  	[smem:$0x3FB1] =	sst s5  }
0xe: {  	[smem:$0x3FB2] =	sst s6  }
0xf: {  	[smem:$0x3FB3] =	sst s7  }
0x10: {  	[smem:$0x3FB4] =	sst s8  }
0x11: {  	[smem:$0x3FB5] =	sst s9;
	s0 =	simm.s32 @!p0 $0x0  }
0x12: {  	s1 =	sld [smem:$0x3F9B];
	s0 =	simm.s32 @p0 $0x1  }
0x13: {  	[smem:$0x3FB6] =	sst s0;
	s0 =	simm.s32 @!p1 $0x0  }
0x14: {  	s2 =	sld [smem:$0x3F9A];
	s0 =	simm.s32 @p1 $0x1  }
0x15: {  	[smem:$0x3FB7] =	sst s0;
	s0 =	simm.s32 @!p2 $0x0  }
0x16: {  	s3 =	sld [smem:$0x3FDB];
	s0 =	simm.s32 @p2 $0x1  }
0x17: {  	s4 =	simm.s32 $0x1BF5;
	[smem:$0x3FB9] =	sst s0  }
0x18: {  	s0 =	sld [smem:$0x3F9C];
	_ =	swait.ge [sflag:s4], $0x0  }
0x19: {  	s7 =	sld [smem:$0x3F9D]  }
0x1a: {  	s8 =	sadd.s32 $0xFFFFE003, lr  }
0x1b: {  	s9 =	sadd.s32 $0xFFFFFEF7, lr;
	s5 =	simm.s32 $0xFFFFFFFF;
	p2 =	slt.u32 s8, $0xFFFFF086  }
0x1c: {  	p1 =	slt.u32 s9, $0xF7A;
	s5 =	simm.s32 @!p2 $0x0  }
0x1d: {  	s5 =	simm.s32 @p1 $0x1;
	p0 =	seq.s32 s7, s2  }
0x1e: {  	s7 =	smul.u32 @!p0 $0xF7A, s2;
	p2 =	seq.s32 @!p0 s5, $0x0  }
0x1f: {  	s9 =	smul.u32 $0xF7A, s1;
	s8 =	simm.s32 @!p0 $0x1BF5;
	p2 =	por !p2, p0  }
0x20: {  	[sflag:s8] =	ssyncset.s32 @!p0 $0xFFFFF086;
	s6 =	sadd.s32 @!p0 s3, s7;
	s7 =	simm.s32 @!p0 $0x108  }
0x21: {  	s3 =	sadd.s32 s3, s9;
	s6 =	sadd.s32 @!p0 $0x88, s6;
	s7 =	simm.s32 @p2 $0x1082  }
0x22: {  	[simem:s7], [sflag:s8] =	dma.local @!p0 [hbm:s6], $0xF7A  }
0x23: {  	s9 =	sor.u32 $0xD0000000, s2;
	s6 =	simm.s32 $0x108;
	_ =	swait.ge @!p0 [sflag:s8], $0x0  }
0x24: {  	s3 =	sadd.s32 $0x88, s3;
	s6 =	simm.s32 @!p1 $0x1082;
	[sflag:s4] =	ssyncset.s32 $0xFFFFF086  }
0x25: {  	[simem:s6], [sflag:s4] =	dma.local [hbm:s3], $0xF7A  }
0x26: {  	[smem:$0x3F9D] =	sst s1;
	(tag) =	ssettag s2;
	_ =	strace s9  }
0x27: {  	s1 =	sld [smem:$0x3FAD]  }
0x28: {  	s2 =	sld [smem:$0x3FAE]  }
0x29: {  	s4 =	sld [smem:$0x3FB0]  }
0x2a: {  	p0 =	seq.s32 s5, $0x0;
	s5 =	sld [smem:$0x3FB1]  }
0x2b: {  	s6 =	sld [smem:$0x3FB2]  }
0x2c: {  	s7 =	sld [smem:$0x3FB3]  }
0x2d: {  	s3 =	simm.s32 $0x108;
	s8 =	sld [smem:$0x3FB4]  }
0x2e: {  	s3 =	simm.s32 @!p0 $0x1082;
	s9 =	sld [smem:$0x3FB5]  }
0x2f: {  	lr =	sadd.s32 s0, s3;
	s0 =	sld [smem:$0x3FAC]  }
0x30: {  	s3 =	sld [smem:$0x3FAF]  }
0x31: {  	[smem:$0x3FB8] =	sst s10  }
0x32: {  	s10 =	sld [smem:$0x3FB6];
	_ =	sdelay $0x3  }
0x33: {  	p0 =	seq.s32 s10, $0x1;
	s10 =	sld [smem:$0x3FB8];
	_ =	sdelay $0x3  }
0x34: {  	[smem:$0x3FB8] =	sst s10  }
0x35: {  	s10 =	sld [smem:$0x3FB7];
	_ =	sdelay $0x3  }
0x36: {  	p1 =	seq.s32 s10, $0x1;
	s10 =	sld [smem:$0x3FB8];
	_ =	sdelay $0x3  }
0x37: {  	[smem:$0x3FB8] =	sst s10  }
0x38: {  	s10 =	sld [smem:$0x3FB9]  }
0x39: {  	_ = 	snop;
	(pc) =	sbr.ind lr, $3  }
0x3a: {  	_ = 	snop  }
0x3b: {  	_ = 	snop  }
0x3c: {  	p2 =	seq.s32 s10, $0x1;
	s10 =	sld [smem:$0x3FB8]  }
0x3d: {  	_ =	shalt  }
0x3e: {  	_ =	shalt  }
0x3f: {  	_ =	shalt  }
0x40: {  	_ =	shalt  }
0x41: {  	_ =	shalt  }
0x42: {  	_ =	shalt  }
0x43: {  	_ =	shalt  }
0x44: {  	_ =	shalt  }
0x45: {  	_ =	shalt  }
0x46: {  	_ =	shalt  }
0x47: {  	_ =	shalt  }
0x48: {  	_ =	shalt  }
0x49: {  	_ =	shalt  }
0x4a: {  	_ =	shalt  }
0x4b: {  	_ =	shalt  }
0x4c: {  	_ =	shalt  }
0x4d: {  	_ =	shalt  }
0x4e: {  	_ =	shalt  }
0x4f: {  	_ =	shalt  }
0x50: {  	_ =	shalt  }
0x51: {  	_ =	shalt  }
0x52: {  	_ =	shalt  }
0x53: {  	_ =	shalt  }
0x54: {  	_ =	shalt  }
0x55: {  	_ =	shalt  }
0x56: {  	_ =	shalt  }
0x57: {  	_ =	shalt  }
0x58: {  	_ =	shalt  }
0x59: {  	_ =	shalt  }
0x5a: {  	_ =	shalt  }
0x5b: {  	_ =	shalt  }
0x5c: {  	_ =	shalt  }
0x5d: {  	_ =	shalt  }
0x5e: {  	_ =	shalt  }
0x5f: {  	_ =	shalt  }
0x60: {  	_ =	shalt  }
0x61: {  	_ =	shalt  }
0x62: {  	_ =	shalt  }
0x63: {  	_ =	shalt  }
0x64: {  	_ =	shalt  }
0x65: {  	_ =	shalt  }
0x66: {  	_ =	shalt  }
0x67: {  	_ =	shalt  }
0x68: {  	_ =	shalt  }
0x69: {  	_ =	shalt  }
0x6a: {  	_ =	shalt  }
0x6b: {  	_ =	shalt  }
0x6c: {  	_ =	shalt  }
0x6d: {  	_ =	shalt  }
0x6e: {  	_ =	shalt  }
0x6f: {  	_ =	shalt  }
0x70: {  	_ =	shalt  }
0x71: {  	_ =	shalt  }
0x72: {  	_ =	shalt  }
0x73: {  	_ =	shalt  }
0x74: {  	_ =	shalt  }
0x75: {  	_ =	shalt  }
0x76: {  	_ =	shalt  }
0x77: {  	_ =	shalt  }
0x78: {  	_ =	shalt  }
0x79: {  	_ =	shalt  }
0x7a: {  	_ =	shalt  }
0x7b: {  	_ =	shalt  }
0x7c: {  	_ =	shalt  }
0x7d: {  	_ =	shalt  }
0x7e: {  	_ =	shalt  }
0x7f: {  	_ =	shalt  }
0x80: {  	_ =	shalt  }
0x81: {  	_ =	shalt  }
0x82: {  	_ =	shalt  }
0x83: {  	_ =	shalt  }
0x84: {  	_ =	shalt  }
0x85: {  	_ =	shalt  }
0x86: {  	_ =	shalt  }
0x87: {  	_ =	shalt  }
.Lfunc_end0:
.L_simem_size_0:
called_computation_lowered:
.L_overlay_start_0:
0x88: {  	s2 =	sld [smem:$0x3FD9]  }
0x89: {  	s3 =	sld [smem:$0x3FFE];
	_ =	sdelay $0x1  }
0x8a: {  	s1 =	srdreg.scid  }
0x8b: {  	s0 =	sand.u32 $0x1, s1  }
0x8c: {  	s14 =	sshll.u32 s0, $0xA;
	s2 =	sadd.s32 s3, s2  }
0x8d: {  	s2 =	sadd.s32 s2, s14  }
0x8e: {  	[smem:$0x3FC4] =	sst s2  }
0x8f: {  	_ = 	snop  }
0x90: {  	s2 =	sld [smem:$0x3FD0]  }
0x91: {  	s15 =	sld [smem:$0x3FC9]  }
0x92: {  	s4 =	sld [smem:$0x3FC7]  }
0x93: {  	s6 =	simm.s32 $0xA;
	s7 =	simm.s32 $0x10;
	s5 =	sld [smem:$0x3FC6]  }
0x94: {  	[smem:s7], [sflag:s6] =	dma.local [hbm:s2], $0x1  }
0x95: {  	_ =	swait.eq [sflag:s6], $0x1  }
0x96: {  	[sflag:s6] =	ssyncset.done $0x0  }
0x97: {  	[sflag:s6] =	ssyncadd.s32 $0xFFFFFFFF  }
0x98: {  	s16 =	sld [smem:$0x10];
	(tm) =	ssettm $0x1  }
0x99: {  	s17 =	sld [smem:$0x3FFB];
	_ =	sdelay $0x3  }
0x9a: {  	_ =	strace s17  }
0x9b: {  	s6 =	sld [smem:$0x3FFC];
	_ =	sdelay $0x3  }
0x9c: {  	_ =	strace s6  }
0x9d: {  	s6 =	sld [smem:$0x3FFD];
	_ =	sdelay $0x3  }
0x9e: {  	_ =	strace s6  }
0x9f: {  	_ =	strace $0x8FFFFFFF  }
0xa0: {  	s18 =	sld [smem:$0x3FDB];
	_ =	sdelay $0x1  }
0xa1: {  	s19 =	simm.s32 $_scs_section_size  }
0xa2: {  	s8 =	simm.s32 $_size__tile_overlayer_lowered;
	s9 =	simm.s32 $_tile_overlayer_lowered  }
0xa3: {  	s22 =	simm.s32 $0x1BFF;
	s21 =	sshll.u32 s9, $0x1;
	s6 =	sadd.s32 s19, s18  }
0xa4: {  	s10 =	simm.s32 $0x0;
	s20 =	sshll.u32 s8, $0x1;
	s8 =	sadd.s32 s21, s6  }
0xa5: {  	[timem:s10], [sflag:s22] =	dma.local [hbm:s8], s20  }
0xa6: {  	_ =	swait.ge [sflag:s22], s20  }
0xa7: {  	s7 =	ssub.s32 $0x0, s20;
	[sflag:s22] =	ssyncset.done $0x0  }
0xa8: {  	[sflag:s22] =	ssyncadd.s32 s7;
	_ =	sdelay $0x1  }
0xa9: {  	s23 =	simm.s32 $0x1B8B  }
0xaa: {  	_ =	swait.ge [sflag:s23], $0x1  }
0xab: {  	[sflag:s23] =	ssyncset.done $0x0  }
0xac: {  	s25 =	simm.s32 $0x1B8E;
	s24 =	sld [smem:$0x3FFE];
	[sflag:s23] =	ssyncadd.s32 $0xFFFFFFFF  }
0xad: {  	s26 =	simm.s32 $execute0_lowered;
	[smem:$0x3FD2] =	sst s25  }
0xae: {  	s8 =	sshll.u32 s26, $0x1;
	_ =	strace $0x80000046;
	[dreg:$0x1] =	wrdreg $0xFFFFFFFF  }
0xaf: {  	s28 =	simm.s32 $_size_execute0_lowered;
	s6 =	sadd.s32 s6, s8;
	[dreg:$0x0] =	wrdreg $0x0  }
0xb0: {  	s8 =	sshll.u32 s28, $0x1;
	[dreg:$0x2] =	wrdreg s6  }
0xb1: {  	[dreg:$0x3] =	wrdreg s8  }
0xb2: {  	[dreg:$0x4] =	wrdreg $0xC0  }
0xb3: {  	_ =	task [dreg:s10], $0x5FFFF  }
0xb4: {  	[dreg:$0x1] =	wrdreg $0xFFFFFFFF  }
0xb5: {  	[dreg:$0x0] =	wrdreg $0x60  }
0xb6: {  	[dreg:$0x2] =	wrdreg s15  }
0xb7: {  	[dreg:$0x3] =	wrdreg s24  }
0xb8: {  	[dreg:$0x4] =	wrdreg s4  }
0xb9: {  	[dreg:$0x5] =	wrdreg s5  }
0xba: {  	[dreg:$0x6] =	wrdreg s16  }
0xbb: {  	[dreg:$0x7] =	wrdreg $0x9  }
0xbc: {  	_ =	task.clear_ibuf [dreg:s10], $0x8FFFF;
	_ =	strace $0x90000046  }
0xbd: {  	s29 =	simm.s32 $0x9;
	_ =	strace $0x80000048  }
0xbe: {  	_ =	swait.ge [sflag:s29], $0x1  }
0xbf: {  	[sflag:s29] =	ssyncadd.s32 $0xFFFFFFFF  }
0xc0: {  	_ =	strace $0x90000048  }
0xc1: {  	_ =	sfence  }
0xc2: {  	s30 =	sld [smem:$0x0];
	_ =	sdelay $0x2  }
0xc3: {  	s31 =	sshll.u32 s1, $0xD;
	s1 =	sshrl.u32 s1, $0x2  }
0xc4: {  	s3 =	sand.u32 $0x4000, s31;
	s1 =	sadd.s32 s1, s30  }
0xc5: {  	s0 =	sor.u32 s3, s0;
	s1 =	sshll.u32 s1, $0x11  }
0xc6: {  	s0 =	sor.u32 s1, s0  }
0xc7: {  	s0 =	sadd.s32 $0x8F2B, s0  }
0xc8: {  	[sflag:s0] =	ssyncadd.remote.s32 $0x1  }
0xc9: {  	_ =	sfence.sel $0xFFFF  }
0xca: {  	[dreg:$0x0] =	wrdreg $0xFFFFFFFF;
	(pc) =	sbr.abs _section_cstart, $3  }
0xcb: {  	[dreg:$0x1] =	wrdreg $0xFFFFFFFF  }
0xcc: {  	_ =	task.clear_ibuf [dreg:s10], $0x2FFFF;
	_ =	strace $0x9FFFFFFF  }
0xcd: {  	(tm) =	ssettm $0x7FFFFFFF  }
tec
execute0_lowered:
.L_overlay_start_1:
0x0: {  	(tag) =	ssettag $0x1  }
0x1: {  	s0 =	rddreg [dreg:$0x0]  }
0x2: {  	s1 =	rddreg [dreg:$0x1]  }
0x3: {  	s5 =	rddreg [dreg:$0x4]  }
0x4: {  	s2 =	srdreg.scid;
	s3 =	stileid.u32  }
0x5: {  	s6 =	simm.s32 $0x0;
	s30 =	simm.s32 $0x1;
	s28 =	simm.s32 $0x7  }
0x6: {  	s7 =	simm.s32 $0x4;
	s9 =	simm.s32 $0x8;
	s2 =	sand.u32 $0x1, s2  }
0x7: {  	s3 =	sshll.u32 s3, $0xB;
	[smem:$0x7FF] =	sst s6;
	s1 =	sadd.s32 $0x600, s1  }
0x8: {  	s25 =	sadd.s32 $0x1000, s0;
	s13 =	sadd.s32 $0x40, s5;
	s26 =	sadd.s32 $0x1040, s0  }
0x9: {  	s15 =	sadd.s32 $0x800, s5;
	_ =	strace $0x80000047;
	[dreg:$0x6] =	wrdreg s1  }
0xa: {  	s29 =	sadd.s32 $0x1800, s0;
	s4 =	sshll.u32 s2, $0xA;
	[dreg:$0xb] =	wrdreg s25  }
0xb: {  	s17 =	sadd.s32 $0x840, s5;
	[dreg:$0xc] =	wrdreg s26;
	s6 =	sor.u32 s4, s3  }
0xc: {  	s2 =	ssub.s32 $0x2, s2;
	[dreg:$0xd] =	wrdreg s29;
	s4 =	sshll.u32 s6, $0x8  }
0xd: {  	s20 =	sshrl.u32 s2, $0x1;
	s3 =	simm.s32 $0x3;
	s22 =	sadd.s32 s0, s4  }
0xe: {  	s21 =	ssub.s32 s2, s20;
	s0 =	sadd.s32 $0x1840, s0;
	[dreg:$0x7] =	wrdreg s22  }
.Ltmp0:
0xf: {  	s31 =	smax.u32 s21, $0x1;
	[dreg:$0xe] =	wrdreg s0;
	(pc) =	sbr.rel .LBB2_1-.Ltmp0, $4  }
0x10: {  	s20 =	simm.s32 $0x200;
	s23 =	sadd.s32 $0x40, s22;
	[dreg:$0xf] =	wrdreg s31  }
0x11: {  	s21 =	simm.s32 $0x400;
	s24 =	sadd.s32 $0x800, s22;
	[dreg:$0x8] =	wrdreg s23  }
0x12: {  	s4 =	simm.s32 $0x0;
	s2 =	sadd.s32 $0x840, s22;
	[dreg:$0x9] =	wrdreg s24  }
0x13: {  	s0 =	simm.s32 $0x2;
	[dreg:$0xa] =	wrdreg s2;
	s2 =	simm.s32 $0x6  }
.LBB2_122:
0x14: {  	s1 =	simm.s32 $0x5  }
0x15: {  	_ =	swait.ge [sflag:s1], $0x2000  }
0x16: {  	[sflag:s1] =	ssyncset.done $0x0  }
0x17: {  	[sflag:s1] =	ssyncadd.s32 $0xFFFFE000  }
0x18: {  	_ =	swait.ge [sflag:s2], $0x2000  }
0x19: {  	[sflag:s2] =	ssyncset.done $0x0  }
0x1a: {  	[sflag:s2] =	ssyncadd.s32 $0xFFFFE000  }
0x1b: {  	_ =	swait.ge [sflag:s28], $0x2000  }
0x1c: {  	[sflag:s28] =	ssyncset.done $0x0  }
0x1d: {  	[sflag:s28] =	ssyncadd.s32 $0xFFFFE000  }
0x1e: {  	_ =	swait.ge [sflag:s9], $0x2000  }
0x1f: {  	s4 =	rddreg [dreg:$0x10]  }
0x20: {  	s31 =	rddreg [dreg:$0xf];
	s4 =	sadd.s32 $0x1, s4  }
0x21: {  	p0 =	sne.s32 s4, s31  }
.Ltmp1:
0x22: {  	_ = 	snop;
	(pc) =	sbr.rel @!p0 .LBB2_123-.Ltmp1, $3  }
0x23: {  	_ =	sdelay $0x1  }
0x24: {  	[sflag:s9] =	ssyncset.done $0x0  }
0x25: {  	[sflag:s9] =	ssyncadd.s32 $0xFFFFE000  }
.LBB2_1:
0x26: {  	[dreg:$0x10] =	wrdreg s4  }
0x27: {  	s1 =	rddreg [dreg:$0x7];
	s11 =	simm.s32 $0x9080  }
0x28: {  	[tilespmem:s11], [sflag:$0x1] =	stream.strided.gather [hbm4b:s1+s20], $0x2000, s21, s20, $0x38;
	[tilespmem:$0x19080] =	vst v63  }
0x29: {  	s12 =	rddreg [dreg:$0x8];
	s14 =	simm.s32 $0xB080  }
0x2a: {  	[tilespmem:s14], [sflag:$0x2] =	stream.strided.gather [hbm4b:s12+s20], $0x2000, s21, s20, $0x38;
	[tilespmem:$0x19080] =	vst v63  }
0x2b: {  	s16 =	rddreg [dreg:$0x9];
	s18 =	simm.s32 $0xD080  }
0x2c: {  	[tilespmem:s18], [sflag:$0x3] =	stream.strided.gather [hbm4b:s16+s20], $0x2000, s21, s20, $0x38;
	[tilespmem:$0x19080] =	vst v63  }
0x2d: {  	s19 =	rddreg [dreg:$0xa];
	s22 =	simm.s32 $0xF080  }
0x2e: {  	[tilespmem:s22], [sflag:$0x4] =	stream.strided.gather [hbm4b:s19+s20], $0x2000, s21, s20, $0x38;
	[tilespmem:$0x19080] =	vst v63  }
0x2f: {  	s23 =	simm.s32 $0x0;
	s24 =	rddreg [dreg:$0x6];
	s5 =	simm.s32 $0x9  }
0x30: {  	[tilespmem:s23], [sflag:$0x9] =	stream.linear.gather [hbm4b:s24+s23], $0x8000, $0x38;
	[tilespmem:$0x19080] =	vst v63  }
0x31: {  	_ =	swait.ge [sflag:s5], $0x8000  }
0x32: {  	[sflag:s5] =	ssyncset.done $0x0  }
0x33: {  	[sflag:s5] =	ssyncadd.s32 $0xFFFF8000  }
0x34: {  	s8 =	simm.s32 $0x8000;
	s25 =	rddreg [dreg:$0x2]  }
0x35: {  	[tilespmem:s8], [sflag:$0x9] =	stream.linear.gather [hbm4b:s25+s23], $0x800, $0x38;
	[tilespmem:$0x19080] =	vst v63  }
0x36: {  	_ =	swait.ge [sflag:s5], $0x800  }
0x37: {  	[sflag:s5] =	ssyncset.done $0x0  }
0x38: {  	[sflag:s5] =	ssyncadd.s32 $0xFFFFF800  }
0x39: {  	s29 =	simm.s32 $0x8800;
	s26 =	rddreg [dreg:$0x3]  }
0x3a: {  	[tilespmem:s29], [sflag:$0x9] =	stream.linear.gather [hbm4b:s26+s23], $0x800, $0x38;
	[tilespmem:$0x19080] =	vst v63  }
0x3b: {  	_ =	swait.ge [sflag:s5], $0x800  }
0x3c: {  	[sflag:s5] =	ssyncset.done $0x0  }
0x3d: {  	s31 =	simm.s32 $0x0;
	[sflag:s5] =	ssyncadd.s32 $0xFFFFF800  }
0x3e: {  	v0 =	vld [tilespmem:s31+$0x0];
	_ =	sdelay $0x1  }
0x3f: {  	v1 =	vld [tilespmem:s31+$0x10];
	_ =	sdelay $0x1  }
0x40: {  	v2 =	vimm.s32 $0x0;
	v3 =	vld [tilespmem:s31+$0x20]  }
0x41: {  	vm0 =	vgt.s32 v2, v0  }
0x42: {  	v0 =	vsel vm0, v2, v0;
	v2 =	vld [tilespmem:s31+$0x30]  }
0x43: {  	vm0 =	vgt.s32 v0, v1  }
0x44: {  	v0 =	vsel vm0, v0, v1;
	v1 =	vld [tilespmem:s31+$0x40]  }
0x45: {  	vm0 =	vgt.s32 v0, v3  }
0x46: {  	v3 =	vsel vm0, v0, v3;
	v0 =	vld [tilespmem:s31+$0x50]  }
0x47: {  	vm0 =	vgt.s32 v3, v2  }
0x48: {  	v3 =	vsel vm0, v3, v2;
	v2 =	vld [tilespmem:s31+$0x60]  }
0x49: {  	vm0 =	vgt.s32 v3, v1  }
0x4a: {  	v3 =	vsel vm0, v3, v1;
	v1 =	vld [tilespmem:s31+$0x70]  }
0x4b: {  	s4 =	simm.s32 $0x80;
	s5 =	simm.s32 $0x400;
	vm0 =	vgt.s32 v3, v0  }
.LBB2_2:
0x4c: {  	p0 =	sne.s32 s5, $0x1FE00;
	v4 =	vld [tilespmem:s4+$0x0];
	v0 =	vsel vm0, v3, v0  }
0x4d: {  	vm0 =	vgt.s32 v0, v2  }
0x4e: {  	v3 =	vld [tilespmem:s4+$0x10];
	v0 =	vsel vm0, v0, v2  }
0x4f: {  	vm0 =	vgt.s32 v0, v1  }
0x50: {  	v2 =	vld [tilespmem:s4+$0x20];
	v0 =	vsel vm0, v0, v1  }
0x51: {  	vm0 =	vgt.s32 v0, v4  }
0x52: {  	v0 =	vsel vm0, v0, v4;
	v1 =	vld [tilespmem:s4+$0x30]  }
0x53: {  	vm0 =	vgt.s32 v0, v3  }
0x54: {  	v0 =	vsel vm0, v0, v3;
	v3 =	vld [tilespmem:s4+$0x40]  }
0x55: {  	vm0 =	vgt.s32 v0, v2  }
0x56: {  	v2 =	vsel vm0, v0, v2;
	v0 =	vld [tilespmem:s4+$0x50]  }
.Ltmp2:
0x57: {  	vm0 =	vgt.s32 v2, v1;
	(pc) =	sbr.rel @p0 .LBB2_2-.Ltmp2, $4  }
0x58: {  	v1 =	vsel vm0, v2, v1;
	v2 =	vld [tilespmem:s4+$0x60]  }
0x59: {  	vm0 =	vgt.s32 v1, v3  }
0x5a: {  	v3 =	vsel vm0, v1, v3;
	v1 =	vld [tilespmem:s4+$0x70]  }
0x5b: {  	s4 =	sshra.s32 s5, $0x2;
	s5 =	sadd.s32 $0x200, s5;
	vm0 =	vgt.s32 v3, v0  }
0x5c: {  	v4 =	vld [tilespmem:s4+$0x0];
	v0 =	vsel vm0, v3, v0  }
0x5d: {  	vm0 =	vgt.s32 v0, v2  }
0x5e: {  	v42 =	vld [tilespmem:s4+$0x10];
	v0 =	vsel vm0, v0, v2  }
0x5f: {  	vm0 =	vgt.s32 v0, v1  }
0x60: {  	v43 =	vld [tilespmem:s4+$0x20];
	v0 =	vsel vm0, v0, v1  }
0x61: {  	vm0 =	vgt.s32 v0, v4  }
0x62: {  	v44 =	vld [tilespmem:s4+$0x30];
	v0 =	vsel vm0, v0, v4  }
0x63: {  	vm0 =	vgt.s32 v0, v42  }
0x64: {  	v45 =	vld [tilespmem:s4+$0x40];
	v0 =	vsel vm0, v0, v42  }
0x65: {  	vm0 =	vgt.s32 v0, v43  }
0x66: {  	v46 =	vld [tilespmem:s4+$0x50];
	v0 =	vsel vm0, v0, v43  }
0x67: {  	vm0 =	vgt.s32 v0, v44  }
0x68: {  	v47 =	vld [tilespmem:s4+$0x60];
	v0 =	vsel vm0, v0, v44  }
0x69: {  	vm0 =	vgt.s32 v0, v45  }
0x6a: {  	v48 =	vld [tilespmem:s4+$0x70];
	v0 =	vsel vm0, v0, v45  }
0x6b: {  	vm0 =	vgt.s32 v0, v46  }
0x6c: {  	v0 =	vsel vm0, v0, v46  }
0x6d: {  	vm0 =	vgt.s32 v0, v47  }
0x6e: {  	v0 =	vsel vm0, v0, v47  }
0x6f: {  	vm0 =	vgt.s32 v0, v48  }
0x70: {  	v0 =	vsel vm0, v0, v48  }
0x71: {  	[tilespmem:$0x9000] =	vst v0  }
0x72: {  	[tilespmem:$0x9010] =	vst v0  }
0x73: {  	v49 =	vld [tilespmem:$0x9001];
	_ =	sdelay $0x1  }
0x74: {  	v50 =	vld [tilespmem:$0x9002];
	_ =	sdelay $0x1  }
0x75: {  	v51 =	vld [tilespmem:$0x9003]  }
0x76: {  	vm0 =	vgt.s32 v0, v49  }
0x77: {  	v52 =	vld [tilespmem:$0x9004];
	v0 =	vsel vm0, v0, v49  }
0x78: {  	vm0 =	vgt.s32 v0, v50  }
0x79: {  	v53 =	vld [tilespmem:$0x9005];
	v0 =	vsel vm0, v0, v50  }
0x7a: {  	vm0 =	vgt.s32 v0, v51  }
0x7b: {  	v54 =	vld [tilespmem:$0x9006];
	v0 =	vsel vm0, v0, v51  }
0x7c: {  	vm0 =	vgt.s32 v0, v52  }
0x7d: {  	v55 =	vld [tilespmem:$0x9007];
	v0 =	vsel vm0, v0, v52  }
0x7e: {  	vm0 =	vgt.s32 v0, v53  }
0x7f: {  	v56 =	vld [tilespmem:$0x9008];
	v0 =	vsel vm0, v0, v53  }
0x80: {  	vm0 =	vgt.s32 v0, v54  }
0x81: {  	v57 =	vld [tilespmem:$0x9009];
	v0 =	vsel vm0, v0, v54  }
0x82: {  	vm0 =	vgt.s32 v0, v55  }
0x83: {  	v58 =	vld [tilespmem:$0x900A];
	v0 =	vsel vm0, v0, v55  }
0x84: {  	vm0 =	vgt.s32 v0, v56  }
0x85: {  	v59 =	vld [tilespmem:$0x900B];
	v0 =	vsel vm0, v0, v56  }
0x86: {  	vm0 =	vgt.s32 v0, v57  }
0x87: {  	v60 =	vld [tilespmem:$0x900C];
	v0 =	vsel vm0, v0, v57  }
0x88: {  	vm0 =	vgt.s32 v0, v58  }
0x89: {  	v61 =	vld [tilespmem:$0x900D];
	v0 =	vsel vm0, v0, v58  }
0x8a: {  	vm0 =	vgt.s32 v0, v59  }
0x8b: {  	v62 =	vld [tilespmem:$0x900E];
	v0 =	vsel vm0, v0, v59  }
0x8c: {  	vm0 =	vgt.s32 v0, v60  }
0x8d: {  	v63 =	vld [tilespmem:$0x900F];
	v0 =	vsel vm0, v0, v60  }
0x8e: {  	vm0 =	vgt.s32 v0, v61  }
0x8f: {  	v0 =	vsel vm0, v0, v61  }
0x90: {  	vm0 =	vgt.s32 v0, v62  }
0x91: {  	v0 =	vsel vm0, v0, v62  }
0x92: {  	vm0 =	vgt.s32 v0, v63  }
0x93: {  	v0 =	vsel vm0, v0, v63  }
0x94: {  	(v2sf) =	vpush v0, $0x0;
	_ =	sdelay $0xe  }
0x95: {  	s31 =	spop (v2sf)  }
0x96: {  	p1 =	por $0x0, $0x0;
	p0 =	seq.s32 s31, $0x0  }
0x97: {  	s8 =	simm.s32 $0x0;
	s5 =	simm.s32 $0x0;
	p1 =	por @!p0 p1, p1  }
.LBB2_4:
0x98: {  	s11 =	sshll.u32 s5, $0x4  }
0x99: {  	s4 =	sand.u32 $0x7F80, s6;
	s12 =	sand.u32 $0x7FF0, s11  }
0x9a: {  	s4 =	sor.u32 s4, s12  }
0x9b: {  	v0 =	vld [tilespmem:s4+$0x0];
	_ =	swait.ge [sflag:s30], $0x2000  }
0x9c: {  	p2 =	seq.s32 s5, $0x0;
	[sflag:s30] =	ssyncset.done $0x0  }
0x9d: {  	s4 =	simm.s32 @!p2 $0x5;
	[sflag:s30] =	ssyncadd.s32 $0xFFFFE000  }
0x9e: {  	s26 =	sand.u32 $0x60, s8;
	_ =	swait.ge @!p2 [sflag:s4], $0x2000  }
0x9f: {  	s16 =	sand.u32 $0x780, s8;
	s14 =	sor.u32 $0x10, s26;
	[sflag:s4] =	ssyncset.done @!p2 $0x0  }
0xa0: {  	s29 =	sor.u32 s16, s14;
	[sflag:s4] =	ssyncadd.s32 @!p2 $0xFFFFE000  }
0xa1: {  	s1 =	sand.u32 $0x1E00, s8;
	v6 =	vld [tilespmem:s29+$0x8800]  }
0xa2: {  	s10 =	sor.u32 s1, s14;
	v4 =	vld [tilespmem:s29+$0x8000]  }
0xa3: {  	v1 =	vld [tilespmem:s10+$0x9080]  }
0xa4: {  	v2 =	vld [tilespmem:s10+$0x9100]  }
0xa5: {  	s12 =	sor.u32 s26, s1;
	v3 =	vld [tilespmem:s10+$0x9180]  }
0xa6: {  	v5 =	vld [tilespmem:s12+$0x9080]  }
0xa7: {  	s16 =	simm.s32 $0x20;
	v7 =	vld [tilespmem:s12+$0x9100]  }
0xa8: {  	s18 =	simm.s32 $0x0;
	s23 =	sand.u32 $0x3, s8;
	s19 =	sand.u32 $0x60, s16;
	v8 =	vld [tilespmem:s12+$0x9180]  }
0xa9: {  	s25 =	simm.s32 $0x80;
	s14 =	sand.u32 $0x780, s16;
	s22 =	sor.u32 $0x10, s19;
	v9 =	vld [tilespmem:s18+$0x8000];
	v1 =	vmul.f32 v1, v4  }
0xaa: {  	s24 =	sshll.u32 s23, $0x5;
	s23 =	sand.u32 $0x1E00, s25;
	s14 =	sor.u32 s14, s22;
	v12 =	vld [tilespmem:s18+$0x8800];
	v2 =	vmul.f32 v2, v4  }
0xab: {  	s31 =	sor.u32 s19, s23;
	v14 =	vld [tilespmem:s14+$0x8000];
	v3 =	vmul.f32 v3, v4;
	v1 =	vadd.f32 v1, v6  }
0xac: {  	v13 =	vld [tilespmem:s31+$0x9080];
	v2 =	vadd.f32 v2, v6  }
0xad: {  	v3 =	vadd.f32 v3, v6;
	[tilespmem:s10+$0x11080] =	vst v1;
	v1 =	vld [tilespmem:s14+$0x8800];
	s14 =	sor.u32 s23, s22  }
0xae: {  	[tilespmem:s10+$0x11100] =	vst v2;
	v2 =	vld [tilespmem:s14+$0x9080]  }
0xaf: {  	s16 =	sadd.s32 $0x0, s24;
	[tilespmem:s10+$0x11180] =	vst v3;
	v3 =	vmul.f32 v5, v9;
	v5 =	vld [tilespmem:s14+$0x9100]  }
0xb0: {  	s26 =	sadd.s32 $0x10, s16;
	s19 =	simm.s32 $0x1;
	v7 =	vmul.f32 v7, v9;
	v11 =	vld [tilespmem:s14+$0x9180]  }
0xb1: {  	s1 =	simm.s32 $0x40;
	s24 =	sor.u32 $0x180, s26;
	s25 =	sand.u32 $0x3, s19;
	v15 =	vld [tilespmem:s31+$0x9100];
	v8 =	vmul.f32 v8, v9;
	v3 =	vadd.f32 v3, v12  }
0xb2: {  	s4 =	simm.s32 $0x100;
	s29 =	simm.s32 $0x20;
	v16 =	vld [tilespmem:s31+$0x9180];
	v7 =	vadd.f32 v7, v12;
	s10 =	sand.u32 $0x60, s1  }
0xb3: {  	v8 =	vadd.f32 v8, v12;
	s23 =	sshll.u32 s25, $0x5;
	s25 =	sand.u32 $0x1E00, s4;
	v10 =	vld [tilespmem:s24+$0x9080];
	s18 =	sor.u32 $0x10, s10;
	[tilespmem:s12+$0x11080] =	vst v3;
	v3 =	vmul.f32 v2, v14  }
0xb4: {  	[tilespmem:s12+$0x11100] =	vst v7;
	s22 =	sand.u32 $0x780, s1;
	s1 =	sadd.s32 $0x80, s23;
	s23 =	sor.u32 s25, s18;
	v2 =	vld [tilespmem:s29+$0x8000];
	v5 =	vmul.f32 v5, v14  }
0xb5: {  	[tilespmem:s12+$0x11180] =	vst v8;
	v18 =	vld [tilespmem:s23+$0x9080];
	v8 =	vmul.f32 v11, v14;
	v7 =	vadd.f32 v3, v1  }
0xb6: {  	s26 =	sor.u32 $0x180, s16;
	v3 =	vld [tilespmem:s29+$0x8800];
	v11 =	vadd.f32 v5, v1  }
0xb7: {  	s22 =	sor.u32 s22, s18;
	v17 =	vld [tilespmem:s26+$0x9080];
	[tilespmem:s14+$0x11080] =	vst v7;
	v7 =	vadd.f32 v8, v1  }
0xb8: {  	v5 =	vld [tilespmem:s22+$0x8800];
	s29 =	sadd.s32 $0x10, s1;
	v8 =	vmul.f32 v10, v4;
	[tilespmem:s14+$0x11100] =	vst v11  }
0xb9: {  	v4 =	vld [tilespmem:s22+$0x8000];
	s22 =	sor.u32 $0x180, s29;
	v10 =	vmul.f32 v13, v2;
	[tilespmem:s14+$0x11180] =	vst v7  }
0xba: {  	v6 =	vadd.f32 v8, v6;
	v7 =	vmul.f32 v15, v2;
	v15 =	vld [tilespmem:s22+$0x9080]  }
0xbb: {  	v11 =	vld [tilespmem:s23+$0x9100];
	v8 =	vmul.f32 v16, v2;
	v13 =	vadd.f32 v10, v3  }
0xbc: {  	v9 =	vmul.f32 v17, v9;
	v10 =	vld [tilespmem:s23+$0x9180];
	[tilespmem:s24+$0x11080] =	vst v6;
	s24 =	sor.u32 s10, s25;
	v62 =	vadd.f32 v7, v3  }
0xbd: {  	v63 =	vadd.f32 v8, v3;
	v6 =	vld [tilespmem:s24+$0x9080];
	[tilespmem:s31+$0x11080] =	vst v13  }
0xbe: {  	s11 =	sor.u32 s6, s11;
	s16 =	simm.s32 $0x60;
	s12 =	sor.u32 $0x180, s1;
	v9 =	vadd.f32 v9, v12;
	v7 =	vld [tilespmem:s24+$0x9100];
	v13 =	vmul.f32 v18, v4;
	[tilespmem:s31+$0x11100] =	vst v62  }
0xbf: {  	s14 =	simm.s32 $0x4;
	s25 =	simm.s32 $0x40;
	v8 =	vld [tilespmem:s24+$0x9180];
	[tilespmem:s31+$0x11180] =	vst v63;
	s31 =	simm.s32 $0x100;
	v12 =	vmul.f32 v15, v14  }
.LBB2_5:
0xc0: {  	s1 =	sand.u32 $0x60, s16;
	v14 =	vld [tilespmem:s25+$0x8000];
	v13 =	vadd.f32 v13, v5;
	v11 =	vmul.f32 v11, v4;
	s19 =	sadd.s32 $0x1, s19;
	[tilespmem:s26+$0x11080] =	vst v9;
	s26 =	smov.u32 s12  }
0xc1: {  	s29 =	sand.u32 $0x780, s16;
	s12 =	sor.u32 $0x10, s1;
	s10 =	sand.u32 $0x3, s19;
	v15 =	vld [tilespmem:s25+$0x8800];
	v9 =	vmul.f32 v10, v4;
	v10 =	vadd.f32 v12, v1;
	v1 =	vmov v5  }
0xc2: {  	s4 =	sadd.s32 $0x80, s4;
	s29 =	sor.u32 s29, s12;
	s10 =	sshll.u32 s10, $0x5;
	[tilespmem:s23+$0x11080] =	vst v13;
	v11 =	vadd.f32 v11, v1;
	v12 =	vld [tilespmem:s26+$0x9080]  }
0xc3: {  	s25 =	sshra.s32 s4, $0x2;
	s18 =	sand.u32 $0x1E00, s4;
	v5 =	vld [tilespmem:s29+$0x8800];
	s10 =	sadd.s32 s10, s31;
	v9 =	vadd.f32 v9, v1;
	[tilespmem:s22+$0x11080] =	vst v10  }
0xc4: {  	s1 =	sor.u32 s1, s18;
	s18 =	sor.u32 s18, s12;
	v16 =	vld [tilespmem:s29+$0x8000];
	[tilespmem:s23+$0x11100] =	vst v11;
	s22 =	sadd.s32 $0x10, s10  }
0xc5: {  	s14 =	sadd.s32 $0x2, s14;
	s12 =	sor.u32 $0x180, s10;
	v13 =	vld [tilespmem:s18+$0x9080];
	v6 =	vmul.f32 v6, v14;
	v7 =	vmul.f32 v7, v14;
	[tilespmem:s23+$0x11180] =	vst v9;
	s22 =	sor.u32 $0x180, s22  }
0xc6: {  	p3 =	slt.u32 s14, $0x7E;
	s31 =	smov.u32 s4;
	v8 =	vmul.f32 v8, v14;
	s23 =	smov.u32 s18;
	v17 =	vld [tilespmem:s22+$0x9080]  }
.Ltmp3:
0xc7: {  	v11 =	vld [tilespmem:s23+$0x9100];
	v9 =	vadd.f32 v6, v15;
	v18 =	vadd.f32 v7, v15;
	v7 =	vmul.f32 v12, v2;
	v2 =	vmovc v14;
	(pc) =	sbr.rel @p3 .LBB2_5-.Ltmp3, $4  }
0xc8: {  	v12 =	vadd.f32 v8, v15;
	v10 =	vld [tilespmem:s23+$0x9180]  }
0xc9: {  	v6 =	vld [tilespmem:s1+$0x9080];
	[tilespmem:s24+$0x11080] =	vst v9;
	v9 =	vadd.f32 v7, v3;
	v3 =	vmov v15  }
0xca: {  	v7 =	vld [tilespmem:s1+$0x9100];
	v13 =	vmul.f32 v13, v16;
	[tilespmem:s24+$0x11100] =	vst v18  }
0xcb: {  	s16 =	sadd.s32 $0x20, s16;
	v8 =	vld [tilespmem:s1+$0x9180];
	[tilespmem:s24+$0x11180] =	vst v12;
	v12 =	vmul.f32 v17, v4;
	v4 =	vmov v16;
	s24 =	smov.u32 s1  }
0xcc: {  	(v2sf) =	vpush v0, $0x0  }
0xcd: {  	v14 =	vld [tilespmem:s25+$0x8000];
	_ =	sdelay $0x1  }
0xce: {  	v15 =	vld [tilespmem:s25+$0x8800]  }
0xcf: {  	v11 =	vmul.f32 v11, v4  }
0xd0: {  	v13 =	vadd.f32 v13, v5;
	v10 =	vmul.f32 v10, v4  }
0xd1: {  	s1 =	sadd.s32 $0x1, s19;
	v11 =	vadd.f32 v11, v5;
	v6 =	vmul.f32 v6, v14  }
0xd2: {  	s1 =	sand.u32 $0x3, s1;
	[tilespmem:s23+$0x11080] =	vst v13;
	v10 =	vadd.f32 v10, v5;
	v7 =	vmul.f32 v7, v14  }
0xd3: {  	s1 =	sshll.u32 s1, $0x5;
	[tilespmem:s23+$0x11100] =	vst v11;
	v8 =	vmul.f32 v8, v14;
	v6 =	vadd.f32 v6, v15  }
0xd4: {  	s1 =	sadd.s32 s1, s31;
	[tilespmem:s23+$0x11180] =	vst v10;
	v7 =	vadd.f32 v7, v15  }
0xd5: {  	s4 =	sadd.s32 $0x10, s1;
	v8 =	vadd.f32 v8, v15;
	[tilespmem:s24+$0x11080] =	vst v6  }
0xd6: {  	v61 =	vld [tilespmem:s12+$0x9080];
	s4 =	sor.u32 $0x180, s4;
	[tilespmem:s24+$0x11100] =	vst v7  }
0xd7: {  	s1 =	sor.u32 $0x180, s1;
	v62 =	vld [tilespmem:s4+$0x9080];
	[tilespmem:s24+$0x11180] =	vst v8  }
0xd8: {  	v8 =	vld [tilespmem:s1+$0x9080];
	_ =	sdelay $0x1  }
0xd9: {  	s10 =	spop (v2sf)  }
0xda: {  	v2 =	vmul.f32 v61, v2;
	p3 =	seq.s32 @!p0 s10, $0x0  }
0xdb: {  	v1 =	vadd.f32 v12, v1;
	v63 =	vmul.f32 v62, v4;
	p3 =	por p0, !p3  }
.Ltmp4:
0xdc: {  	[tilespmem:s26+$0x11080] =	vst v9;
	v2 =	vadd.f32 v2, v3;
	v3 =	vmul.f32 v8, v14;
	(pc) =	sbr.rel @!p3 .LBB2_12-.Ltmp4, $4  }
0xdd: {  	[tilespmem:s22+$0x11080] =	vst v1;
	v1 =	vadd.f32 v63, v5  }
0xde: {  	[tilespmem:s12+$0x11080] =	vst v2;
	v2 =	vadd.f32 v3, v15  }
0xdf: {  	[tilespmem:s4+$0x11080] =	vst v1  }
0xe0: {  	[tilespmem:s1+$0x11080] =	vst v2  }
0xe1: {  	s1 =	simm.s32 $0xFFFFFFFC  }
0xe2: {  	s1 =	simm.s32 @p0 $0xFFFFFFFC  }
0xe3: {  	s12 =	sadd.s32 $0x4, s1  }
0xe4: {  	p4 =	slt.u32 s12, $0x7C  }
.Ltmp5:
0xe5: {  	_ = 	snop;
	(pc) =	sbr.rel @!p4 .LBB2_8-.Ltmp5, $4  }
0xe6: {  	_ = 	snop  }
0xe7: {  	s16 =	simm.s32 $0x0  }
0xe8: {  	s16 =	simm.s32 @p0 $0x0  }
0xe9: {  	p3 =	por $0x0, $0x0;
	s19 =	sand.u32 $0x40, s16;
	s22 =	sand.u32 $0x1E00, s16  }
0xea: {  	s12 =	sadd.s32 $0x4, s12  }
0xeb: {  	p4 =	slt.u32 s12, $0x7C  }
.Ltmp6:
0xec: {  	s4 =	sor.u32 s19, s22;
	(pc) =	sbr.rel @!p4 .LBB2_11-.Ltmp6, $4  }
0xed: {  	v1 =	vld [tilespmem:s4+$0x90B0]  }
0xee: {  	v2 =	vld [tilespmem:s4+$0x90A0]  }
0xef: {  	s14 =	sadd.s32 $0x100, s16;
	s16 =	sadd.s32 $0x40, s16;
	v3 =	vld [tilespmem:s4+$0x9090]  }
0xf0: {  	p3 =	por $0x1, $0x1;
	v4 =	vld [tilespmem:s4+$0x9080];
	s19 =	sand.u32 $0x40, s16;
	s22 =	sand.u32 $0x1E00, s14  }
.LBB2_10:
0xf1: {  	s12 =	sadd.s32 $0x4, s12  }
0xf2: {  	s1 =	sor.u32 s19, s22;
	[tilespmem:s4+$0x110B0] =	vst v1;
	p4 =	slt.u32 s12, $0x7C  }
.Ltmp7:
0xf3: {  	v1 =	vld [tilespmem:s1+$0x90B0];
	[tilespmem:s4+$0x110A0] =	vst v2;
	(pc) =	sbr.rel @p4 .LBB2_10-.Ltmp7, $4  }
0xf4: {  	v2 =	vld [tilespmem:s1+$0x90A0];
	[tilespmem:s4+$0x11090] =	vst v3  }
0xf5: {  	v3 =	vld [tilespmem:s1+$0x9090];
	[tilespmem:s4+$0x11080] =	vst v4;
	s4 =	smov.u32 s1  }
0xf6: {  	s14 =	sadd.s32 $0x100, s14;
	s16 =	sadd.s32 $0x40, s16;
	v4 =	vld [tilespmem:s4+$0x9080]  }
0xf7: {  	s19 =	sand.u32 $0x40, s16;
	s22 =	sand.u32 $0x1E00, s14  }
.LBB2_11:
0xf8: {  	s1 =	sor.u32 s19, s22  }
0xf9: {  	v5 =	vld [tilespmem:s1+$0x90B0]  }
0xfa: {  	[tilespmem:s4+$0x110B0] =	vst @p3 v1;
	v1 =	vld [tilespmem:s1+$0x90A0]  }
0xfb: {  	[tilespmem:s4+$0x110A0] =	vst @p3 v2;
	v2 =	vld [tilespmem:s1+$0x9090]  }
0xfc: {  	[tilespmem:s4+$0x11090] =	vst @p3 v3;
	v3 =	vld [tilespmem:s1+$0x9080]  }
0xfd: {  	[tilespmem:s4+$0x11080] =	vst @p3 v4  }
0xfe: {  	[tilespmem:s1+$0x110B0] =	vst v5  }
0xff: {  	[tilespmem:s1+$0x110A0] =	vst v1  }
0x100: {  	[tilespmem:s1+$0x11090] =	vst v2  }
0x101: {  	[tilespmem:s1+$0x11080] =	vst v3  }
.LBB2_12:
0x102: {  	(v2sf) =	vpush v0, $0x1;
	_ =	sdelay $0xe  }
0x103: {  	s1 =	spop (v2sf)  }
0x104: {  	p3 =	seq.s32 @!p0 s1, $0x0  }
0x105: {  	p3 =	por p0, !p3  }
.Ltmp8:
0x106: {  	_ = 	snop;
	(pc) =	sbr.rel @!p3 .LBB2_18-.Ltmp8, $1  }
0x107: {  	_ =	sdelay $0x3  }
0x108: {  	s1 =	simm.s32 $0xFFFFFFFC  }
0x109: {  	s1 =	simm.s32 @p0 $0xFFFFFFFC  }
0x10a: {  	s12 =	sadd.s32 $0x4, s1  }
0x10b: {  	p4 =	slt.u32 s12, $0x7C  }
.Ltmp9:
0x10c: {  	_ = 	snop;
	(pc) =	sbr.rel @!p4 .LBB2_14-.Ltmp9, $4  }
0x10d: {  	_ = 	snop  }
0x10e: {  	s16 =	simm.s32 $0x0  }
0x10f: {  	s16 =	simm.s32 @p0 $0x0  }
0x110: {  	p3 =	por $0x0, $0x0;
	s19 =	sand.u32 $0x40, s16;
	s22 =	sand.u32 $0x1E00, s16  }
0x111: {  	s12 =	sadd.s32 $0x4, s12  }
0x112: {  	p4 =	slt.u32 s12, $0x7C  }
.Ltmp10:
0x113: {  	s4 =	sor.u32 s19, s22;
	(pc) =	sbr.rel @!p4 .LBB2_17-.Ltmp10, $4  }
0x114: {  	v1 =	vld [tilespmem:s4+$0x9130]  }
0x115: {  	v2 =	vld [tilespmem:s4+$0x9120]  }
0x116: {  	s14 =	sadd.s32 $0x100, s16;
	s16 =	sadd.s32 $0x40, s16;
	v3 =	vld [tilespmem:s4+$0x9110]  }
0x117: {  	p3 =	por $0x1, $0x1;
	v4 =	vld [tilespmem:s4+$0x9100];
	s19 =	sand.u32 $0x40, s16;
	s22 =	sand.u32 $0x1E00, s14  }
.LBB2_16:
0x118: {  	s12 =	sadd.s32 $0x4, s12  }
0x119: {  	s1 =	sor.u32 s19, s22;
	[tilespmem:s4+$0x11130] =	vst v1;
	p4 =	slt.u32 s12, $0x7C  }
.Ltmp11:
0x11a: {  	v1 =	vld [tilespmem:s1+$0x9130];
	[tilespmem:s4+$0x11120] =	vst v2;
	(pc) =	sbr.rel @p4 .LBB2_16-.Ltmp11, $4  }
0x11b: {  	v2 =	vld [tilespmem:s1+$0x9120];
	[tilespmem:s4+$0x11110] =	vst v3  }
0x11c: {  	v3 =	vld [tilespmem:s1+$0x9110];
	[tilespmem:s4+$0x11100] =	vst v4;
	s4 =	smov.u32 s1  }
0x11d: {  	s14 =	sadd.s32 $0x100, s14;
	s16 =	sadd.s32 $0x40, s16;
	v4 =	vld [tilespmem:s4+$0x9100]  }
0x11e: {  	s19 =	sand.u32 $0x40, s16;
	s22 =	sand.u32 $0x1E00, s14  }
.LBB2_17:
0x11f: {  	s1 =	sor.u32 s19, s22  }
0x120: {  	v5 =	vld [tilespmem:s1+$0x9130]  }
0x121: {  	[tilespmem:s4+$0x11130] =	vst @p3 v1;
	v1 =	vld [tilespmem:s1+$0x9120]  }
0x122: {  	[tilespmem:s4+$0x11120] =	vst @p3 v2;
	v2 =	vld [tilespmem:s1+$0x9110]  }
0x123: {  	[tilespmem:s4+$0x11110] =	vst @p3 v3;
	v3 =	vld [tilespmem:s1+$0x9100]  }
0x124: {  	[tilespmem:s4+$0x11100] =	vst @p3 v4  }
0x125: {  	[tilespmem:s1+$0x11130] =	vst v5  }
0x126: {  	[tilespmem:s1+$0x11120] =	vst v1  }
0x127: {  	[tilespmem:s1+$0x11110] =	vst v2  }
0x128: {  	[tilespmem:s1+$0x11100] =	vst v3  }
.LBB2_18:
0x129: {  	(v2sf) =	vpush v0, $0x2;
	_ =	sdelay $0xe  }
0x12a: {  	s1 =	spop (v2sf)  }
0x12b: {  	p3 =	seq.s32 @!p0 s1, $0x0  }
0x12c: {  	p3 =	por p0, !p3  }
.Ltmp12:
0x12d: {  	_ = 	snop;
	(pc) =	sbr.rel @!p3 .LBB2_24-.Ltmp12, $1  }
0x12e: {  	_ =	sdelay $0x3  }
0x12f: {  	s1 =	simm.s32 $0xFFFFFFFC  }
0x130: {  	s1 =	simm.s32 @p0 $0xFFFFFFFC  }
0x131: {  	s14 =	sadd.s32 $0x4, s1  }
0x132: {  	p4 =	slt.u32 s14, $0x7C  }
.Ltmp13:
0x133: {  	_ = 	snop;
	(pc) =	sbr.rel @!p4 .LBB2_20-.Ltmp13, $4  }
0x134: {  	s4 =	simm.s32 $0x1  }
0x135: {  	s23 =	simm.s32 $0x0;
	s4 =	simm.s32 @!p1 $0x0  }
0x136: {  	s23 =	simm.s32 @p0 $0x0;
	s31 =	sshll.u32 s4, $0x6  }
0x137: {  	p3 =	por $0x0, $0x0;
	s19 =	sadd.s32 s31, s23  }
0x138: {  	s22 =	sadd.s32 $0x4, s14  }
0x139: {  	p5 =	slt.u32 s22, $0x7C  }
.Ltmp14:
0x13a: {  	s12 =	sor.u32 $0x100, s19;
	(pc) =	sbr.rel @!p5 .LBB2_23-.Ltmp14, $4  }
0x13b: {  	s16 =	sor.u32 $0x120, s19;
	p4 =	por !p1, !p1;
	s1 =	simm.s32 $0x1;
	v1 =	vld [tilespmem:s12+$0x9080]  }
0x13c: {  	s4 =	sor.u32 $0x110, s19;
	v2 =	vld [tilespmem:s16+$0x9080];
	s1 =	simm.s32 @!p4 $0x0  }
0x13d: {  	s14 =	sor.u32 $0x130, s19;
	s23 =	sadd.s32 $0x100, s23;
	v3 =	vld [tilespmem:s4+$0x9080];
	s1 =	sshll.u32 s1, $0x6  }
0x13e: {  	p3 =	por $0x1, $0x1;
	v4 =	vld [tilespmem:s14+$0x9080];
	s19 =	sadd.s32 s1, s23  }
.LBB2_22:
0x13f: {  	s1 =	sor.u32 $0x110, s19;
	s22 =	sadd.s32 $0x4, s22  }
0x140: {  	s10 =	sor.u32 $0x120, s19;
	[tilespmem:s12+$0x11080] =	vst v1;
	s12 =	sor.u32 $0x100, s19;
	p5 =	slt.u32 s22, $0x7C  }
.Ltmp15:
0x141: {  	s18 =	sor.u32 $0x130, s19;
	v1 =	vld [tilespmem:s12+$0x9080];
	[tilespmem:s16+$0x11080] =	vst v2;
	(pc) =	sbr.rel @p5 .LBB2_22-.Ltmp15, $4  }
0x142: {  	p4 =	por !p4, !p4;
	v2 =	vld [tilespmem:s10+$0x9080];
	[tilespmem:s4+$0x11080] =	vst v3;
	s4 =	smov.u32 s1;
	s1 =	simm.s32 $0x1  }
0x143: {  	s16 =	smov.u32 s10;
	s1 =	simm.s32 @!p4 $0x0;
	v3 =	vld [tilespmem:s4+$0x9080];
	[tilespmem:s14+$0x11080] =	vst v4;
	s14 =	smov.u32 s18  }
0x144: {  	s23 =	sadd.s32 $0x100, s23;
	s1 =	sshll.u32 s1, $0x6;
	v4 =	vld [tilespmem:s14+$0x9080]  }
0x145: {  	s19 =	sadd.s32 s1, s23  }
.LBB2_23:
0x146: {  	s1 =	sor.u32 $0x100, s19  }
0x147: {  	s10 =	sor.u32 $0x120, s19;
	v5 =	vld [tilespmem:s1+$0x9080]  }
0x148: {  	s18 =	sor.u32 $0x110, s19;
	[tilespmem:s12+$0x11080] =	vst @p3 v1;
	v1 =	vld [tilespmem:s10+$0x9080]  }
0x149: {  	s31 =	sor.u32 $0x130, s19;
	[tilespmem:s16+$0x11080] =	vst @p3 v2;
	v2 =	vld [tilespmem:s18+$0x9080]  }
0x14a: {  	[tilespmem:s4+$0x11080] =	vst @p3 v3;
	v3 =	vld [tilespmem:s31+$0x9080]  }
0x14b: {  	[tilespmem:s14+$0x11080] =	vst @p3 v4  }
0x14c: {  	[tilespmem:s1+$0x11080] =	vst v5  }
0x14d: {  	[tilespmem:s10+$0x11080] =	vst v1  }
0x14e: {  	[tilespmem:s18+$0x11080] =	vst v2  }
0x14f: {  	[tilespmem:s31+$0x11080] =	vst v3  }
.LBB2_24:
0x150: {  	(v2sf) =	vpush v0, $0x3;
	_ =	sdelay $0xe  }
0x151: {  	s1 =	spop (v2sf)  }
0x152: {  	p3 =	seq.s32 @!p0 s1, $0x0  }
0x153: {  	p3 =	por p0, !p3  }
.Ltmp16:
0x154: {  	_ = 	snop;
	(pc) =	sbr.rel @!p3 .LBB2_30-.Ltmp16, $1  }
0x155: {  	_ =	sdelay $0x3  }
0x156: {  	s1 =	simm.s32 $0xFFFFFFFC  }
0x157: {  	s1 =	simm.s32 @p0 $0xFFFFFFFC  }
0x158: {  	s14 =	sadd.s32 $0x4, s1  }
0x159: {  	p4 =	slt.u32 s14, $0x7C  }
.Ltmp17:
0x15a: {  	_ = 	snop;
	(pc) =	sbr.rel @!p4 .LBB2_26-.Ltmp17, $4  }
0x15b: {  	s4 =	simm.s32 $0x1  }
0x15c: {  	s23 =	simm.s32 $0x0;
	s4 =	simm.s32 @!p1 $0x0  }
0x15d: {  	s23 =	simm.s32 @p0 $0x0;
	s31 =	sshll.u32 s4, $0x6  }
0x15e: {  	p3 =	por $0x0, $0x0;
	s19 =	sadd.s32 s31, s23  }
0x15f: {  	s22 =	sadd.s32 $0x4, s14  }
0x160: {  	p5 =	slt.u32 s22, $0x7C  }
.Ltmp18:
0x161: {  	s12 =	sor.u32 $0x180, s19;
	(pc) =	sbr.rel @!p5 .LBB2_29-.Ltmp18, $4  }
0x162: {  	s16 =	sor.u32 $0x1A0, s19;
	p4 =	por !p1, !p1;
	s1 =	simm.s32 $0x1;
	v1 =	vld [tilespmem:s12+$0x9080]  }
0x163: {  	s4 =	sor.u32 $0x190, s19;
	v2 =	vld [tilespmem:s16+$0x9080];
	s1 =	simm.s32 @!p4 $0x0  }
0x164: {  	s14 =	sor.u32 $0x1B0, s19;
	s23 =	sadd.s32 $0x100, s23;
	v3 =	vld [tilespmem:s4+$0x9080];
	s1 =	sshll.u32 s1, $0x6  }
0x165: {  	p3 =	por $0x1, $0x1;
	v4 =	vld [tilespmem:s14+$0x9080];
	s19 =	sadd.s32 s1, s23  }
.LBB2_28:
0x166: {  	s1 =	sor.u32 $0x190, s19;
	s22 =	sadd.s32 $0x4, s22  }
0x167: {  	s10 =	sor.u32 $0x1A0, s19;
	[tilespmem:s12+$0x11080] =	vst v1;
	s12 =	sor.u32 $0x180, s19;
	p5 =	slt.u32 s22, $0x7C  }
.Ltmp19:
0x168: {  	s18 =	sor.u32 $0x1B0, s19;
	v1 =	vld [tilespmem:s12+$0x9080];
	[tilespmem:s16+$0x11080] =	vst v2;
	(pc) =	sbr.rel @p5 .LBB2_28-.Ltmp19, $4  }
0x169: {  	p4 =	por !p4, !p4;
	v2 =	vld [tilespmem:s10+$0x9080];
	[tilespmem:s4+$0x11080] =	vst v3;
	s4 =	smov.u32 s1;
	s1 =	simm.s32 $0x1  }
0x16a: {  	s16 =	smov.u32 s10;
	s1 =	simm.s32 @!p4 $0x0;
	v3 =	vld [tilespmem:s4+$0x9080];
	[tilespmem:s14+$0x11080] =	vst v4;
	s14 =	smov.u32 s18  }
0x16b: {  	s23 =	sadd.s32 $0x100, s23;
	s1 =	sshll.u32 s1, $0x6;
	v4 =	vld [tilespmem:s14+$0x9080]  }
0x16c: {  	s19 =	sadd.s32 s1, s23  }
.LBB2_29:
0x16d: {  	s1 =	sor.u32 $0x180, s19  }
0x16e: {  	s10 =	sor.u32 $0x1A0, s19;
	v5 =	vld [tilespmem:s1+$0x9080]  }
0x16f: {  	s18 =	sor.u32 $0x190, s19;
	[tilespmem:s12+$0x11080] =	vst @p3 v1;
	v1 =	vld [tilespmem:s10+$0x9080]  }
0x170: {  	s31 =	sor.u32 $0x1B0, s19;
	[tilespmem:s16+$0x11080] =	vst @p3 v2;
	v2 =	vld [tilespmem:s18+$0x9080]  }
0x171: {  	[tilespmem:s4+$0x11080] =	vst @p3 v3;
	v3 =	vld [tilespmem:s31+$0x9080]  }
0x172: {  	[tilespmem:s14+$0x11080] =	vst @p3 v4  }
0x173: {  	[tilespmem:s1+$0x11080] =	vst v5  }
0x174: {  	[tilespmem:s10+$0x11080] =	vst v1  }
0x175: {  	[tilespmem:s18+$0x11080] =	vst v2  }
0x176: {  	[tilespmem:s31+$0x11080] =	vst v3  }
.LBB2_30:
0x177: {  	p3 =	sne.s32 s5, $0x3F  }
.Ltmp20:
0x178: {  	_ = 	snop;
	(pc) =	sbr.rel @p3 .LBB2_32-.Ltmp20, $4  }
0x179: {  	_ = 	snop  }
0x17a: {  	s11 =	sshll.u32 s11, $0x8;
	s1 =	rddreg [dreg:$0x4]  }
0x17b: {  	s4 =	simm.s32 $0x11080;
	s1 =	sadd.s32 s1, s11  }
0x17c: {  	[hbm4b:s1+s20] =	stream.strided.scatter [tilespmem:s4], [sflag:$0x5], $0x2000, s21, s20, $0x38;
	[tilespmem:$0x19080] =	vst v63  }
.Ltmp21:
0x17d: {  	(pc) =	sbr.rel .LBB2_33-.Ltmp21, $4  }
0x17e: {  	_ = 	snop  }
0x17f: {  	_ =	swait.ge [sflag:s0], $0x2000  }
0x180: {  	[sflag:s0] =	ssyncset.done $0x0  }
0x181: {  	[sflag:s0] =	ssyncadd.s32 $0xFFFFE000  }
.LBB2_32:
0x182: {  	s1 =	rddreg [dreg:$0xb]  }
.Ltmp22:
0x183: {  	s4 =	simm.s32 $0x9080;
	s1 =	sadd.s32 s11, s1;
	(pc) =	sbr.rel @p2 .LBB2_34-.Ltmp22, $4  }
0x184: {  	[tilespmem:s4], [sflag:$0x1] =	stream.strided.gather [hbm4b:s1+s20], $0x2000, s21, s20, $0x38;
	[tilespmem:$0x19080] =	vst v63  }
0x185: {  	_ =	swait.ge [sflag:s0], $0x2000  }
0x186: {  	[sflag:s0] =	ssyncset.done $0x0  }
0x187: {  	[sflag:s0] =	ssyncadd.s32 $0xFFFFE000  }
.LBB2_33:
0x188: {  	_ =	swait.ge [sflag:s2], $0x2000  }
0x189: {  	[sflag:s2] =	ssyncset.done $0x0  }
0x18a: {  	[sflag:s2] =	ssyncadd.s32 $0xFFFFE000  }
.LBB2_34:
0x18b: {  	s1 =	simm.s32 $0x0  }
0x18c: {  	s4 =	sand.u32 $0x60, s1  }
0x18d: {  	s24 =	simm.s32 $0x0;
	s12 =	sand.u32 $0x780, s1;
	s10 =	sor.u32 $0x10, s4  }
0x18e: {  	v9 =	vld [tilespmem:s24+$0x8000];
	s12 =	sor.u32 s12, s10  }
0x18f: {  	s14 =	sand.u32 $0x1E00, s1;
	v6 =	vld [tilespmem:s12+$0x8800]  }
0x190: {  	s10 =	sor.u32 s14, s10;
	v4 =	vld [tilespmem:s12+$0x8000]  }
0x191: {  	v1 =	vld [tilespmem:s10+$0xB080]  }
0x192: {  	v2 =	vld [tilespmem:s10+$0xB100]  }
0x193: {  	v3 =	vld [tilespmem:s10+$0xB180]  }
0x194: {  	v12 =	vld [tilespmem:s24+$0x8800];
	s4 =	sor.u32 s4, s14  }
0x195: {  	s23 =	simm.s32 $0x20;
	s25 =	simm.s32 $0x80;
	v5 =	vld [tilespmem:s4+$0xB080]  }
0x196: {  	s16 =	sand.u32 $0x60, s23;
	v7 =	vld [tilespmem:s4+$0xB100];
	s14 =	sand.u32 $0x1E00, s25;
	v1 =	vmul.f32 v1, v4  }
0x197: {  	s18 =	sor.u32 $0x10, s16;
	v8 =	vld [tilespmem:s4+$0xB180];
	s12 =	sand.u32 $0x780, s23;
	s31 =	sor.u32 s16, s14;
	v2 =	vmul.f32 v2, v4  }
0x198: {  	s12 =	sor.u32 s12, s18;
	v13 =	vld [tilespmem:s31+$0xB080];
	v3 =	vmul.f32 v3, v4;
	v1 =	vadd.f32 v1, v6  }
0x199: {  	v14 =	vld [tilespmem:s12+$0x8000];
	v2 =	vadd.f32 v2, v6  }
0x19a: {  	v3 =	vadd.f32 v3, v6;
	[tilespmem:s10+$0x13080] =	vst v1;
	v1 =	vld [tilespmem:s12+$0x8800];
	s12 =	sor.u32 s14, s18  }
0x19b: {  	s1 =	sand.u32 $0x3, s1;
	v7 =	vmul.f32 v7, v9;
	[tilespmem:s10+$0x13100] =	vst v2;
	v2 =	vld [tilespmem:s12+$0xB080]  }
0x19c: {  	s1 =	sshll.u32 s1, $0x5;
	[tilespmem:s10+$0x13180] =	vst v3;
	v3 =	vmul.f32 v5, v9;
	v5 =	vld [tilespmem:s12+$0xB100]  }
0x19d: {  	s1 =	sadd.s32 $0x0, s1;
	v8 =	vmul.f32 v8, v9;
	v7 =	vadd.f32 v7, v12;
	v11 =	vld [tilespmem:s12+$0xB180]  }
0x19e: {  	s19 =	simm.s32 $0x1;
	s26 =	sadd.s32 $0x10, s1;
	v15 =	vld [tilespmem:s31+$0xB100];
	v3 =	vadd.f32 v3, v12  }
0x19f: {  	s24 =	sand.u32 $0x3, s19;
	v16 =	vld [tilespmem:s31+$0xB180];
	v8 =	vadd.f32 v8, v12;
	[tilespmem:s4+$0x13100] =	vst v7;
	s10 =	sor.u32 $0x180, s26  }
0x1a0: {  	s29 =	simm.s32 $0x20;
	s16 =	sshll.u32 s24, $0x5;
	s18 =	simm.s32 $0x40;
	v10 =	vld [tilespmem:s10+$0xB080];
	[tilespmem:s4+$0x13080] =	vst v3;
	v3 =	vmul.f32 v2, v14  }
0x1a1: {  	[tilespmem:s4+$0x13180] =	vst v8;
	s26 =	sor.u32 $0x180, s1;
	s1 =	sand.u32 $0x60, s18;
	s4 =	simm.s32 $0x100;
	v2 =	vld [tilespmem:s29+$0x8000];
	v5 =	vmul.f32 v5, v14  }
0x1a2: {  	s23 =	sand.u32 $0x780, s18;
	s22 =	sor.u32 $0x10, s1;
	v17 =	vld [tilespmem:s26+$0xB080];
	s24 =	sand.u32 $0x1E00, s4;
	v8 =	vmul.f32 v11, v14;
	v7 =	vadd.f32 v3, v1  }
0x1a3: {  	s25 =	sor.u32 s23, s22;
	s23 =	sor.u32 s24, s22;
	v3 =	vld [tilespmem:s29+$0x8800];
	v11 =	vadd.f32 v5, v1  }
0x1a4: {  	s16 =	sadd.s32 $0x80, s16;
	v18 =	vld [tilespmem:s23+$0xB080];
	[tilespmem:s12+$0x13080] =	vst v7;
	v7 =	vadd.f32 v8, v1  }
0x1a5: {  	v5 =	vld [tilespmem:s25+$0x8800];
	s29 =	sadd.s32 $0x10, s16;
	v8 =	vmul.f32 v10, v4;
	[tilespmem:s12+$0x13100] =	vst v11  }
0x1a6: {  	s22 =	sor.u32 $0x180, s29;
	v4 =	vld [tilespmem:s25+$0x8000];
	v10 =	vmul.f32 v13, v2;
	[tilespmem:s12+$0x13180] =	vst v7  }
0x1a7: {  	v6 =	vadd.f32 v8, v6;
	v7 =	vmul.f32 v15, v2;
	v15 =	vld [tilespmem:s22+$0xB080]  }
0x1a8: {  	v11 =	vld [tilespmem:s23+$0xB100];
	v8 =	vmul.f32 v16, v2;
	v13 =	vadd.f32 v10, v3  }
0x1a9: {  	s24 =	sor.u32 s1, s24;
	v9 =	vmul.f32 v17, v9;
	v10 =	vld [tilespmem:s23+$0xB180];
	[tilespmem:s10+$0x13080] =	vst v6;
	v62 =	vadd.f32 v7, v3  }
0x1aa: {  	v63 =	vadd.f32 v8, v3;
	v6 =	vld [tilespmem:s24+$0xB080];
	[tilespmem:s31+$0x13080] =	vst v13  }
0x1ab: {  	s14 =	simm.s32 $0x4;
	s25 =	simm.s32 $0x40;
	v9 =	vadd.f32 v9, v12;
	v7 =	vld [tilespmem:s24+$0xB100];
	v13 =	vmul.f32 v18, v4;
	[tilespmem:s31+$0x13100] =	vst v62  }
0x1ac: {  	s12 =	sor.u32 $0x180, s16;
	s16 =	simm.s32 $0x60;
	v8 =	vld [tilespmem:s24+$0xB180];
	[tilespmem:s31+$0x13180] =	vst v63;
	s31 =	simm.s32 $0x100;
	v12 =	vmul.f32 v15, v14  }
.LBB2_35:
0x1ad: {  	s1 =	sand.u32 $0x60, s16;
	v14 =	vld [tilespmem:s25+$0x8000];
	v13 =	vadd.f32 v13, v5;
	v11 =	vmul.f32 v11, v4;
	s19 =	sadd.s32 $0x1, s19;
	[tilespmem:s26+$0x13080] =	vst v9;
	s26 =	smov.u32 s12  }
0x1ae: {  	s12 =	sand.u32 $0x780, s16;
	s10 =	sor.u32 $0x10, s1;
	s18 =	sand.u32 $0x3, s19;
	v15 =	vld [tilespmem:s25+$0x8800];
	v9 =	vmul.f32 v10, v4;
	v10 =	vadd.f32 v12, v1;
	v1 =	vmov v5  }
0x1af: {  	s4 =	sadd.s32 $0x80, s4;
	s12 =	sor.u32 s12, s10;
	s18 =	sshll.u32 s18, $0x5;
	[tilespmem:s23+$0x13080] =	vst v13;
	v11 =	vadd.f32 v11, v1;
	v12 =	vld [tilespmem:s26+$0xB080]  }
0x1b0: {  	s25 =	sshra.s32 s4, $0x2;
	s29 =	sand.u32 $0x1E00, s4;
	v5 =	vld [tilespmem:s12+$0x8800];
	s18 =	sadd.s32 s18, s31;
	v9 =	vadd.f32 v9, v1;
	[tilespmem:s22+$0x13080] =	vst v10  }
0x1b1: {  	s1 =	sor.u32 s1, s29;
	s10 =	sor.u32 s29, s10;
	v16 =	vld [tilespmem:s12+$0x8000];
	[tilespmem:s23+$0x13100] =	vst v11;
	s22 =	sadd.s32 $0x10, s18  }
0x1b2: {  	s14 =	sadd.s32 $0x2, s14;
	s12 =	sor.u32 $0x180, s18;
	v13 =	vld [tilespmem:s10+$0xB080];
	v6 =	vmul.f32 v6, v14;
	v7 =	vmul.f32 v7, v14;
	[tilespmem:s23+$0x13180] =	vst v9;
	s22 =	sor.u32 $0x180, s22  }
0x1b3: {  	p4 =	slt.u32 s14, $0x7E;
	s31 =	smov.u32 s4;
	v8 =	vmul.f32 v8, v14;
	s23 =	smov.u32 s10;
	v17 =	vld [tilespmem:s22+$0xB080]  }
.Ltmp23:
0x1b4: {  	v11 =	vld [tilespmem:s23+$0xB100];
	v9 =	vadd.f32 v6, v15;
	v18 =	vadd.f32 v7, v15;
	v7 =	vmul.f32 v12, v2;
	v2 =	vmovc v14;
	(pc) =	sbr.rel @p4 .LBB2_35-.Ltmp23, $4  }
0x1b5: {  	v12 =	vadd.f32 v8, v15;
	v10 =	vld [tilespmem:s23+$0xB180]  }
0x1b6: {  	v6 =	vld [tilespmem:s1+$0xB080];
	[tilespmem:s24+$0x13080] =	vst v9;
	v9 =	vadd.f32 v7, v3;
	v3 =	vmov v15  }
0x1b7: {  	v7 =	vld [tilespmem:s1+$0xB100];
	v13 =	vmul.f32 v13, v16;
	[tilespmem:s24+$0x13100] =	vst v18  }
0x1b8: {  	s16 =	sadd.s32 $0x20, s16;
	v8 =	vld [tilespmem:s1+$0xB180];
	[tilespmem:s24+$0x13180] =	vst v12;
	v12 =	vmul.f32 v17, v4;
	v4 =	vmov v16;
	s24 =	smov.u32 s1  }
0x1b9: {  	(v2sf) =	vpush v0, $0x4  }
0x1ba: {  	v14 =	vld [tilespmem:s25+$0x8000];
	_ =	sdelay $0x1  }
0x1bb: {  	v15 =	vld [tilespmem:s25+$0x8800]  }
0x1bc: {  	v11 =	vmul.f32 v11, v4  }
0x1bd: {  	v13 =	vadd.f32 v13, v5;
	v10 =	vmul.f32 v10, v4  }
0x1be: {  	s1 =	sadd.s32 $0x1, s19;
	v11 =	vadd.f32 v11, v5;
	v6 =	vmul.f32 v6, v14  }
0x1bf: {  	s1 =	sand.u32 $0x3, s1;
	[tilespmem:s23+$0x13080] =	vst v13;
	v10 =	vadd.f32 v10, v5;
	v7 =	vmul.f32 v7, v14  }
0x1c0: {  	s1 =	sshll.u32 s1, $0x5;
	[tilespmem:s23+$0x13100] =	vst v11;
	v8 =	vmul.f32 v8, v14;
	v6 =	vadd.f32 v6, v15  }
0x1c1: {  	s1 =	sadd.s32 s1, s31;
	[tilespmem:s23+$0x13180] =	vst v10;
	v7 =	vadd.f32 v7, v15  }
0x1c2: {  	s4 =	sadd.s32 $0x10, s1;
	v8 =	vadd.f32 v8, v15;
	[tilespmem:s24+$0x13080] =	vst v6  }
0x1c3: {  	v61 =	vld [tilespmem:s12+$0xB080];
	s4 =	sor.u32 $0x180, s4;
	[tilespmem:s24+$0x13100] =	vst v7  }
0x1c4: {  	s1 =	sor.u32 $0x180, s1;
	v62 =	vld [tilespmem:s4+$0xB080];
	[tilespmem:s24+$0x13180] =	vst v8  }
0x1c5: {  	v8 =	vld [tilespmem:s1+$0xB080];
	_ =	sdelay $0x1  }
0x1c6: {  	s10 =	spop (v2sf)  }
0x1c7: {  	v2 =	vmul.f32 v61, v2;
	p4 =	seq.s32 @!p0 s10, $0x0  }
0x1c8: {  	v1 =	vadd.f32 v12, v1;
	v63 =	vmul.f32 v62, v4;
	p4 =	por p0, !p4  }
.Ltmp24:
0x1c9: {  	[tilespmem:s26+$0x13080] =	vst v9;
	v2 =	vadd.f32 v2, v3;
	v3 =	vmul.f32 v8, v14;
	(pc) =	sbr.rel @!p4 .LBB2_42-.Ltmp24, $4  }
0x1ca: {  	[tilespmem:s22+$0x13080] =	vst v1;
	v1 =	vadd.f32 v63, v5  }
0x1cb: {  	[tilespmem:s12+$0x13080] =	vst v2;
	v2 =	vadd.f32 v3, v15  }
0x1cc: {  	[tilespmem:s4+$0x13080] =	vst v1  }
0x1cd: {  	[tilespmem:s1+$0x13080] =	vst v2  }
0x1ce: {  	s1 =	simm.s32 $0xFFFFFFFC  }
0x1cf: {  	s1 =	simm.s32 @p0 $0xFFFFFFFC  }
0x1d0: {  	s12 =	sadd.s32 $0x4, s1  }
0x1d1: {  	p5 =	slt.u32 s12, $0x7C  }
.Ltmp25:
0x1d2: {  	_ = 	snop;
	(pc) =	sbr.rel @!p5 .LBB2_38-.Ltmp25, $4  }
0x1d3: {  	_ = 	snop  }
0x1d4: {  	s16 =	simm.s32 $0x0  }
0x1d5: {  	s16 =	simm.s32 @p0 $0x0  }
0x1d6: {  	p4 =	por $0x0, $0x0;
	s19 =	sand.u32 $0x40, s16;
	s22 =	sand.u32 $0x1E00, s16  }
0x1d7: {  	s12 =	sadd.s32 $0x4, s12  }
0x1d8: {  	p5 =	slt.u32 s12, $0x7C  }
.Ltmp26:
0x1d9: {  	s4 =	sor.u32 s19, s22;
	(pc) =	sbr.rel @!p5 .LBB2_41-.Ltmp26, $4  }
0x1da: {  	v1 =	vld [tilespmem:s4+$0xB0B0]  }
0x1db: {  	v2 =	vld [tilespmem:s4+$0xB0A0]  }
0x1dc: {  	s14 =	sadd.s32 $0x100, s16;
	s16 =	sadd.s32 $0x40, s16;
	v3 =	vld [tilespmem:s4+$0xB090]  }
0x1dd: {  	p4 =	por $0x1, $0x1;
	v4 =	vld [tilespmem:s4+$0xB080];
	s19 =	sand.u32 $0x40, s16;
	s22 =	sand.u32 $0x1E00, s14  }
.LBB2_40:
0x1de: {  	s12 =	sadd.s32 $0x4, s12  }
0x1df: {  	s1 =	sor.u32 s19, s22;
	[tilespmem:s4+$0x130B0] =	vst v1;
	p5 =	slt.u32 s12, $0x7C  }
.Ltmp27:
0x1e0: {  	v1 =	vld [tilespmem:s1+$0xB0B0];
	[tilespmem:s4+$0x130A0] =	vst v2;
	(pc) =	sbr.rel @p5 .LBB2_40-.Ltmp27, $4  }
0x1e1: {  	v2 =	vld [tilespmem:s1+$0xB0A0];
	[tilespmem:s4+$0x13090] =	vst v3  }
0x1e2: {  	v3 =	vld [tilespmem:s1+$0xB090];
	[tilespmem:s4+$0x13080] =	vst v4;
	s4 =	smov.u32 s1  }
0x1e3: {  	s14 =	sadd.s32 $0x100, s14;
	s16 =	sadd.s32 $0x40, s16;
	v4 =	vld [tilespmem:s4+$0xB080]  }
0x1e4: {  	s19 =	sand.u32 $0x40, s16;
	s22 =	sand.u32 $0x1E00, s14  }
.LBB2_41:
0x1e5: {  	s1 =	sor.u32 s19, s22  }
0x1e6: {  	v5 =	vld [tilespmem:s1+$0xB0B0]  }
0x1e7: {  	[tilespmem:s4+$0x130B0] =	vst @p4 v1;
	v1 =	vld [tilespmem:s1+$0xB0A0]  }
0x1e8: {  	[tilespmem:s4+$0x130A0] =	vst @p4 v2;
	v2 =	vld [tilespmem:s1+$0xB090]  }
0x1e9: {  	[tilespmem:s4+$0x13090] =	vst @p4 v3;
	v3 =	vld [tilespmem:s1+$0xB080]  }
0x1ea: {  	[tilespmem:s4+$0x13080] =	vst @p4 v4  }
0x1eb: {  	[tilespmem:s1+$0x130B0] =	vst v5  }
0x1ec: {  	[tilespmem:s1+$0x130A0] =	vst v1  }
0x1ed: {  	[tilespmem:s1+$0x13090] =	vst v2  }
0x1ee: {  	[tilespmem:s1+$0x13080] =	vst v3  }
.LBB2_42:
0x1ef: {  	(v2sf) =	vpush v0, $0x5;
	_ =	sdelay $0xe  }
0x1f0: {  	s1 =	spop (v2sf)  }
0x1f1: {  	p4 =	seq.s32 @!p0 s1, $0x0  }
0x1f2: {  	p4 =	por p0, !p4  }
.Ltmp28:
0x1f3: {  	_ = 	snop;
	(pc) =	sbr.rel @!p4 .LBB2_48-.Ltmp28, $1  }
0x1f4: {  	_ =	sdelay $0x3  }
0x1f5: {  	s1 =	simm.s32 $0xFFFFFFFC  }
0x1f6: {  	s1 =	simm.s32 @p0 $0xFFFFFFFC  }
0x1f7: {  	s12 =	sadd.s32 $0x4, s1  }
0x1f8: {  	p5 =	slt.u32 s12, $0x7C  }
.Ltmp29:
0x1f9: {  	_ = 	snop;
	(pc) =	sbr.rel @!p5 .LBB2_44-.Ltmp29, $4  }
0x1fa: {  	_ = 	snop  }
0x1fb: {  	s16 =	simm.s32 $0x0  }
0x1fc: {  	s16 =	simm.s32 @p0 $0x0  }
0x1fd: {  	p4 =	por $0x0, $0x0;
	s19 =	sand.u32 $0x40, s16;
	s22 =	sand.u32 $0x1E00, s16  }
0x1fe: {  	s12 =	sadd.s32 $0x4, s12  }
0x1ff: {  	p5 =	slt.u32 s12, $0x7C  }
.Ltmp30:
0x200: {  	s4 =	sor.u32 s19, s22;
	(pc) =	sbr.rel @!p5 .LBB2_47-.Ltmp30, $4  }
0x201: {  	v1 =	vld [tilespmem:s4+$0xB130]  }
0x202: {  	v2 =	vld [tilespmem:s4+$0xB120]  }
0x203: {  	s14 =	sadd.s32 $0x100, s16;
	s16 =	sadd.s32 $0x40, s16;
	v3 =	vld [tilespmem:s4+$0xB110]  }
0x204: {  	p4 =	por $0x1, $0x1;
	v4 =	vld [tilespmem:s4+$0xB100];
	s19 =	sand.u32 $0x40, s16;
	s22 =	sand.u32 $0x1E00, s14  }
.LBB2_46:
0x205: {  	s12 =	sadd.s32 $0x4, s12  }
0x206: {  	s1 =	sor.u32 s19, s22;
	[tilespmem:s4+$0x13130] =	vst v1;
	p5 =	slt.u32 s12, $0x7C  }
.Ltmp31:
0x207: {  	v1 =	vld [tilespmem:s1+$0xB130];
	[tilespmem:s4+$0x13120] =	vst v2;
	(pc) =	sbr.rel @p5 .LBB2_46-.Ltmp31, $4  }
0x208: {  	v2 =	vld [tilespmem:s1+$0xB120];
	[tilespmem:s4+$0x13110] =	vst v3  }
0x209: {  	v3 =	vld [tilespmem:s1+$0xB110];
	[tilespmem:s4+$0x13100] =	vst v4;
	s4 =	smov.u32 s1  }
0x20a: {  	s14 =	sadd.s32 $0x100, s14;
	s16 =	sadd.s32 $0x40, s16;
	v4 =	vld [tilespmem:s4+$0xB100]  }
0x20b: {  	s19 =	sand.u32 $0x40, s16;
	s22 =	sand.u32 $0x1E00, s14  }
.LBB2_47:
0x20c: {  	s1 =	sor.u32 s19, s22  }
0x20d: {  	v5 =	vld [tilespmem:s1+$0xB130]  }
0x20e: {  	[tilespmem:s4+$0x13130] =	vst @p4 v1;
	v1 =	vld [tilespmem:s1+$0xB120]  }
0x20f: {  	[tilespmem:s4+$0x13120] =	vst @p4 v2;
	v2 =	vld [tilespmem:s1+$0xB110]  }
0x210: {  	[tilespmem:s4+$0x13110] =	vst @p4 v3;
	v3 =	vld [tilespmem:s1+$0xB100]  }
0x211: {  	[tilespmem:s4+$0x13100] =	vst @p4 v4  }
0x212: {  	[tilespmem:s1+$0x13130] =	vst v5  }
0x213: {  	[tilespmem:s1+$0x13120] =	vst v1  }
0x214: {  	[tilespmem:s1+$0x13110] =	vst v2  }
0x215: {  	[tilespmem:s1+$0x13100] =	vst v3  }
.LBB2_48:
0x216: {  	(v2sf) =	vpush v0, $0x6;
	_ =	sdelay $0xe  }
0x217: {  	s1 =	spop (v2sf)  }
0x218: {  	p4 =	seq.s32 @!p0 s1, $0x0  }
0x219: {  	p4 =	por p0, !p4  }
.Ltmp32:
0x21a: {  	_ = 	snop;
	(pc) =	sbr.rel @!p4 .LBB2_54-.Ltmp32, $1  }
0x21b: {  	_ =	sdelay $0x3  }
0x21c: {  	s1 =	simm.s32 $0xFFFFFFFC  }
0x21d: {  	s1 =	simm.s32 @p0 $0xFFFFFFFC  }
0x21e: {  	s14 =	sadd.s32 $0x4, s1  }
0x21f: {  	p5 =	slt.u32 s14, $0x7C  }
.Ltmp33:
0x220: {  	_ = 	snop;
	(pc) =	sbr.rel @!p5 .LBB2_50-.Ltmp33, $4  }
0x221: {  	s4 =	simm.s32 $0x1  }
0x222: {  	s23 =	simm.s32 $0x0;
	s4 =	simm.s32 @!p1 $0x0  }
0x223: {  	s23 =	simm.s32 @p0 $0x0;
	s31 =	sshll.u32 s4, $0x6  }
0x224: {  	p4 =	por $0x0, $0x0;
	s19 =	sadd.s32 s31, s23  }
0x225: {  	s22 =	sadd.s32 $0x4, s14  }
0x226: {  	p6 =	slt.u32 s22, $0x7C  }
.Ltmp34:
0x227: {  	s12 =	sor.u32 $0x100, s19;
	(pc) =	sbr.rel @!p6 .LBB2_53-.Ltmp34, $4  }
0x228: {  	s16 =	sor.u32 $0x120, s19;
	p5 =	por !p1, !p1;
	s1 =	simm.s32 $0x1;
	v1 =	vld [tilespmem:s12+$0xB080]  }
0x229: {  	s4 =	sor.u32 $0x110, s19;
	v2 =	vld [tilespmem:s16+$0xB080];
	s1 =	simm.s32 @!p5 $0x0  }
0x22a: {  	s14 =	sor.u32 $0x130, s19;
	s23 =	sadd.s32 $0x100, s23;
	v3 =	vld [tilespmem:s4+$0xB080];
	s1 =	sshll.u32 s1, $0x6  }
0x22b: {  	p4 =	por $0x1, $0x1;
	v4 =	vld [tilespmem:s14+$0xB080];
	s19 =	sadd.s32 s1, s23  }
.LBB2_52:
0x22c: {  	s1 =	sor.u32 $0x110, s19;
	s22 =	sadd.s32 $0x4, s22  }
0x22d: {  	s10 =	sor.u32 $0x120, s19;
	[tilespmem:s12+$0x13080] =	vst v1;
	s12 =	sor.u32 $0x100, s19;
	p6 =	slt.u32 s22, $0x7C  }
.Ltmp35:
0x22e: {  	s18 =	sor.u32 $0x130, s19;
	v1 =	vld [tilespmem:s12+$0xB080];
	[tilespmem:s16+$0x13080] =	vst v2;
	(pc) =	sbr.rel @p6 .LBB2_52-.Ltmp35, $4  }
0x22f: {  	p5 =	por !p5, !p5;
	v2 =	vld [tilespmem:s10+$0xB080];
	[tilespmem:s4+$0x13080] =	vst v3;
	s4 =	smov.u32 s1;
	s1 =	simm.s32 $0x1  }
0x230: {  	s16 =	smov.u32 s10;
	s1 =	simm.s32 @!p5 $0x0;
	v3 =	vld [tilespmem:s4+$0xB080];
	[tilespmem:s14+$0x13080] =	vst v4;
	s14 =	smov.u32 s18  }
0x231: {  	s23 =	sadd.s32 $0x100, s23;
	s1 =	sshll.u32 s1, $0x6;
	v4 =	vld [tilespmem:s14+$0xB080]  }
0x232: {  	s19 =	sadd.s32 s1, s23  }
.LBB2_53:
0x233: {  	s1 =	sor.u32 $0x100, s19  }
0x234: {  	s10 =	sor.u32 $0x120, s19;
	v5 =	vld [tilespmem:s1+$0xB080]  }
0x235: {  	s18 =	sor.u32 $0x110, s19;
	[tilespmem:s12+$0x13080] =	vst @p4 v1;
	v1 =	vld [tilespmem:s10+$0xB080]  }
0x236: {  	s31 =	sor.u32 $0x130, s19;
	[tilespmem:s16+$0x13080] =	vst @p4 v2;
	v2 =	vld [tilespmem:s18+$0xB080]  }
0x237: {  	[tilespmem:s4+$0x13080] =	vst @p4 v3;
	v3 =	vld [tilespmem:s31+$0xB080]  }
0x238: {  	[tilespmem:s14+$0x13080] =	vst @p4 v4  }
0x239: {  	[tilespmem:s1+$0x13080] =	vst v5  }
0x23a: {  	[tilespmem:s10+$0x13080] =	vst v1  }
0x23b: {  	[tilespmem:s18+$0x13080] =	vst v2  }
0x23c: {  	[tilespmem:s31+$0x13080] =	vst v3  }
.LBB2_54:
0x23d: {  	(v2sf) =	vpush v0, $0x7;
	_ =	sdelay $0xe  }
0x23e: {  	s1 =	spop (v2sf)  }
0x23f: {  	p4 =	seq.s32 @!p0 s1, $0x0  }
0x240: {  	p4 =	por p0, !p4  }
.Ltmp36:
0x241: {  	_ = 	snop;
	(pc) =	sbr.rel @!p4 .LBB2_60-.Ltmp36, $1  }
0x242: {  	_ =	sdelay $0x3  }
0x243: {  	s1 =	simm.s32 $0xFFFFFFFC  }
0x244: {  	s1 =	simm.s32 @p0 $0xFFFFFFFC  }
0x245: {  	s14 =	sadd.s32 $0x4, s1  }
0x246: {  	p5 =	slt.u32 s14, $0x7C  }
.Ltmp37:
0x247: {  	_ = 	snop;
	(pc) =	sbr.rel @!p5 .LBB2_56-.Ltmp37, $4  }
0x248: {  	s4 =	simm.s32 $0x1  }
0x249: {  	s23 =	simm.s32 $0x0;
	s4 =	simm.s32 @!p1 $0x0  }
0x24a: {  	s23 =	simm.s32 @p0 $0x0;
	s31 =	sshll.u32 s4, $0x6  }
0x24b: {  	p4 =	por $0x0, $0x0;
	s19 =	sadd.s32 s31, s23  }
0x24c: {  	s22 =	sadd.s32 $0x4, s14  }
0x24d: {  	p6 =	slt.u32 s22, $0x7C  }
.Ltmp38:
0x24e: {  	s12 =	sor.u32 $0x180, s19;
	(pc) =	sbr.rel @!p6 .LBB2_59-.Ltmp38, $4  }
0x24f: {  	s16 =	sor.u32 $0x1A0, s19;
	p5 =	por !p1, !p1;
	s1 =	simm.s32 $0x1;
	v1 =	vld [tilespmem:s12+$0xB080]  }
0x250: {  	s4 =	sor.u32 $0x190, s19;
	v2 =	vld [tilespmem:s16+$0xB080];
	s1 =	simm.s32 @!p5 $0x0  }
0x251: {  	s14 =	sor.u32 $0x1B0, s19;
	s23 =	sadd.s32 $0x100, s23;
	v3 =	vld [tilespmem:s4+$0xB080];
	s1 =	sshll.u32 s1, $0x6  }
0x252: {  	p4 =	por $0x1, $0x1;
	v4 =	vld [tilespmem:s14+$0xB080];
	s19 =	sadd.s32 s1, s23  }
.LBB2_58:
0x253: {  	s1 =	sor.u32 $0x190, s19;
	s22 =	sadd.s32 $0x4, s22  }
0x254: {  	s10 =	sor.u32 $0x1A0, s19;
	[tilespmem:s12+$0x13080] =	vst v1;
	s12 =	sor.u32 $0x180, s19;
	p6 =	slt.u32 s22, $0x7C  }
.Ltmp39:
0x255: {  	s18 =	sor.u32 $0x1B0, s19;
	v1 =	vld [tilespmem:s12+$0xB080];
	[tilespmem:s16+$0x13080] =	vst v2;
	(pc) =	sbr.rel @p6 .LBB2_58-.Ltmp39, $4  }
0x256: {  	p5 =	por !p5, !p5;
	v2 =	vld [tilespmem:s10+$0xB080];
	[tilespmem:s4+$0x13080] =	vst v3;
	s4 =	smov.u32 s1;
	s1 =	simm.s32 $0x1  }
0x257: {  	s16 =	smov.u32 s10;
	s1 =	simm.s32 @!p5 $0x0;
	v3 =	vld [tilespmem:s4+$0xB080];
	[tilespmem:s14+$0x13080] =	vst v4;
	s14 =	smov.u32 s18  }
0x258: {  	s23 =	sadd.s32 $0x100, s23;
	s1 =	sshll.u32 s1, $0x6;
	v4 =	vld [tilespmem:s14+$0xB080]  }
0x259: {  	s19 =	sadd.s32 s1, s23  }
.LBB2_59:
0x25a: {  	s1 =	sor.u32 $0x180, s19  }
0x25b: {  	s10 =	sor.u32 $0x1A0, s19;
	v5 =	vld [tilespmem:s1+$0xB080]  }
0x25c: {  	s18 =	sor.u32 $0x190, s19;
	[tilespmem:s12+$0x13080] =	vst @p4 v1;
	v1 =	vld [tilespmem:s10+$0xB080]  }
0x25d: {  	s31 =	sor.u32 $0x1B0, s19;
	[tilespmem:s16+$0x13080] =	vst @p4 v2;
	v2 =	vld [tilespmem:s18+$0xB080]  }
0x25e: {  	[tilespmem:s4+$0x13080] =	vst @p4 v3;
	v3 =	vld [tilespmem:s31+$0xB080]  }
0x25f: {  	[tilespmem:s14+$0x13080] =	vst @p4 v4  }
0x260: {  	[tilespmem:s1+$0x13080] =	vst v5  }
0x261: {  	[tilespmem:s10+$0x13080] =	vst v1  }
0x262: {  	[tilespmem:s18+$0x13080] =	vst v2  }
0x263: {  	[tilespmem:s31+$0x13080] =	vst v3  }
.LBB2_60:
.Ltmp40:
0x264: {  	(pc) =	sbr.rel @p3 .LBB2_62-.Ltmp40, $3  }
0x265: {  	_ =	sdelay $0x1  }
0x266: {  	s1 =	sadd.s32 s11, s13;
	s4 =	simm.s32 $0x13080  }
0x267: {  	[hbm4b:s1+s20] =	stream.strided.scatter [tilespmem:s4], [sflag:$0x6], $0x2000, s21, s20, $0x38;
	[tilespmem:$0x19080] =	vst v63  }
.Ltmp41:
0x268: {  	(pc) =	sbr.rel .LBB2_63-.Ltmp41, $4  }
0x269: {  	_ = 	snop  }
0x26a: {  	_ =	swait.ge [sflag:s3], $0x2000  }
0x26b: {  	[sflag:s3] =	ssyncset.done $0x0  }
0x26c: {  	[sflag:s3] =	ssyncadd.s32 $0xFFFFE000  }
.LBB2_62:
0x26d: {  	s1 =	rddreg [dreg:$0xc]  }
.Ltmp42:
0x26e: {  	s4 =	simm.s32 $0xB080;
	s1 =	sadd.s32 s11, s1;
	(pc) =	sbr.rel @p2 .LBB2_64-.Ltmp42, $4  }
0x26f: {  	[tilespmem:s4], [sflag:$0x2] =	stream.strided.gather [hbm4b:s1+s20], $0x2000, s21, s20, $0x38;
	[tilespmem:$0x19080] =	vst v63  }
0x270: {  	_ =	swait.ge [sflag:s3], $0x2000  }
0x271: {  	[sflag:s3] =	ssyncset.done $0x0  }
0x272: {  	[sflag:s3] =	ssyncadd.s32 $0xFFFFE000  }
.LBB2_63:
0x273: {  	_ =	swait.ge [sflag:s28], $0x2000  }
0x274: {  	[sflag:s28] =	ssyncset.done $0x0  }
0x275: {  	[sflag:s28] =	ssyncadd.s32 $0xFFFFE000  }
.LBB2_64:
0x276: {  	s1 =	simm.s32 $0x0  }
0x277: {  	s4 =	sand.u32 $0x60, s1  }
0x278: {  	s24 =	simm.s32 $0x0;
	s12 =	sand.u32 $0x780, s1;
	s10 =	sor.u32 $0x10, s4  }
0x279: {  	v9 =	vld [tilespmem:s24+$0x8000];
	s12 =	sor.u32 s12, s10  }
0x27a: {  	s14 =	sand.u32 $0x1E00, s1;
	v6 =	vld [tilespmem:s12+$0x8800]  }
0x27b: {  	s10 =	sor.u32 s14, s10;
	v4 =	vld [tilespmem:s12+$0x8000]  }
0x27c: {  	v1 =	vld [tilespmem:s10+$0xD080]  }
0x27d: {  	v2 =	vld [tilespmem:s10+$0xD100]  }
0x27e: {  	v3 =	vld [tilespmem:s10+$0xD180]  }
0x27f: {  	v12 =	vld [tilespmem:s24+$0x8800];
	s4 =	sor.u32 s4, s14  }
0x280: {  	s23 =	simm.s32 $0x20;
	s25 =	simm.s32 $0x80;
	v5 =	vld [tilespmem:s4+$0xD080]  }
0x281: {  	s16 =	sand.u32 $0x60, s23;
	v7 =	vld [tilespmem:s4+$0xD100];
	s14 =	sand.u32 $0x1E00, s25;
	v1 =	vmul.f32 v1, v4  }
0x282: {  	s18 =	sor.u32 $0x10, s16;
	v8 =	vld [tilespmem:s4+$0xD180];
	s12 =	sand.u32 $0x780, s23;
	s31 =	sor.u32 s16, s14;
	v2 =	vmul.f32 v2, v4  }
0x283: {  	s12 =	sor.u32 s12, s18;
	v13 =	vld [tilespmem:s31+$0xD080];
	v3 =	vmul.f32 v3, v4;
	v1 =	vadd.f32 v1, v6  }
0x284: {  	v14 =	vld [tilespmem:s12+$0x8000];
	v2 =	vadd.f32 v2, v6  }
0x285: {  	v3 =	vadd.f32 v3, v6;
	[tilespmem:s10+$0x15080] =	vst v1;
	v1 =	vld [tilespmem:s12+$0x8800];
	s12 =	sor.u32 s14, s18  }
0x286: {  	s1 =	sand.u32 $0x3, s1;
	v7 =	vmul.f32 v7, v9;
	[tilespmem:s10+$0x15100] =	vst v2;
	v2 =	vld [tilespmem:s12+$0xD080]  }
0x287: {  	s1 =	sshll.u32 s1, $0x5;
	[tilespmem:s10+$0x15180] =	vst v3;
	v3 =	vmul.f32 v5, v9;
	v5 =	vld [tilespmem:s12+$0xD100]  }
0x288: {  	s1 =	sadd.s32 $0x0, s1;
	v8 =	vmul.f32 v8, v9;
	v7 =	vadd.f32 v7, v12;
	v11 =	vld [tilespmem:s12+$0xD180]  }
0x289: {  	s19 =	simm.s32 $0x1;
	s26 =	sadd.s32 $0x10, s1;
	v15 =	vld [tilespmem:s31+$0xD100];
	v3 =	vadd.f32 v3, v12  }
0x28a: {  	s24 =	sand.u32 $0x3, s19;
	v16 =	vld [tilespmem:s31+$0xD180];
	v8 =	vadd.f32 v8, v12;
	[tilespmem:s4+$0x15100] =	vst v7;
	s10 =	sor.u32 $0x180, s26  }
0x28b: {  	s29 =	simm.s32 $0x20;
	s16 =	sshll.u32 s24, $0x5;
	s18 =	simm.s32 $0x40;
	v10 =	vld [tilespmem:s10+$0xD080];
	[tilespmem:s4+$0x15080] =	vst v3;
	v3 =	vmul.f32 v2, v14  }
0x28c: {  	[tilespmem:s4+$0x15180] =	vst v8;
	s26 =	sor.u32 $0x180, s1;
	s1 =	sand.u32 $0x60, s18;
	s4 =	simm.s32 $0x100;
	v2 =	vld [tilespmem:s29+$0x8000];
	v5 =	vmul.f32 v5, v14  }
0x28d: {  	s23 =	sand.u32 $0x780, s18;
	s22 =	sor.u32 $0x10, s1;
	v17 =	vld [tilespmem:s26+$0xD080];
	s24 =	sand.u32 $0x1E00, s4;
	v8 =	vmul.f32 v11, v14;
	v7 =	vadd.f32 v3, v1  }
0x28e: {  	s25 =	sor.u32 s23, s22;
	s23 =	sor.u32 s24, s22;
	v3 =	vld [tilespmem:s29+$0x8800];
	v11 =	vadd.f32 v5, v1  }
0x28f: {  	s16 =	sadd.s32 $0x80, s16;
	v18 =	vld [tilespmem:s23+$0xD080];
	[tilespmem:s12+$0x15080] =	vst v7;
	v7 =	vadd.f32 v8, v1  }
0x290: {  	v5 =	vld [tilespmem:s25+$0x8800];
	s29 =	sadd.s32 $0x10, s16;
	v8 =	vmul.f32 v10, v4;
	[tilespmem:s12+$0x15100] =	vst v11  }
0x291: {  	s22 =	sor.u32 $0x180, s29;
	v4 =	vld [tilespmem:s25+$0x8000];
	v10 =	vmul.f32 v13, v2;
	[tilespmem:s12+$0x15180] =	vst v7  }
0x292: {  	v6 =	vadd.f32 v8, v6;
	v7 =	vmul.f32 v15, v2;
	v15 =	vld [tilespmem:s22+$0xD080]  }
0x293: {  	v11 =	vld [tilespmem:s23+$0xD100];
	v8 =	vmul.f32 v16, v2;
	v13 =	vadd.f32 v10, v3  }
0x294: {  	s24 =	sor.u32 s1, s24;
	v9 =	vmul.f32 v17, v9;
	v10 =	vld [tilespmem:s23+$0xD180];
	[tilespmem:s10+$0x15080] =	vst v6;
	v62 =	vadd.f32 v7, v3  }
0x295: {  	v63 =	vadd.f32 v8, v3;
	v6 =	vld [tilespmem:s24+$0xD080];
	[tilespmem:s31+$0x15080] =	vst v13  }
0x296: {  	s14 =	simm.s32 $0x4;
	s25 =	simm.s32 $0x40;
	v9 =	vadd.f32 v9, v12;
	v7 =	vld [tilespmem:s24+$0xD100];
	v13 =	vmul.f32 v18, v4;
	[tilespmem:s31+$0x15100] =	vst v62  }
0x297: {  	s12 =	sor.u32 $0x180, s16;
	s16 =	simm.s32 $0x60;
	v8 =	vld [tilespmem:s24+$0xD180];
	[tilespmem:s31+$0x15180] =	vst v63;
	s31 =	simm.s32 $0x100;
	v12 =	vmul.f32 v15, v14  }
.LBB2_65:
0x298: {  	s1 =	sand.u32 $0x60, s16;
	v14 =	vld [tilespmem:s25+$0x8000];
	v13 =	vadd.f32 v13, v5;
	v11 =	vmul.f32 v11, v4;
	s19 =	sadd.s32 $0x1, s19;
	[tilespmem:s26+$0x15080] =	vst v9;
	s26 =	smov.u32 s12  }
0x299: {  	s12 =	sand.u32 $0x780, s16;
	s10 =	sor.u32 $0x10, s1;
	s18 =	sand.u32 $0x3, s19;
	v15 =	vld [tilespmem:s25+$0x8800];
	v9 =	vmul.f32 v10, v4;
	v10 =	vadd.f32 v12, v1;
	v1 =	vmov v5  }
0x29a: {  	s4 =	sadd.s32 $0x80, s4;
	s12 =	sor.u32 s12, s10;
	s18 =	sshll.u32 s18, $0x5;
	[tilespmem:s23+$0x15080] =	vst v13;
	v11 =	vadd.f32 v11, v1;
	v12 =	vld [tilespmem:s26+$0xD080]  }
0x29b: {  	s25 =	sshra.s32 s4, $0x2;
	s29 =	sand.u32 $0x1E00, s4;
	v5 =	vld [tilespmem:s12+$0x8800];
	s18 =	sadd.s32 s18, s31;
	v9 =	vadd.f32 v9, v1;
	[tilespmem:s22+$0x15080] =	vst v10  }
0x29c: {  	s1 =	sor.u32 s1, s29;
	s10 =	sor.u32 s29, s10;
	v16 =	vld [tilespmem:s12+$0x8000];
	[tilespmem:s23+$0x15100] =	vst v11;
	s22 =	sadd.s32 $0x10, s18  }
0x29d: {  	s14 =	sadd.s32 $0x2, s14;
	s12 =	sor.u32 $0x180, s18;
	v13 =	vld [tilespmem:s10+$0xD080];
	v6 =	vmul.f32 v6, v14;
	v7 =	vmul.f32 v7, v14;
	[tilespmem:s23+$0x15180] =	vst v9;
	s22 =	sor.u32 $0x180, s22  }
0x29e: {  	p4 =	slt.u32 s14, $0x7E;
	s31 =	smov.u32 s4;
	v8 =	vmul.f32 v8, v14;
	s23 =	smov.u32 s10;
	v17 =	vld [tilespmem:s22+$0xD080]  }
.Ltmp43:
0x29f: {  	v11 =	vld [tilespmem:s23+$0xD100];
	v9 =	vadd.f32 v6, v15;
	v18 =	vadd.f32 v7, v15;
	v7 =	vmul.f32 v12, v2;
	v2 =	vmovc v14;
	(pc) =	sbr.rel @p4 .LBB2_65-.Ltmp43, $4  }
0x2a0: {  	v12 =	vadd.f32 v8, v15;
	v10 =	vld [tilespmem:s23+$0xD180]  }
0x2a1: {  	v6 =	vld [tilespmem:s1+$0xD080];
	[tilespmem:s24+$0x15080] =	vst v9;
	v9 =	vadd.f32 v7, v3;
	v3 =	vmov v15  }
0x2a2: {  	v7 =	vld [tilespmem:s1+$0xD100];
	v13 =	vmul.f32 v13, v16;
	[tilespmem:s24+$0x15100] =	vst v18  }
0x2a3: {  	s16 =	sadd.s32 $0x20, s16;
	v8 =	vld [tilespmem:s1+$0xD180];
	[tilespmem:s24+$0x15180] =	vst v12;
	v12 =	vmul.f32 v17, v4;
	v4 =	vmov v16;
	s24 =	smov.u32 s1  }
0x2a4: {  	(v2sf) =	vpush v0, $0x8  }
0x2a5: {  	v14 =	vld [tilespmem:s25+$0x8000];
	_ =	sdelay $0x1  }
0x2a6: {  	v15 =	vld [tilespmem:s25+$0x8800]  }
0x2a7: {  	v11 =	vmul.f32 v11, v4  }
0x2a8: {  	v13 =	vadd.f32 v13, v5;
	v10 =	vmul.f32 v10, v4  }
0x2a9: {  	s1 =	sadd.s32 $0x1, s19;
	v11 =	vadd.f32 v11, v5;
	v6 =	vmul.f32 v6, v14  }
0x2aa: {  	s1 =	sand.u32 $0x3, s1;
	[tilespmem:s23+$0x15080] =	vst v13;
	v10 =	vadd.f32 v10, v5;
	v7 =	vmul.f32 v7, v14  }
0x2ab: {  	s1 =	sshll.u32 s1, $0x5;
	[tilespmem:s23+$0x15100] =	vst v11;
	v8 =	vmul.f32 v8, v14;
	v6 =	vadd.f32 v6, v15  }
0x2ac: {  	s1 =	sadd.s32 s1, s31;
	[tilespmem:s23+$0x15180] =	vst v10;
	v7 =	vadd.f32 v7, v15  }
0x2ad: {  	s4 =	sadd.s32 $0x10, s1;
	v8 =	vadd.f32 v8, v15;
	[tilespmem:s24+$0x15080] =	vst v6  }
0x2ae: {  	v61 =	vld [tilespmem:s12+$0xD080];
	s4 =	sor.u32 $0x180, s4;
	[tilespmem:s24+$0x15100] =	vst v7  }
0x2af: {  	s1 =	sor.u32 $0x180, s1;
	v62 =	vld [tilespmem:s4+$0xD080];
	[tilespmem:s24+$0x15180] =	vst v8  }
0x2b0: {  	v8 =	vld [tilespmem:s1+$0xD080];
	_ =	sdelay $0x1  }
0x2b1: {  	s10 =	spop (v2sf)  }
0x2b2: {  	v2 =	vmul.f32 v61, v2;
	p4 =	seq.s32 @!p0 s10, $0x0  }
0x2b3: {  	v1 =	vadd.f32 v12, v1;
	v63 =	vmul.f32 v62, v4;
	p4 =	por p0, !p4  }
.Ltmp44:
0x2b4: {  	[tilespmem:s26+$0x15080] =	vst v9;
	v2 =	vadd.f32 v2, v3;
	v3 =	vmul.f32 v8, v14;
	(pc) =	sbr.rel @!p4 .LBB2_72-.Ltmp44, $4  }
0x2b5: {  	[tilespmem:s22+$0x15080] =	vst v1;
	v1 =	vadd.f32 v63, v5  }
0x2b6: {  	[tilespmem:s12+$0x15080] =	vst v2;
	v2 =	vadd.f32 v3, v15  }
0x2b7: {  	[tilespmem:s4+$0x15080] =	vst v1  }
0x2b8: {  	[tilespmem:s1+$0x15080] =	vst v2  }
0x2b9: {  	s1 =	simm.s32 $0xFFFFFFFC  }
0x2ba: {  	s1 =	simm.s32 @p0 $0xFFFFFFFC  }
0x2bb: {  	s12 =	sadd.s32 $0x4, s1  }
0x2bc: {  	p5 =	slt.u32 s12, $0x7C  }
.Ltmp45:
0x2bd: {  	_ = 	snop;
	(pc) =	sbr.rel @!p5 .LBB2_68-.Ltmp45, $4  }
0x2be: {  	_ = 	snop  }
0x2bf: {  	s16 =	simm.s32 $0x0  }
0x2c0: {  	s16 =	simm.s32 @p0 $0x0  }
0x2c1: {  	p4 =	por $0x0, $0x0;
	s19 =	sand.u32 $0x40, s16;
	s22 =	sand.u32 $0x1E00, s16  }
0x2c2: {  	s12 =	sadd.s32 $0x4, s12  }
0x2c3: {  	p5 =	slt.u32 s12, $0x7C  }
.Ltmp46:
0x2c4: {  	s4 =	sor.u32 s19, s22;
	(pc) =	sbr.rel @!p5 .LBB2_71-.Ltmp46, $4  }
0x2c5: {  	v1 =	vld [tilespmem:s4+$0xD0B0]  }
0x2c6: {  	v2 =	vld [tilespmem:s4+$0xD0A0]  }
0x2c7: {  	s14 =	sadd.s32 $0x100, s16;
	s16 =	sadd.s32 $0x40, s16;
	v3 =	vld [tilespmem:s4+$0xD090]  }
0x2c8: {  	p4 =	por $0x1, $0x1;
	v4 =	vld [tilespmem:s4+$0xD080];
	s19 =	sand.u32 $0x40, s16;
	s22 =	sand.u32 $0x1E00, s14  }
.LBB2_70:
0x2c9: {  	s12 =	sadd.s32 $0x4, s12  }
0x2ca: {  	s1 =	sor.u32 s19, s22;
	[tilespmem:s4+$0x150B0] =	vst v1;
	p5 =	slt.u32 s12, $0x7C  }
.Ltmp47:
0x2cb: {  	v1 =	vld [tilespmem:s1+$0xD0B0];
	[tilespmem:s4+$0x150A0] =	vst v2;
	(pc) =	sbr.rel @p5 .LBB2_70-.Ltmp47, $4  }
0x2cc: {  	v2 =	vld [tilespmem:s1+$0xD0A0];
	[tilespmem:s4+$0x15090] =	vst v3  }
0x2cd: {  	v3 =	vld [tilespmem:s1+$0xD090];
	[tilespmem:s4+$0x15080] =	vst v4;
	s4 =	smov.u32 s1  }
0x2ce: {  	s14 =	sadd.s32 $0x100, s14;
	s16 =	sadd.s32 $0x40, s16;
	v4 =	vld [tilespmem:s4+$0xD080]  }
0x2cf: {  	s19 =	sand.u32 $0x40, s16;
	s22 =	sand.u32 $0x1E00, s14  }
.LBB2_71:
0x2d0: {  	s1 =	sor.u32 s19, s22  }
0x2d1: {  	v5 =	vld [tilespmem:s1+$0xD0B0]  }
0x2d2: {  	[tilespmem:s4+$0x150B0] =	vst @p4 v1;
	v1 =	vld [tilespmem:s1+$0xD0A0]  }
0x2d3: {  	[tilespmem:s4+$0x150A0] =	vst @p4 v2;
	v2 =	vld [tilespmem:s1+$0xD090]  }
0x2d4: {  	[tilespmem:s4+$0x15090] =	vst @p4 v3;
	v3 =	vld [tilespmem:s1+$0xD080]  }
0x2d5: {  	[tilespmem:s4+$0x15080] =	vst @p4 v4  }
0x2d6: {  	[tilespmem:s1+$0x150B0] =	vst v5  }
0x2d7: {  	[tilespmem:s1+$0x150A0] =	vst v1  }
0x2d8: {  	[tilespmem:s1+$0x15090] =	vst v2  }
0x2d9: {  	[tilespmem:s1+$0x15080] =	vst v3  }
.LBB2_72:
0x2da: {  	(v2sf) =	vpush v0, $0x9;
	_ =	sdelay $0xe  }
0x2db: {  	s1 =	spop (v2sf)  }
0x2dc: {  	p4 =	seq.s32 @!p0 s1, $0x0  }
0x2dd: {  	p4 =	por p0, !p4  }
.Ltmp48:
0x2de: {  	_ = 	snop;
	(pc) =	sbr.rel @!p4 .LBB2_78-.Ltmp48, $1  }
0x2df: {  	_ =	sdelay $0x3  }
0x2e0: {  	s1 =	simm.s32 $0xFFFFFFFC  }
0x2e1: {  	s1 =	simm.s32 @p0 $0xFFFFFFFC  }
0x2e2: {  	s12 =	sadd.s32 $0x4, s1  }
0x2e3: {  	p5 =	slt.u32 s12, $0x7C  }
.Ltmp49:
0x2e4: {  	_ = 	snop;
	(pc) =	sbr.rel @!p5 .LBB2_74-.Ltmp49, $4  }
0x2e5: {  	_ = 	snop  }
0x2e6: {  	s16 =	simm.s32 $0x0  }
0x2e7: {  	s16 =	simm.s32 @p0 $0x0  }
0x2e8: {  	p4 =	por $0x0, $0x0;
	s19 =	sand.u32 $0x40, s16;
	s22 =	sand.u32 $0x1E00, s16  }
0x2e9: {  	s12 =	sadd.s32 $0x4, s12  }
0x2ea: {  	p5 =	slt.u32 s12, $0x7C  }
.Ltmp50:
0x2eb: {  	s4 =	sor.u32 s19, s22;
	(pc) =	sbr.rel @!p5 .LBB2_77-.Ltmp50, $4  }
0x2ec: {  	v1 =	vld [tilespmem:s4+$0xD130]  }
0x2ed: {  	v2 =	vld [tilespmem:s4+$0xD120]  }
0x2ee: {  	s14 =	sadd.s32 $0x100, s16;
	s16 =	sadd.s32 $0x40, s16;
	v3 =	vld [tilespmem:s4+$0xD110]  }
0x2ef: {  	p4 =	por $0x1, $0x1;
	v4 =	vld [tilespmem:s4+$0xD100];
	s19 =	sand.u32 $0x40, s16;
	s22 =	sand.u32 $0x1E00, s14  }
.LBB2_76:
0x2f0: {  	s12 =	sadd.s32 $0x4, s12  }
0x2f1: {  	s1 =	sor.u32 s19, s22;
	[tilespmem:s4+$0x15130] =	vst v1;
	p5 =	slt.u32 s12, $0x7C  }
.Ltmp51:
0x2f2: {  	v1 =	vld [tilespmem:s1+$0xD130];
	[tilespmem:s4+$0x15120] =	vst v2;
	(pc) =	sbr.rel @p5 .LBB2_76-.Ltmp51, $4  }
0x2f3: {  	v2 =	vld [tilespmem:s1+$0xD120];
	[tilespmem:s4+$0x15110] =	vst v3  }
0x2f4: {  	v3 =	vld [tilespmem:s1+$0xD110];
	[tilespmem:s4+$0x15100] =	vst v4;
	s4 =	smov.u32 s1  }
0x2f5: {  	s14 =	sadd.s32 $0x100, s14;
	s16 =	sadd.s32 $0x40, s16;
	v4 =	vld [tilespmem:s4+$0xD100]  }
0x2f6: {  	s19 =	sand.u32 $0x40, s16;
	s22 =	sand.u32 $0x1E00, s14  }
.LBB2_77:
0x2f7: {  	s1 =	sor.u32 s19, s22  }
0x2f8: {  	v5 =	vld [tilespmem:s1+$0xD130]  }
0x2f9: {  	[tilespmem:s4+$0x15130] =	vst @p4 v1;
	v1 =	vld [tilespmem:s1+$0xD120]  }
0x2fa: {  	[tilespmem:s4+$0x15120] =	vst @p4 v2;
	v2 =	vld [tilespmem:s1+$0xD110]  }
0x2fb: {  	[tilespmem:s4+$0x15110] =	vst @p4 v3;
	v3 =	vld [tilespmem:s1+$0xD100]  }
0x2fc: {  	[tilespmem:s4+$0x15100] =	vst @p4 v4  }
0x2fd: {  	[tilespmem:s1+$0x15130] =	vst v5  }
0x2fe: {  	[tilespmem:s1+$0x15120] =	vst v1  }
0x2ff: {  	[tilespmem:s1+$0x15110] =	vst v2  }
0x300: {  	[tilespmem:s1+$0x15100] =	vst v3  }
.LBB2_78:
0x301: {  	(v2sf) =	vpush v0, $0xA;
	_ =	sdelay $0xe  }
0x302: {  	s1 =	spop (v2sf)  }
0x303: {  	p4 =	seq.s32 @!p0 s1, $0x0  }
0x304: {  	p4 =	por p0, !p4  }
.Ltmp52:
0x305: {  	_ = 	snop;
	(pc) =	sbr.rel @!p4 .LBB2_84-.Ltmp52, $1  }
0x306: {  	_ =	sdelay $0x3  }
0x307: {  	s1 =	simm.s32 $0xFFFFFFFC  }
0x308: {  	s1 =	simm.s32 @p0 $0xFFFFFFFC  }
0x309: {  	s14 =	sadd.s32 $0x4, s1  }
0x30a: {  	p5 =	slt.u32 s14, $0x7C  }
.Ltmp53:
0x30b: {  	_ = 	snop;
	(pc) =	sbr.rel @!p5 .LBB2_80-.Ltmp53, $4  }
0x30c: {  	s4 =	simm.s32 $0x1  }
0x30d: {  	s23 =	simm.s32 $0x0;
	s4 =	simm.s32 @!p1 $0x0  }
0x30e: {  	s23 =	simm.s32 @p0 $0x0;
	s31 =	sshll.u32 s4, $0x6  }
0x30f: {  	p4 =	por $0x0, $0x0;
	s19 =	sadd.s32 s31, s23  }
0x310: {  	s22 =	sadd.s32 $0x4, s14  }
0x311: {  	p6 =	slt.u32 s22, $0x7C  }
.Ltmp54:
0x312: {  	s12 =	sor.u32 $0x100, s19;
	(pc) =	sbr.rel @!p6 .LBB2_83-.Ltmp54, $4  }
0x313: {  	s16 =	sor.u32 $0x120, s19;
	p5 =	por !p1, !p1;
	s1 =	simm.s32 $0x1;
	v1 =	vld [tilespmem:s12+$0xD080]  }
0x314: {  	s4 =	sor.u32 $0x110, s19;
	v2 =	vld [tilespmem:s16+$0xD080];
	s1 =	simm.s32 @!p5 $0x0  }
0x315: {  	s14 =	sor.u32 $0x130, s19;
	s23 =	sadd.s32 $0x100, s23;
	v3 =	vld [tilespmem:s4+$0xD080];
	s1 =	sshll.u32 s1, $0x6  }
0x316: {  	p4 =	por $0x1, $0x1;
	v4 =	vld [tilespmem:s14+$0xD080];
	s19 =	sadd.s32 s1, s23  }
.LBB2_82:
0x317: {  	s1 =	sor.u32 $0x110, s19;
	s22 =	sadd.s32 $0x4, s22  }
0x318: {  	s10 =	sor.u32 $0x120, s19;
	[tilespmem:s12+$0x15080] =	vst v1;
	s12 =	sor.u32 $0x100, s19;
	p6 =	slt.u32 s22, $0x7C  }
.Ltmp55:
0x319: {  	s18 =	sor.u32 $0x130, s19;
	v1 =	vld [tilespmem:s12+$0xD080];
	[tilespmem:s16+$0x15080] =	vst v2;
	(pc) =	sbr.rel @p6 .LBB2_82-.Ltmp55, $4  }
0x31a: {  	p5 =	por !p5, !p5;
	v2 =	vld [tilespmem:s10+$0xD080];
	[tilespmem:s4+$0x15080] =	vst v3;
	s4 =	smov.u32 s1;
	s1 =	simm.s32 $0x1  }
0x31b: {  	s16 =	smov.u32 s10;
	s1 =	simm.s32 @!p5 $0x0;
	v3 =	vld [tilespmem:s4+$0xD080];
	[tilespmem:s14+$0x15080] =	vst v4;
	s14 =	smov.u32 s18  }
0x31c: {  	s23 =	sadd.s32 $0x100, s23;
	s1 =	sshll.u32 s1, $0x6;
	v4 =	vld [tilespmem:s14+$0xD080]  }
0x31d: {  	s19 =	sadd.s32 s1, s23  }
.LBB2_83:
0x31e: {  	s1 =	sor.u32 $0x100, s19  }
0x31f: {  	s10 =	sor.u32 $0x120, s19;
	v5 =	vld [tilespmem:s1+$0xD080]  }
0x320: {  	s18 =	sor.u32 $0x110, s19;
	[tilespmem:s12+$0x15080] =	vst @p4 v1;
	v1 =	vld [tilespmem:s10+$0xD080]  }
0x321: {  	s31 =	sor.u32 $0x130, s19;
	[tilespmem:s16+$0x15080] =	vst @p4 v2;
	v2 =	vld [tilespmem:s18+$0xD080]  }
0x322: {  	[tilespmem:s4+$0x15080] =	vst @p4 v3;
	v3 =	vld [tilespmem:s31+$0xD080]  }
0x323: {  	[tilespmem:s14+$0x15080] =	vst @p4 v4  }
0x324: {  	[tilespmem:s1+$0x15080] =	vst v5  }
0x325: {  	[tilespmem:s10+$0x15080] =	vst v1  }
0x326: {  	[tilespmem:s18+$0x15080] =	vst v2  }
0x327: {  	[tilespmem:s31+$0x15080] =	vst v3  }
.LBB2_84:
0x328: {  	(v2sf) =	vpush v0, $0xB;
	_ =	sdelay $0xe  }
0x329: {  	s1 =	spop (v2sf)  }
0x32a: {  	p4 =	seq.s32 @!p0 s1, $0x0  }
0x32b: {  	p4 =	por p0, !p4  }
.Ltmp56:
0x32c: {  	_ = 	snop;
	(pc) =	sbr.rel @!p4 .LBB2_90-.Ltmp56, $1  }
0x32d: {  	_ =	sdelay $0x3  }
0x32e: {  	s1 =	simm.s32 $0xFFFFFFFC  }
0x32f: {  	s1 =	simm.s32 @p0 $0xFFFFFFFC  }
0x330: {  	s14 =	sadd.s32 $0x4, s1  }
0x331: {  	p5 =	slt.u32 s14, $0x7C  }
.Ltmp57:
0x332: {  	_ = 	snop;
	(pc) =	sbr.rel @!p5 .LBB2_86-.Ltmp57, $4  }
0x333: {  	s4 =	simm.s32 $0x1  }
0x334: {  	s23 =	simm.s32 $0x0;
	s4 =	simm.s32 @!p1 $0x0  }
0x335: {  	s23 =	simm.s32 @p0 $0x0;
	s31 =	sshll.u32 s4, $0x6  }
0x336: {  	p4 =	por $0x0, $0x0;
	s19 =	sadd.s32 s31, s23  }
0x337: {  	s22 =	sadd.s32 $0x4, s14  }
0x338: {  	p6 =	slt.u32 s22, $0x7C  }
.Ltmp58:
0x339: {  	s12 =	sor.u32 $0x180, s19;
	(pc) =	sbr.rel @!p6 .LBB2_89-.Ltmp58, $4  }
0x33a: {  	s16 =	sor.u32 $0x1A0, s19;
	p5 =	por !p1, !p1;
	s1 =	simm.s32 $0x1;
	v1 =	vld [tilespmem:s12+$0xD080]  }
0x33b: {  	s4 =	sor.u32 $0x190, s19;
	v2 =	vld [tilespmem:s16+$0xD080];
	s1 =	simm.s32 @!p5 $0x0  }
0x33c: {  	s14 =	sor.u32 $0x1B0, s19;
	s23 =	sadd.s32 $0x100, s23;
	v3 =	vld [tilespmem:s4+$0xD080];
	s1 =	sshll.u32 s1, $0x6  }
0x33d: {  	p4 =	por $0x1, $0x1;
	v4 =	vld [tilespmem:s14+$0xD080];
	s19 =	sadd.s32 s1, s23  }
.LBB2_88:
0x33e: {  	s1 =	sor.u32 $0x190, s19;
	s22 =	sadd.s32 $0x4, s22  }
0x33f: {  	s10 =	sor.u32 $0x1A0, s19;
	[tilespmem:s12+$0x15080] =	vst v1;
	s12 =	sor.u32 $0x180, s19;
	p6 =	slt.u32 s22, $0x7C  }
.Ltmp59:
0x340: {  	s18 =	sor.u32 $0x1B0, s19;
	v1 =	vld [tilespmem:s12+$0xD080];
	[tilespmem:s16+$0x15080] =	vst v2;
	(pc) =	sbr.rel @p6 .LBB2_88-.Ltmp59, $4  }
0x341: {  	p5 =	por !p5, !p5;
	v2 =	vld [tilespmem:s10+$0xD080];
	[tilespmem:s4+$0x15080] =	vst v3;
	s4 =	smov.u32 s1;
	s1 =	simm.s32 $0x1  }
0x342: {  	s16 =	smov.u32 s10;
	s1 =	simm.s32 @!p5 $0x0;
	v3 =	vld [tilespmem:s4+$0xD080];
	[tilespmem:s14+$0x15080] =	vst v4;
	s14 =	smov.u32 s18  }
0x343: {  	s23 =	sadd.s32 $0x100, s23;
	s1 =	sshll.u32 s1, $0x6;
	v4 =	vld [tilespmem:s14+$0xD080]  }
0x344: {  	s19 =	sadd.s32 s1, s23  }
.LBB2_89:
0x345: {  	s1 =	sor.u32 $0x180, s19  }
0x346: {  	s10 =	sor.u32 $0x1A0, s19;
	v5 =	vld [tilespmem:s1+$0xD080]  }
0x347: {  	s18 =	sor.u32 $0x190, s19;
	[tilespmem:s12+$0x15080] =	vst @p4 v1;
	v1 =	vld [tilespmem:s10+$0xD080]  }
0x348: {  	s31 =	sor.u32 $0x1B0, s19;
	[tilespmem:s16+$0x15080] =	vst @p4 v2;
	v2 =	vld [tilespmem:s18+$0xD080]  }
0x349: {  	[tilespmem:s4+$0x15080] =	vst @p4 v3;
	v3 =	vld [tilespmem:s31+$0xD080]  }
0x34a: {  	[tilespmem:s14+$0x15080] =	vst @p4 v4  }
0x34b: {  	[tilespmem:s1+$0x15080] =	vst v5  }
0x34c: {  	[tilespmem:s10+$0x15080] =	vst v1  }
0x34d: {  	[tilespmem:s18+$0x15080] =	vst v2  }
0x34e: {  	[tilespmem:s31+$0x15080] =	vst v3  }
.LBB2_90:
.Ltmp60:
0x34f: {  	(pc) =	sbr.rel @p3 .LBB2_92-.Ltmp60, $3  }
0x350: {  	_ =	sdelay $0x1  }
0x351: {  	s1 =	sadd.s32 s11, s15;
	s4 =	simm.s32 $0x15080  }
0x352: {  	[hbm4b:s1+s20] =	stream.strided.scatter [tilespmem:s4], [sflag:$0x7], $0x2000, s21, s20, $0x38;
	[tilespmem:$0x19080] =	vst v63  }
.Ltmp61:
0x353: {  	(pc) =	sbr.rel .LBB2_93-.Ltmp61, $4  }
0x354: {  	_ = 	snop  }
0x355: {  	_ =	swait.ge [sflag:s7], $0x2000  }
0x356: {  	[sflag:s7] =	ssyncset.done $0x0  }
0x357: {  	[sflag:s7] =	ssyncadd.s32 $0xFFFFE000  }
.LBB2_92:
0x358: {  	s1 =	rddreg [dreg:$0xd]  }
.Ltmp62:
0x359: {  	s4 =	simm.s32 $0xD080;
	s1 =	sadd.s32 s11, s1;
	(pc) =	sbr.rel @p2 .LBB2_94-.Ltmp62, $4  }
0x35a: {  	[tilespmem:s4], [sflag:$0x3] =	stream.strided.gather [hbm4b:s1+s20], $0x2000, s21, s20, $0x38;
	[tilespmem:$0x19080] =	vst v63  }
0x35b: {  	_ =	swait.ge [sflag:s7], $0x2000  }
0x35c: {  	[sflag:s7] =	ssyncset.done $0x0  }
0x35d: {  	[sflag:s7] =	ssyncadd.s32 $0xFFFFE000  }
.LBB2_93:
0x35e: {  	_ =	swait.ge [sflag:s9], $0x2000  }
0x35f: {  	[sflag:s9] =	ssyncset.done $0x0  }
0x360: {  	[sflag:s9] =	ssyncadd.s32 $0xFFFFE000  }
.LBB2_94:
0x361: {  	s1 =	simm.s32 $0x0  }
0x362: {  	s4 =	sand.u32 $0x60, s1  }
0x363: {  	s24 =	simm.s32 $0x0;
	s12 =	sand.u32 $0x780, s1;
	s10 =	sor.u32 $0x10, s4  }
0x364: {  	v9 =	vld [tilespmem:s24+$0x8000];
	s12 =	sor.u32 s12, s10  }
0x365: {  	s14 =	sand.u32 $0x1E00, s1;
	v6 =	vld [tilespmem:s12+$0x8800]  }
0x366: {  	s10 =	sor.u32 s14, s10;
	v4 =	vld [tilespmem:s12+$0x8000]  }
0x367: {  	v1 =	vld [tilespmem:s10+$0xF080]  }
0x368: {  	v2 =	vld [tilespmem:s10+$0xF100]  }
0x369: {  	v3 =	vld [tilespmem:s10+$0xF180]  }
0x36a: {  	v12 =	vld [tilespmem:s24+$0x8800];
	s4 =	sor.u32 s4, s14  }
0x36b: {  	s23 =	simm.s32 $0x20;
	s25 =	simm.s32 $0x80;
	v5 =	vld [tilespmem:s4+$0xF080]  }
0x36c: {  	s16 =	sand.u32 $0x60, s23;
	v7 =	vld [tilespmem:s4+$0xF100];
	s14 =	sand.u32 $0x1E00, s25;
	v1 =	vmul.f32 v1, v4  }
0x36d: {  	s18 =	sor.u32 $0x10, s16;
	v8 =	vld [tilespmem:s4+$0xF180];
	s12 =	sand.u32 $0x780, s23;
	s31 =	sor.u32 s16, s14;
	v2 =	vmul.f32 v2, v4  }
0x36e: {  	s12 =	sor.u32 s12, s18;
	v13 =	vld [tilespmem:s31+$0xF080];
	v3 =	vmul.f32 v3, v4;
	v1 =	vadd.f32 v1, v6  }
0x36f: {  	v14 =	vld [tilespmem:s12+$0x8000];
	v2 =	vadd.f32 v2, v6  }
0x370: {  	v3 =	vadd.f32 v3, v6;
	[tilespmem:s10+$0x17080] =	vst v1;
	v1 =	vld [tilespmem:s12+$0x8800];
	s12 =	sor.u32 s14, s18  }
0x371: {  	s1 =	sand.u32 $0x3, s1;
	v7 =	vmul.f32 v7, v9;
	[tilespmem:s10+$0x17100] =	vst v2;
	v2 =	vld [tilespmem:s12+$0xF080]  }
0x372: {  	s1 =	sshll.u32 s1, $0x5;
	[tilespmem:s10+$0x17180] =	vst v3;
	v3 =	vmul.f32 v5, v9;
	v5 =	vld [tilespmem:s12+$0xF100]  }
0x373: {  	s1 =	sadd.s32 $0x0, s1;
	v8 =	vmul.f32 v8, v9;
	v7 =	vadd.f32 v7, v12;
	v11 =	vld [tilespmem:s12+$0xF180]  }
0x374: {  	s19 =	simm.s32 $0x1;
	s26 =	sadd.s32 $0x10, s1;
	v15 =	vld [tilespmem:s31+$0xF100];
	v3 =	vadd.f32 v3, v12  }
0x375: {  	s24 =	sand.u32 $0x3, s19;
	v16 =	vld [tilespmem:s31+$0xF180];
	v8 =	vadd.f32 v8, v12;
	[tilespmem:s4+$0x17100] =	vst v7;
	s10 =	sor.u32 $0x180, s26  }
0x376: {  	s29 =	simm.s32 $0x20;
	s16 =	sshll.u32 s24, $0x5;
	s18 =	simm.s32 $0x40;
	v10 =	vld [tilespmem:s10+$0xF080];
	[tilespmem:s4+$0x17080] =	vst v3;
	v3 =	vmul.f32 v2, v14  }
0x377: {  	[tilespmem:s4+$0x17180] =	vst v8;
	s26 =	sor.u32 $0x180, s1;
	s1 =	sand.u32 $0x60, s18;
	s4 =	simm.s32 $0x100;
	v2 =	vld [tilespmem:s29+$0x8000];
	v5 =	vmul.f32 v5, v14  }
0x378: {  	s23 =	sand.u32 $0x780, s18;
	s22 =	sor.u32 $0x10, s1;
	v17 =	vld [tilespmem:s26+$0xF080];
	s24 =	sand.u32 $0x1E00, s4;
	v8 =	vmul.f32 v11, v14;
	v7 =	vadd.f32 v3, v1  }
0x379: {  	s25 =	sor.u32 s23, s22;
	s23 =	sor.u32 s24, s22;
	v3 =	vld [tilespmem:s29+$0x8800];
	v11 =	vadd.f32 v5, v1  }
0x37a: {  	s16 =	sadd.s32 $0x80, s16;
	v18 =	vld [tilespmem:s23+$0xF080];
	[tilespmem:s12+$0x17080] =	vst v7;
	v7 =	vadd.f32 v8, v1  }
0x37b: {  	v5 =	vld [tilespmem:s25+$0x8800];
	s29 =	sadd.s32 $0x10, s16;
	v8 =	vmul.f32 v10, v4;
	[tilespmem:s12+$0x17100] =	vst v11  }
0x37c: {  	s22 =	sor.u32 $0x180, s29;
	v4 =	vld [tilespmem:s25+$0x8000];
	v10 =	vmul.f32 v13, v2;
	[tilespmem:s12+$0x17180] =	vst v7  }
0x37d: {  	v6 =	vadd.f32 v8, v6;
	v7 =	vmul.f32 v15, v2;
	v15 =	vld [tilespmem:s22+$0xF080]  }
0x37e: {  	v11 =	vld [tilespmem:s23+$0xF100];
	v8 =	vmul.f32 v16, v2;
	v13 =	vadd.f32 v10, v3  }
0x37f: {  	s24 =	sor.u32 s1, s24;
	v9 =	vmul.f32 v17, v9;
	v10 =	vld [tilespmem:s23+$0xF180];
	[tilespmem:s10+$0x17080] =	vst v6;
	v62 =	vadd.f32 v7, v3  }
0x380: {  	v63 =	vadd.f32 v8, v3;
	v6 =	vld [tilespmem:s24+$0xF080];
	[tilespmem:s31+$0x17080] =	vst v13  }
0x381: {  	s14 =	simm.s32 $0x4;
	s25 =	simm.s32 $0x40;
	v9 =	vadd.f32 v9, v12;
	v7 =	vld [tilespmem:s24+$0xF100];
	v13 =	vmul.f32 v18, v4;
	[tilespmem:s31+$0x17100] =	vst v62  }
0x382: {  	s12 =	sor.u32 $0x180, s16;
	s16 =	simm.s32 $0x60;
	v8 =	vld [tilespmem:s24+$0xF180];
	[tilespmem:s31+$0x17180] =	vst v63;
	s31 =	simm.s32 $0x100;
	v12 =	vmul.f32 v15, v14  }
.LBB2_95:
0x383: {  	s1 =	sand.u32 $0x60, s16;
	v14 =	vld [tilespmem:s25+$0x8000];
	v13 =	vadd.f32 v13, v5;
	v11 =	vmul.f32 v11, v4;
	s19 =	sadd.s32 $0x1, s19;
	[tilespmem:s26+$0x17080] =	vst v9;
	s26 =	smov.u32 s12  }
0x384: {  	s12 =	sand.u32 $0x780, s16;
	s10 =	sor.u32 $0x10, s1;
	s18 =	sand.u32 $0x3, s19;
	v15 =	vld [tilespmem:s25+$0x8800];
	v9 =	vmul.f32 v10, v4;
	v10 =	vadd.f32 v12, v1;
	v1 =	vmov v5  }
0x385: {  	s4 =	sadd.s32 $0x80, s4;
	s12 =	sor.u32 s12, s10;
	s18 =	sshll.u32 s18, $0x5;
	[tilespmem:s23+$0x17080] =	vst v13;
	v11 =	vadd.f32 v11, v1;
	v12 =	vld [tilespmem:s26+$0xF080]  }
0x386: {  	s25 =	sshra.s32 s4, $0x2;
	s29 =	sand.u32 $0x1E00, s4;
	v5 =	vld [tilespmem:s12+$0x8800];
	s18 =	sadd.s32 s18, s31;
	v9 =	vadd.f32 v9, v1;
	[tilespmem:s22+$0x17080] =	vst v10  }
0x387: {  	s1 =	sor.u32 s1, s29;
	s10 =	sor.u32 s29, s10;
	v16 =	vld [tilespmem:s12+$0x8000];
	[tilespmem:s23+$0x17100] =	vst v11;
	s22 =	sadd.s32 $0x10, s18  }
0x388: {  	s14 =	sadd.s32 $0x2, s14;
	s12 =	sor.u32 $0x180, s18;
	v13 =	vld [tilespmem:s10+$0xF080];
	v6 =	vmul.f32 v6, v14;
	v7 =	vmul.f32 v7, v14;
	[tilespmem:s23+$0x17180] =	vst v9;
	s22 =	sor.u32 $0x180, s22  }
0x389: {  	p2 =	slt.u32 s14, $0x7E;
	s31 =	smov.u32 s4;
	v8 =	vmul.f32 v8, v14;
	s23 =	smov.u32 s10;
	v17 =	vld [tilespmem:s22+$0xF080]  }
.Ltmp63:
0x38a: {  	v11 =	vld [tilespmem:s23+$0xF100];
	v9 =	vadd.f32 v6, v15;
	v18 =	vadd.f32 v7, v15;
	v7 =	vmul.f32 v12, v2;
	v2 =	vmovc v14;
	(pc) =	sbr.rel @p2 .LBB2_95-.Ltmp63, $4  }
0x38b: {  	v12 =	vadd.f32 v8, v15;
	v10 =	vld [tilespmem:s23+$0xF180]  }
0x38c: {  	v6 =	vld [tilespmem:s1+$0xF080];
	[tilespmem:s24+$0x17080] =	vst v9;
	v9 =	vadd.f32 v7, v3;
	v3 =	vmov v15  }
0x38d: {  	v7 =	vld [tilespmem:s1+$0xF100];
	v13 =	vmul.f32 v13, v16;
	[tilespmem:s24+$0x17100] =	vst v18  }
0x38e: {  	s16 =	sadd.s32 $0x20, s16;
	v8 =	vld [tilespmem:s1+$0xF180];
	[tilespmem:s24+$0x17180] =	vst v12;
	v12 =	vmul.f32 v17, v4;
	v4 =	vmov v16;
	s24 =	smov.u32 s1  }
0x38f: {  	(v2sf) =	vpush v0, $0xC  }
0x390: {  	v14 =	vld [tilespmem:s25+$0x8000];
	_ =	sdelay $0x1  }
0x391: {  	v15 =	vld [tilespmem:s25+$0x8800]  }
0x392: {  	v11 =	vmul.f32 v11, v4  }
0x393: {  	v13 =	vadd.f32 v13, v5;
	v10 =	vmul.f32 v10, v4  }
0x394: {  	s1 =	sadd.s32 $0x1, s19;
	v11 =	vadd.f32 v11, v5;
	v6 =	vmul.f32 v6, v14  }
0x395: {  	s1 =	sand.u32 $0x3, s1;
	[tilespmem:s23+$0x17080] =	vst v13;
	v10 =	vadd.f32 v10, v5;
	v7 =	vmul.f32 v7, v14  }
0x396: {  	s1 =	sshll.u32 s1, $0x5;
	[tilespmem:s23+$0x17100] =	vst v11;
	v8 =	vmul.f32 v8, v14;
	v6 =	vadd.f32 v6, v15  }
0x397: {  	s1 =	sadd.s32 s1, s31;
	[tilespmem:s23+$0x17180] =	vst v10;
	v7 =	vadd.f32 v7, v15  }
0x398: {  	s4 =	sadd.s32 $0x10, s1;
	v8 =	vadd.f32 v8, v15;
	[tilespmem:s24+$0x17080] =	vst v6  }
0x399: {  	v61 =	vld [tilespmem:s12+$0xF080];
	s4 =	sor.u32 $0x180, s4;
	[tilespmem:s24+$0x17100] =	vst v7  }
0x39a: {  	s1 =	sor.u32 $0x180, s1;
	v62 =	vld [tilespmem:s4+$0xF080];
	[tilespmem:s24+$0x17180] =	vst v8  }
0x39b: {  	v8 =	vld [tilespmem:s1+$0xF080];
	_ =	sdelay $0x1  }
0x39c: {  	s10 =	spop (v2sf)  }
0x39d: {  	v2 =	vmul.f32 v61, v2;
	p2 =	seq.s32 @!p0 s10, $0x0  }
0x39e: {  	v1 =	vadd.f32 v12, v1;
	v63 =	vmul.f32 v62, v4;
	p2 =	por p0, !p2  }
.Ltmp64:
0x39f: {  	[tilespmem:s26+$0x17080] =	vst v9;
	v2 =	vadd.f32 v2, v3;
	v3 =	vmul.f32 v8, v14;
	(pc) =	sbr.rel @!p2 .LBB2_102-.Ltmp64, $4  }
0x3a0: {  	[tilespmem:s22+$0x17080] =	vst v1;
	v1 =	vadd.f32 v63, v5  }
0x3a1: {  	[tilespmem:s12+$0x17080] =	vst v2;
	v2 =	vadd.f32 v3, v15  }
0x3a2: {  	[tilespmem:s4+$0x17080] =	vst v1  }
0x3a3: {  	[tilespmem:s1+$0x17080] =	vst v2  }
0x3a4: {  	s1 =	simm.s32 $0xFFFFFFFC  }
0x3a5: {  	s1 =	simm.s32 @p0 $0xFFFFFFFC  }
0x3a6: {  	s12 =	sadd.s32 $0x4, s1  }
0x3a7: {  	p3 =	slt.u32 s12, $0x7C  }
.Ltmp65:
0x3a8: {  	_ = 	snop;
	(pc) =	sbr.rel @!p3 .LBB2_98-.Ltmp65, $4  }
0x3a9: {  	_ = 	snop  }
0x3aa: {  	s16 =	simm.s32 $0x0  }
0x3ab: {  	s16 =	simm.s32 @p0 $0x0  }
0x3ac: {  	p2 =	por $0x0, $0x0;
	s19 =	sand.u32 $0x40, s16;
	s22 =	sand.u32 $0x1E00, s16  }
0x3ad: {  	s12 =	sadd.s32 $0x4, s12  }
0x3ae: {  	p3 =	slt.u32 s12, $0x7C  }
.Ltmp66:
0x3af: {  	s4 =	sor.u32 s19, s22;
	(pc) =	sbr.rel @!p3 .LBB2_101-.Ltmp66, $4  }
0x3b0: {  	v1 =	vld [tilespmem:s4+$0xF0B0]  }
0x3b1: {  	v2 =	vld [tilespmem:s4+$0xF0A0]  }
0x3b2: {  	s14 =	sadd.s32 $0x100, s16;
	s16 =	sadd.s32 $0x40, s16;
	v3 =	vld [tilespmem:s4+$0xF090]  }
0x3b3: {  	p2 =	por $0x1, $0x1;
	v4 =	vld [tilespmem:s4+$0xF080];
	s19 =	sand.u32 $0x40, s16;
	s22 =	sand.u32 $0x1E00, s14  }
.LBB2_100:
0x3b4: {  	s12 =	sadd.s32 $0x4, s12  }
0x3b5: {  	s1 =	sor.u32 s19, s22;
	[tilespmem:s4+$0x170B0] =	vst v1;
	p3 =	slt.u32 s12, $0x7C  }
.Ltmp67:
0x3b6: {  	v1 =	vld [tilespmem:s1+$0xF0B0];
	[tilespmem:s4+$0x170A0] =	vst v2;
	(pc) =	sbr.rel @p3 .LBB2_100-.Ltmp67, $4  }
0x3b7: {  	v2 =	vld [tilespmem:s1+$0xF0A0];
	[tilespmem:s4+$0x17090] =	vst v3  }
0x3b8: {  	v3 =	vld [tilespmem:s1+$0xF090];
	[tilespmem:s4+$0x17080] =	vst v4;
	s4 =	smov.u32 s1  }
0x3b9: {  	s14 =	sadd.s32 $0x100, s14;
	s16 =	sadd.s32 $0x40, s16;
	v4 =	vld [tilespmem:s4+$0xF080]  }
0x3ba: {  	s19 =	sand.u32 $0x40, s16;
	s22 =	sand.u32 $0x1E00, s14  }
.LBB2_101:
0x3bb: {  	s1 =	sor.u32 s19, s22  }
0x3bc: {  	v5 =	vld [tilespmem:s1+$0xF0B0]  }
0x3bd: {  	[tilespmem:s4+$0x170B0] =	vst @p2 v1;
	v1 =	vld [tilespmem:s1+$0xF0A0]  }
0x3be: {  	[tilespmem:s4+$0x170A0] =	vst @p2 v2;
	v2 =	vld [tilespmem:s1+$0xF090]  }
0x3bf: {  	[tilespmem:s4+$0x17090] =	vst @p2 v3;
	v3 =	vld [tilespmem:s1+$0xF080]  }
0x3c0: {  	[tilespmem:s4+$0x17080] =	vst @p2 v4  }
0x3c1: {  	[tilespmem:s1+$0x170B0] =	vst v5  }
0x3c2: {  	[tilespmem:s1+$0x170A0] =	vst v1  }
0x3c3: {  	[tilespmem:s1+$0x17090] =	vst v2  }
0x3c4: {  	[tilespmem:s1+$0x17080] =	vst v3  }
.LBB2_102:
0x3c5: {  	(v2sf) =	vpush v0, $0xD;
	_ =	sdelay $0xe  }
0x3c6: {  	s1 =	spop (v2sf)  }
0x3c7: {  	p2 =	seq.s32 @!p0 s1, $0x0  }
0x3c8: {  	p2 =	por p0, !p2  }
.Ltmp68:
0x3c9: {  	_ = 	snop;
	(pc) =	sbr.rel @!p2 .LBB2_108-.Ltmp68, $1  }
0x3ca: {  	_ =	sdelay $0x3  }
0x3cb: {  	s1 =	simm.s32 $0xFFFFFFFC  }
0x3cc: {  	s1 =	simm.s32 @p0 $0xFFFFFFFC  }
0x3cd: {  	s12 =	sadd.s32 $0x4, s1  }
0x3ce: {  	p3 =	slt.u32 s12, $0x7C  }
.Ltmp69:
0x3cf: {  	_ = 	snop;
	(pc) =	sbr.rel @!p3 .LBB2_104-.Ltmp69, $4  }
0x3d0: {  	_ = 	snop  }
0x3d1: {  	s16 =	simm.s32 $0x0  }
0x3d2: {  	s16 =	simm.s32 @p0 $0x0  }
0x3d3: {  	p2 =	por $0x0, $0x0;
	s19 =	sand.u32 $0x40, s16;
	s22 =	sand.u32 $0x1E00, s16  }
0x3d4: {  	s12 =	sadd.s32 $0x4, s12  }
0x3d5: {  	p3 =	slt.u32 s12, $0x7C  }
.Ltmp70:
0x3d6: {  	s4 =	sor.u32 s19, s22;
	(pc) =	sbr.rel @!p3 .LBB2_107-.Ltmp70, $4  }
0x3d7: {  	v1 =	vld [tilespmem:s4+$0xF130]  }
0x3d8: {  	v2 =	vld [tilespmem:s4+$0xF120]  }
0x3d9: {  	s14 =	sadd.s32 $0x100, s16;
	s16 =	sadd.s32 $0x40, s16;
	v3 =	vld [tilespmem:s4+$0xF110]  }
0x3da: {  	p2 =	por $0x1, $0x1;
	v4 =	vld [tilespmem:s4+$0xF100];
	s19 =	sand.u32 $0x40, s16;
	s22 =	sand.u32 $0x1E00, s14  }
.LBB2_106:
0x3db: {  	s12 =	sadd.s32 $0x4, s12  }
0x3dc: {  	s1 =	sor.u32 s19, s22;
	[tilespmem:s4+$0x17130] =	vst v1;
	p3 =	slt.u32 s12, $0x7C  }
.Ltmp71:
0x3dd: {  	v1 =	vld [tilespmem:s1+$0xF130];
	[tilespmem:s4+$0x17120] =	vst v2;
	(pc) =	sbr.rel @p3 .LBB2_106-.Ltmp71, $4  }
0x3de: {  	v2 =	vld [tilespmem:s1+$0xF120];
	[tilespmem:s4+$0x17110] =	vst v3  }
0x3df: {  	v3 =	vld [tilespmem:s1+$0xF110];
	[tilespmem:s4+$0x17100] =	vst v4;
	s4 =	smov.u32 s1  }
0x3e0: {  	s14 =	sadd.s32 $0x100, s14;
	s16 =	sadd.s32 $0x40, s16;
	v4 =	vld [tilespmem:s4+$0xF100]  }
0x3e1: {  	s19 =	sand.u32 $0x40, s16;
	s22 =	sand.u32 $0x1E00, s14  }
.LBB2_107:
0x3e2: {  	s1 =	sor.u32 s19, s22  }
0x3e3: {  	v5 =	vld [tilespmem:s1+$0xF130]  }
0x3e4: {  	[tilespmem:s4+$0x17130] =	vst @p2 v1;
	v1 =	vld [tilespmem:s1+$0xF120]  }
0x3e5: {  	[tilespmem:s4+$0x17120] =	vst @p2 v2;
	v2 =	vld [tilespmem:s1+$0xF110]  }
0x3e6: {  	[tilespmem:s4+$0x17110] =	vst @p2 v3;
	v3 =	vld [tilespmem:s1+$0xF100]  }
0x3e7: {  	[tilespmem:s4+$0x17100] =	vst @p2 v4  }
0x3e8: {  	[tilespmem:s1+$0x17130] =	vst v5  }
0x3e9: {  	[tilespmem:s1+$0x17120] =	vst v1  }
0x3ea: {  	[tilespmem:s1+$0x17110] =	vst v2  }
0x3eb: {  	[tilespmem:s1+$0x17100] =	vst v3  }
.LBB2_108:
0x3ec: {  	(v2sf) =	vpush v0, $0xE;
	_ =	sdelay $0xe  }
0x3ed: {  	s1 =	spop (v2sf)  }
0x3ee: {  	p2 =	seq.s32 @!p0 s1, $0x0  }
0x3ef: {  	p2 =	por p0, !p2  }
.Ltmp72:
0x3f0: {  	_ = 	snop;
	(pc) =	sbr.rel @!p2 .LBB2_114-.Ltmp72, $1  }
0x3f1: {  	_ =	sdelay $0x3  }
0x3f2: {  	s1 =	simm.s32 $0xFFFFFFFC  }
0x3f3: {  	s1 =	simm.s32 @p0 $0xFFFFFFFC  }
0x3f4: {  	s14 =	sadd.s32 $0x4, s1  }
0x3f5: {  	p3 =	slt.u32 s14, $0x7C  }
.Ltmp73:
0x3f6: {  	_ = 	snop;
	(pc) =	sbr.rel @!p3 .LBB2_110-.Ltmp73, $4  }
0x3f7: {  	s4 =	simm.s32 $0x1  }
0x3f8: {  	s23 =	simm.s32 $0x0;
	s4 =	simm.s32 @!p1 $0x0  }
0x3f9: {  	s23 =	simm.s32 @p0 $0x0;
	s31 =	sshll.u32 s4, $0x6  }
0x3fa: {  	p2 =	por $0x0, $0x0;
	s19 =	sadd.s32 s31, s23  }
0x3fb: {  	s22 =	sadd.s32 $0x4, s14  }
0x3fc: {  	p4 =	slt.u32 s22, $0x7C  }
.Ltmp74:
0x3fd: {  	s12 =	sor.u32 $0x100, s19;
	(pc) =	sbr.rel @!p4 .LBB2_113-.Ltmp74, $4  }
0x3fe: {  	s16 =	sor.u32 $0x120, s19;
	p3 =	por !p1, !p1;
	s1 =	simm.s32 $0x1;
	v1 =	vld [tilespmem:s12+$0xF080]  }
0x3ff: {  	s4 =	sor.u32 $0x110, s19;
	v2 =	vld [tilespmem:s16+$0xF080];
	s1 =	simm.s32 @!p3 $0x0  }
0x400: {  	s14 =	sor.u32 $0x130, s19;
	s23 =	sadd.s32 $0x100, s23;
	v3 =	vld [tilespmem:s4+$0xF080];
	s1 =	sshll.u32 s1, $0x6  }
0x401: {  	p2 =	por $0x1, $0x1;
	v4 =	vld [tilespmem:s14+$0xF080];
	s19 =	sadd.s32 s1, s23  }
.LBB2_112:
0x402: {  	s1 =	sor.u32 $0x110, s19;
	s22 =	sadd.s32 $0x4, s22  }
0x403: {  	s10 =	sor.u32 $0x120, s19;
	[tilespmem:s12+$0x17080] =	vst v1;
	s12 =	sor.u32 $0x100, s19;
	p4 =	slt.u32 s22, $0x7C  }
.Ltmp75:
0x404: {  	s18 =	sor.u32 $0x130, s19;
	v1 =	vld [tilespmem:s12+$0xF080];
	[tilespmem:s16+$0x17080] =	vst v2;
	(pc) =	sbr.rel @p4 .LBB2_112-.Ltmp75, $4  }
0x405: {  	p3 =	por !p3, !p3;
	v2 =	vld [tilespmem:s10+$0xF080];
	[tilespmem:s4+$0x17080] =	vst v3;
	s4 =	smov.u32 s1;
	s1 =	simm.s32 $0x1  }
0x406: {  	s16 =	smov.u32 s10;
	s1 =	simm.s32 @!p3 $0x0;
	v3 =	vld [tilespmem:s4+$0xF080];
	[tilespmem:s14+$0x17080] =	vst v4;
	s14 =	smov.u32 s18  }
0x407: {  	s23 =	sadd.s32 $0x100, s23;
	s1 =	sshll.u32 s1, $0x6;
	v4 =	vld [tilespmem:s14+$0xF080]  }
0x408: {  	s19 =	sadd.s32 s1, s23  }
.LBB2_113:
0x409: {  	s1 =	sor.u32 $0x100, s19  }
0x40a: {  	s10 =	sor.u32 $0x120, s19;
	v5 =	vld [tilespmem:s1+$0xF080]  }
0x40b: {  	s18 =	sor.u32 $0x110, s19;
	[tilespmem:s12+$0x17080] =	vst @p2 v1;
	v1 =	vld [tilespmem:s10+$0xF080]  }
0x40c: {  	s31 =	sor.u32 $0x130, s19;
	[tilespmem:s16+$0x17080] =	vst @p2 v2;
	v2 =	vld [tilespmem:s18+$0xF080]  }
0x40d: {  	[tilespmem:s4+$0x17080] =	vst @p2 v3;
	v3 =	vld [tilespmem:s31+$0xF080]  }
0x40e: {  	[tilespmem:s14+$0x17080] =	vst @p2 v4  }
0x40f: {  	[tilespmem:s1+$0x17080] =	vst v5  }
0x410: {  	[tilespmem:s10+$0x17080] =	vst v1  }
0x411: {  	[tilespmem:s18+$0x17080] =	vst v2  }
0x412: {  	[tilespmem:s31+$0x17080] =	vst v3  }
.LBB2_114:
0x413: {  	(v2sf) =	vpush v0, $0xF;
	_ =	sdelay $0xe  }
0x414: {  	s1 =	spop (v2sf)  }
0x415: {  	p2 =	seq.s32 @!p0 s1, $0x0  }
0x416: {  	p2 =	por p0, !p2  }
.Ltmp76:
0x417: {  	_ = 	snop;
	(pc) =	sbr.rel @!p2 .LBB2_120-.Ltmp76, $1  }
0x418: {  	_ =	sdelay $0x3  }
0x419: {  	s1 =	simm.s32 $0xFFFFFFFC  }
0x41a: {  	s1 =	simm.s32 @p0 $0xFFFFFFFC  }
0x41b: {  	s14 =	sadd.s32 $0x4, s1  }
0x41c: {  	p3 =	slt.u32 s14, $0x7C  }
.Ltmp77:
0x41d: {  	_ = 	snop;
	(pc) =	sbr.rel @!p3 .LBB2_116-.Ltmp77, $4  }
0x41e: {  	s4 =	simm.s32 $0x1  }
0x41f: {  	s23 =	simm.s32 $0x0;
	s4 =	simm.s32 @!p1 $0x0  }
0x420: {  	s23 =	simm.s32 @p0 $0x0;
	s31 =	sshll.u32 s4, $0x6  }
0x421: {  	p2 =	por $0x0, $0x0;
	s19 =	sadd.s32 s31, s23  }
0x422: {  	s22 =	sadd.s32 $0x4, s14  }
0x423: {  	p4 =	slt.u32 s22, $0x7C  }
.Ltmp78:
0x424: {  	s12 =	sor.u32 $0x180, s19;
	(pc) =	sbr.rel @!p4 .LBB2_119-.Ltmp78, $4  }
0x425: {  	s16 =	sor.u32 $0x1A0, s19;
	p3 =	por !p1, !p1;
	s1 =	simm.s32 $0x1;
	v0 =	vld [tilespmem:s12+$0xF080]  }
0x426: {  	s4 =	sor.u32 $0x190, s19;
	v1 =	vld [tilespmem:s16+$0xF080];
	s1 =	simm.s32 @!p3 $0x0  }
0x427: {  	s14 =	sor.u32 $0x1B0, s19;
	s23 =	sadd.s32 $0x100, s23;
	v2 =	vld [tilespmem:s4+$0xF080];
	s1 =	sshll.u32 s1, $0x6  }
0x428: {  	p2 =	por $0x1, $0x1;
	v3 =	vld [tilespmem:s14+$0xF080];
	s19 =	sadd.s32 s1, s23  }
.LBB2_118:
0x429: {  	s1 =	sor.u32 $0x190, s19;
	s22 =	sadd.s32 $0x4, s22  }
0x42a: {  	s10 =	sor.u32 $0x1A0, s19;
	[tilespmem:s12+$0x17080] =	vst v0;
	s12 =	sor.u32 $0x180, s19;
	p4 =	slt.u32 s22, $0x7C  }
.Ltmp79:
0x42b: {  	s18 =	sor.u32 $0x1B0, s19;
	v0 =	vld [tilespmem:s12+$0xF080];
	[tilespmem:s16+$0x17080] =	vst v1;
	(pc) =	sbr.rel @p4 .LBB2_118-.Ltmp79, $4  }
0x42c: {  	p3 =	por !p3, !p3;
	v1 =	vld [tilespmem:s10+$0xF080];
	[tilespmem:s4+$0x17080] =	vst v2;
	s4 =	smov.u32 s1;
	s1 =	simm.s32 $0x1  }
0x42d: {  	s16 =	smov.u32 s10;
	s1 =	simm.s32 @!p3 $0x0;
	v2 =	vld [tilespmem:s4+$0xF080];
	[tilespmem:s14+$0x17080] =	vst v3;
	s14 =	smov.u32 s18  }
0x42e: {  	s23 =	sadd.s32 $0x100, s23;
	s1 =	sshll.u32 s1, $0x6;
	v3 =	vld [tilespmem:s14+$0xF080]  }
0x42f: {  	s19 =	sadd.s32 s1, s23  }
.LBB2_119:
0x430: {  	s1 =	sor.u32 $0x180, s19  }
0x431: {  	s10 =	sor.u32 $0x1A0, s19;
	v4 =	vld [tilespmem:s1+$0xF080]  }
0x432: {  	s18 =	sor.u32 $0x190, s19;
	[tilespmem:s12+$0x17080] =	vst @p2 v0;
	v61 =	vld [tilespmem:s10+$0xF080]  }
0x433: {  	s31 =	sor.u32 $0x1B0, s19;
	v62 =	vld [tilespmem:s18+$0xF080];
	[tilespmem:s16+$0x17080] =	vst @p2 v1  }
0x434: {  	v63 =	vld [tilespmem:s31+$0xF080];
	[tilespmem:s4+$0x17080] =	vst @p2 v2  }
0x435: {  	[tilespmem:s14+$0x17080] =	vst @p2 v3  }
0x436: {  	[tilespmem:s1+$0x17080] =	vst v4  }
0x437: {  	[tilespmem:s10+$0x17080] =	vst v61  }
0x438: {  	[tilespmem:s18+$0x17080] =	vst v62  }
0x439: {  	[tilespmem:s31+$0x17080] =	vst v63  }
.LBB2_120:
0x43a: {  	p2 =	seq.s32 s5, $0x3F  }
.Ltmp80:
0x43b: {  	_ = 	snop;
	(pc) =	sbr.rel @p2 .LBB2_122-.Ltmp80, $3  }
0x43c: {  	_ =	sdelay $0x1  }
0x43d: {  	s1 =	sadd.s32 s11, s17;
	s4 =	simm.s32 $0x17080  }
0x43e: {  	[hbm4b:s1+s20] =	stream.strided.scatter [tilespmem:s4], [sflag:$0x8], $0x2000, s21, s20, $0x38;
	[tilespmem:$0x19080] =	vst v63  }
.Ltmp81:
0x43f: {  	(pc) =	sbr.rel .LBB2_4-.Ltmp81, $4  }
0x440: {  	_ = 	snop  }
0x441: {  	s1 =	rddreg [dreg:$0xe]  }
0x442: {  	s4 =	simm.s32 $0xF080;
	s5 =	sadd.s32 $0x1, s5;
	s1 =	sadd.s32 s11, s1  }
0x443: {  	[tilespmem:s4], [sflag:$0x4] =	stream.strided.gather [hbm4b:s1+s20], $0x2000, s21, s20, $0x38;
	[tilespmem:$0x19080] =	vst v63  }
.LBB2_8:
.Ltmp82:
0x444: {  	(pc) =	sbr.rel .LBB2_11-.Ltmp82, $2  }
0x445: {  	_ =	sdelay $0x2  }
0x446: {  	_ = 	snop  }
.LBB2_14:
.Ltmp83:
0x447: {  	(pc) =	sbr.rel .LBB2_17-.Ltmp83, $2  }
0x448: {  	_ =	sdelay $0x2  }
0x449: {  	_ = 	snop  }
.LBB2_20:
.Ltmp84:
0x44a: {  	(pc) =	sbr.rel .LBB2_23-.Ltmp84, $2  }
0x44b: {  	_ =	sdelay $0x2  }
0x44c: {  	_ = 	snop  }
.LBB2_26:
.Ltmp85:
0x44d: {  	(pc) =	sbr.rel .LBB2_29-.Ltmp85, $2  }
0x44e: {  	_ =	sdelay $0x2  }
0x44f: {  	_ = 	snop  }
.LBB2_38:
.Ltmp86:
0x450: {  	(pc) =	sbr.rel .LBB2_41-.Ltmp86, $2  }
0x451: {  	_ =	sdelay $0x2  }
0x452: {  	_ = 	snop  }
.LBB2_44:
.Ltmp87:
0x453: {  	(pc) =	sbr.rel .LBB2_47-.Ltmp87, $2  }
0x454: {  	_ =	sdelay $0x2  }
0x455: {  	_ = 	snop  }
.LBB2_50:
.Ltmp88:
0x456: {  	(pc) =	sbr.rel .LBB2_53-.Ltmp88, $2  }
0x457: {  	_ =	sdelay $0x2  }
0x458: {  	_ = 	snop  }
.LBB2_56:
.Ltmp89:
0x459: {  	(pc) =	sbr.rel .LBB2_59-.Ltmp89, $2  }
0x45a: {  	_ =	sdelay $0x2  }
0x45b: {  	_ = 	snop  }
.LBB2_68:
.Ltmp90:
0x45c: {  	(pc) =	sbr.rel .LBB2_71-.Ltmp90, $2  }
0x45d: {  	_ =	sdelay $0x2  }
0x45e: {  	_ = 	snop  }
.LBB2_74:
.Ltmp91:
0x45f: {  	(pc) =	sbr.rel .LBB2_77-.Ltmp91, $2  }
0x460: {  	_ =	sdelay $0x2  }
0x461: {  	_ = 	snop  }
.LBB2_80:
.Ltmp92:
0x462: {  	(pc) =	sbr.rel .LBB2_83-.Ltmp92, $2  }
0x463: {  	_ =	sdelay $0x2  }
0x464: {  	_ = 	snop  }
.LBB2_86:
.Ltmp93:
0x465: {  	(pc) =	sbr.rel .LBB2_89-.Ltmp93, $2  }
0x466: {  	_ =	sdelay $0x2  }
0x467: {  	_ = 	snop  }
.LBB2_98:
.Ltmp94:
0x468: {  	(pc) =	sbr.rel .LBB2_101-.Ltmp94, $2  }
0x469: {  	_ =	sdelay $0x2  }
0x46a: {  	_ = 	snop  }
.LBB2_104:
.Ltmp95:
0x46b: {  	(pc) =	sbr.rel .LBB2_107-.Ltmp95, $2  }
0x46c: {  	_ =	sdelay $0x2  }
0x46d: {  	_ = 	snop  }
.LBB2_110:
.Ltmp96:
0x46e: {  	(pc) =	sbr.rel .LBB2_113-.Ltmp96, $2  }
0x46f: {  	_ =	sdelay $0x2  }
0x470: {  	_ = 	snop  }
.LBB2_116:
.Ltmp97:
0x471: {  	(pc) =	sbr.rel .LBB2_119-.Ltmp97, $2  }
0x472: {  	_ =	sdelay $0x2  }
0x473: {  	_ = 	snop  }
.LBB2_123:
0x474: {  	_ =	sfence.sel $0x180000  }
0x475: {  	[bflag:$0x0] =	sbarrier.arrive $0xFFFF  }
0x476: {  	_ =	strace $0x90000047  }
0x477: {  	s0 =	stileid.u32;
	[bflag:$0x2] =	sbarrier.arrive $0xFFFF  }
0x478: {  	p0 =	sne.s32 s0, $0x0;
	s0 =	rddreg [dreg:$0x5]  }
0x479: {  	s0 =	sadd.s32 @!p0 $0x100000, s0  }
0x47a: {  	[sflag:s0] =	ssyncadd.tile.s32 @!p0 $0x1;
	_ =	shalt  }
.Lfunc_end2:
_tile_overlayer_lowered:
.L_overlay_start_2:
0x47b: {  	(tag) =	ssettag $0x2  }
0x47c: {  	s0 =	rddreg [dreg:$0x0];
	s2 =	stileid.u32  }
0x47d: {  	s1 =	rddreg [dreg:$0x1];
	p0 =	sne.s32 s2, $0x0  }
0x47e: {  	s3 =	rddreg [dreg:$0x2];
	[bflag:$0x3] =	sbarrier.arrive $0xFFFF;
	s2 =	simm.s32 @!p0 $0x1C09  }
0x47f: {  	[timem:s3], [sflag:s2] =	dma.local @!p0 [hbm:s0], s1  }
0x480: {  	s0 =	simm.s32 @!p0 $0x9  }
0x481: {  	_ =	swait.ge @!p0 [sflag:s0], s1  }
0x482: {  	s1 =	ssub.s32 @!p0 $0x0, s1;
	[sflag:s0] =	ssyncset.done @!p0 $0x0  }
0x483: {  	[sflag:s0] =	ssyncadd.s32 @!p0 s1  }
0x484: {  	[bflag:$0x3] =	sbarrier.arrive $0xFFFF  }
0x485: {  	_ =	shalt  }

</sc_bundles>
